<compile_context>
chip_gen: v7x
topology: tpu7x:2x2x1
jax: 0.10.2.dev20260603
libtpu: 0.0.44.dev20260713+nightly
codegen_flags: <defaults>
</compile_context>

<pallas_src>
import functools

import numpy as np
import jax
import jax.numpy as jnp
from jax import lax
from jax.experimental import pallas as pl
from jax.experimental.pallas import tpu as pltpu
from jax.experimental.pallas import tpu_sc as plsc

_LANES = 16


def _positional_encoding_np(d_model, length):
    pos = np.arange(length, dtype=np.float32)[:, None]
    div = np.exp(
        np.arange(0, d_model, 2, dtype=np.float32) * (-np.log(10000.0) / d_model)
    )
    pe = np.zeros((length, d_model), dtype=np.float32)
    pe[:, 0::2] = np.sin(pos * div)
    pe[:, 1::2] = np.cos(pos * div)
    return pe


def kernel(x, table):
    B, L = x.shape
    V, D = table.shape

    NC, NS = 2, 16
    NW = NC * NS

    TB = 256
    NTC = TB // 128
    NBB = B // TB
    NU = (L * NBB) // NW
    assert NU * NW == L * NBB
    TRW = (D // 8) * NTC * 8 * 128
    PIECE = NTC * 8 * 128

    xT = x.astype(jnp.int32).T.reshape(L * B)
    pe = jnp.asarray(_positional_encoding_np(D, L))

    mesh = plsc.VectorSubcoreMesh(core_axis_name="c", subcore_axis_name="s")

    @functools.partial(
        pl.kernel,
        mesh=mesh,
        compiler_params=pltpu.CompilerParams(
            use_tc_tiling_on_sc=False, needs_layout_passes=False
        ),
        out_type=jax.ShapeDtypeStruct((L * D * B,), jnp.float32),
        scratch_types=[
            pltpu.VMEM((L, D), jnp.float32),
            pltpu.VMEM((2, TB), jnp.int32),
            pltpu.VMEM((2 * TB, D), jnp.float32),
            pltpu.VMEM((2 * TRW,), jnp.float32),
            pltpu.VMEM((128 * 17,), jnp.float32),
            pltpu.SemaphoreType.DMA((2,)),
            pltpu.SemaphoreType.DMA((2,)),
        ],
    )
    def run(xf_hbm, table_hbm, pe_hbm, out_hbm, pe_v, idx_v, rows_v, tr_v, stage_v, gsem, osem):
        wid = lax.axis_index("s") * NC + lax.axis_index("c")
        pltpu.sync_copy(pe_hbm, pe_v)
        iota = lax.iota(jnp.int32, _LANES)
        iota17 = iota * 17

        def fetch(t):
            u = wid * NU + t
            l = u // NBB
            bb = u % NBB
            s = t % 2
            pltpu.sync_copy(xf_hbm.at[pl.ds(l * B + bb * TB, TB)], idx_v.at[s])
            for k in range(TB // 128):
                pltpu.async_copy(
                    table_hbm.at[idx_v.at[s, pl.ds(k * 128, 128)]],
                    rows_v.at[pl.ds(s * TB + k * 128, 128), pl.ds(0, D)],
                    gsem.at[s],
                )

        fetch(0)

        def unit_body(t, carry):
            u = wid * NU + t
            l = u // NBB
            bb = u % NBB
            s = t % 2

            @pl.when(t + 1 < NU)
            def _():
                fetch(t + 1)

            for k in range(TB // 128):
                pltpu.make_async_copy(
                    table_hbm.at[idx_v.at[s, pl.ds(0, 128)]],
                    rows_v.at[pl.ds(0, 128), pl.ds(0, D)],
                    gsem.at[s],
                ).wait()

            @pl.when(t >= 2)
            def _():
                for _p in range(D // 8):
                    pltpu.make_async_copy(
                        tr_v.at[pl.ds(0, PIECE)],
                        out_hbm.at[pl.ds(0, PIECE)],
                        osem.at[s],
                    ).wait()

            for half in range(TB // 128):
                for q in range(D // _LANES):
                    pe_q = pe_v[l, pl.ds(q * _LANES, _LANES)]
                    rbase = s * TB + half * 128
                    obase0 = s * TRW + 2 * q * PIECE + half * 1024

                    @plsc.parallel_loop(0, 128, unroll=4)
                    def _(j, _pe=pe_q, _rb=rbase, _q=q):
                        v = rows_v[_rb + j, pl.ds(_q * _LANES, _LANES)]
                        stage_v[pl.ds(j * 17, _LANES)] = v + _pe

                    @plsc.parallel_loop(0, 128, unroll=4)
                    def _(i, _ob=obase0):
                        c = i // 8
                        mg = i % 8
                        col = plsc.load_gather(
                            stage_v, [iota17 + (mg * (_LANES * 17) + c)]
                        )
                        off = _ob + (c // 8) * PIECE + (c % 8) * 128 + mg * _LANES
                        tr_v[pl.ds(off, _LANES)] = col

            obase = ((l * (D // 8)) * (B // 128) + bb * NTC) * 1024
            for p in range(D // 8):
                pltpu.async_copy(
                    tr_v.at[pl.ds(s * TRW + p * PIECE, PIECE)],
                    out_hbm.at[pl.ds(obase + p * (B // 128) * 1024, PIECE)],
                    osem.at[s],
                )
            return carry

        lax.fori_loop(0, NU, unit_body, 0)

        for s in range(2):
            if NU >= 2 - s:
                for _p in range(D // 8):
                    pltpu.make_async_copy(
                        tr_v.at[pl.ds(0, PIECE)],
                        out_hbm.at[pl.ds(0, PIECE)],
                        osem.at[s],
                    ).wait()

    out_flat = run(xT, table, pe)
    out5 = out_flat.reshape(L, D // 8, B // 128, 8, 128)
    return out5.transpose(2, 4, 0, 1, 3).reshape(B, L, D)

# --- scband reference (transcript-rebuilt; emitter-appended) ---
"""Pipeline reference for scband-embeddings-63754494542691 (READ-ONLY COPY).

The authoritative reference and input builder live on the scoring server;
editing this copy changes nothing except your own understanding.
"""

import jax, jax.numpy as jnp
import numpy as np

VOCAB = 1000000
D_MODEL = 64
MAX_LENGTH = 5000
BATCH = 4096
SEQ = 200


def _positional_encoding(d_model, max_length):
    pos = np.arange(max_length, dtype=np.float32)[:, None]
    div = np.exp(np.arange(0, d_model, 2, dtype=np.float32) * (-np.log(10000.0) / d_model))
    pe = np.zeros((max_length, d_model), dtype=np.float32)
    pe[:, 0::2] = np.sin(pos * div)
    pe[:, 1::2] = np.cos(pos * div)
    return jnp.asarray(pe)


def setup_inputs(seed: int = 0) -> dict:
    key = jax.random.key(seed)
    k1, k2 = jax.random.split(key)
    x = jax.random.randint(k1, (BATCH, SEQ), 0, VOCAB)
    table = jax.random.normal(k2, (VOCAB, D_MODEL), dtype=jnp.float32) * 0.02
    return {"x": x, "table": table}


def reference(x, table):
    # token embedding lookup (gather)
    emb = jnp.take(table, x, axis=0)  # [B, L, d_model]
    # sinusoidal positional encoding added to embeddings
    pe = _positional_encoding(table.shape[1], MAX_LENGTH)
    out = emb + pe[: x.shape[1]][None, :, :]
    return out

if __name__ == "__main__":
    import jax
    _d = setup_inputs()
    print(jax.jit(kernel)(*tuple(_d.values())))

</pallas_src>

<mosaic_0001>
#map = affine_map<(d0, d1) -> (0)>
#map1 = affine_map<(d0, d1) -> (0, 0)>
module attributes {stable_mosaic.version = 14 : i64} {
  func.func @run(%arg0: i32, %arg1: i32, %arg2: memref<819200xi32, #tpu.memory_space<hbm>>, %arg3: memref<1000000x64xf32, #tpu.memory_space<hbm>>, %arg4: memref<200x64xf32, #tpu.memory_space<hbm>>, %arg5: memref<52428800xf32, #tpu.memory_space<hbm>>, %arg6: memref<200x64xf32, #tpu.memory_space<vmem>>, %arg7: memref<2x256xi32, #tpu.memory_space<vmem>>, %arg8: memref<512x64xf32, #tpu.memory_space<vmem>>, %arg9: memref<32768xf32, #tpu.memory_space<vmem>>, %arg10: memref<2176xf32, #tpu.memory_space<vmem>>, %arg11: memref<2x!tpu.dma_semaphore, #tpu.memory_space<semaphore_mem>>, %arg12: memref<2x!tpu.dma_semaphore, #tpu.memory_space<semaphore_mem>>) attributes {dimension_semantics = [#tpu.dimension_semantics<core_parallel>, #tpu.dimension_semantics<subcore_parallel>], iteration_bounds = array<i64: 2, 16>, scalar_prefetch = 0 : i64, scratch_operands = 7 : i64, tpu.core_type = #tpu.core_type<sc_vector_subcore>, window_params = [{transform_indices = #map}, {transform_indices = #map1}, {transform_indices = #map1}, {transform_indices = #map}]} {
    %mul3A = arith.constant 2 : i32
    %mul3A_0 = arith.muli %arg1, %mul3A : i32
    %add3A = arith.addi %mul3A_0, %arg0 : i32
    "tpu.region"() ({
      %run_scoped3A_248 = tpu.sem_alloc : memref<!tpu.dma_semaphore, #tpu.memory_space<semaphore_mem>>
      tpu.enqueue_dma source(%arg4 : memref<200x64xf32, #tpu.memory_space<hbm>>) target(%arg6 : memref<200x64xf32, #tpu.memory_space<vmem>>) target_semaphore(%run_scoped3A_248 : memref<!tpu.dma_semaphore, #tpu.memory_space<semaphore_mem>>)
      tpu.wait_dma2 semaphore(%run_scoped3A_248 : memref<!tpu.dma_semaphore, #tpu.memory_space<semaphore_mem>>) src(%arg4 : memref<200x64xf32, #tpu.memory_space<hbm>>) dst(%arg6 : memref<200x64xf32, #tpu.memory_space<vmem>>)
      tpu.yield
    }) : () -> ()
    %iota3A = tpu.iota {dimensions = array<i32: 0>} : vector<16xi32>
    %mul3A_1 = arith.constant 17 : i32
    %mul3A_2 = vector.broadcast %mul3A_1 : i32 to vector<16xi32>
    %mul3A_3 = arith.muli %iota3A, %mul3A_2 : vector<16xi32>
    %mul3A_4 = arith.constant 100 : i32
    %mul3A_5 = arith.muli %add3A, %mul3A_4 : i32
    %add3A_6 = arith.constant 0 : i32
    %add3A_7 = arith.addi %mul3A_5, %add3A_6 : i32
    %jit3A = arith.constant 16 : i32
    %div3A = arith.divsi %add3A_7, %jit3A : i32
    %sign3A = arith.constant 0 : i32
    %sign3A_8 = arith.cmpi sgt, %add3A_7, %sign3A : i32
    %sign3A_9 = arith.extui %sign3A_8 : i1 to i32
    %sign3A_10 = arith.constant 0 : i32
    %sign3A_11 = arith.cmpi slt, %add3A_7, %sign3A_10 : i32
    %sign3A_12 = arith.extui %sign3A_11 : i1 to i32
    %sign3A_13 = arith.subi %sign3A_9, %sign3A_12 : i32
    %sign3A_14 = arith.constant 0 : i32
    %sign3A_15 = arith.cmpi sgt, %jit3A, %sign3A_14 : i32
    %sign3A_16 = arith.extui %sign3A_15 : i1 to i32
    %sign3A_17 = arith.constant 0 : i32
    %sign3A_18 = arith.cmpi slt, %jit3A, %sign3A_17 : i32
    %sign3A_19 = arith.extui %sign3A_18 : i1 to i32
    %sign3A_20 = arith.subi %sign3A_16, %sign3A_19 : i32
    %ne3A = arith.cmpi ne, %sign3A_13, %sign3A_20 : i32
    %rem3A = arith.remsi %add3A_7, %jit3A : i32
    %ne3A_21 = arith.constant 0 : i32
    %ne3A_22 = arith.cmpi ne, %rem3A, %ne3A_21 : i32
    %and3A = arith.andi %ne3A, %ne3A_22 : i1
    %sub3A = arith.constant 1 : i32
    %sub3A_23 = arith.subi %div3A, %sub3A : i32
    %select_n3A = arith.select %and3A, %sub3A_23, %div3A : i32
    %jit3A_24 = arith.constant 16 : i32
    %eq3A = arith.constant 0 : i32
    %eq3A_25 = arith.cmpi eq, %jit3A_24, %eq3A : i32
    %jit3A_26 = arith.constant 1 : i32
    %select_n3A_27 = arith.select %eq3A_25, %jit3A_26, %jit3A_24 : i32
    %rem3A_28 = arith.remsi %add3A_7, %select_n3A_27 : i32
    %ne3A_29 = arith.constant 0 : i32
    %ne3A_30 = arith.cmpi ne, %rem3A_28, %ne3A_29 : i32
    %lt3A = arith.constant 0 : i32
    %lt3A_31 = arith.cmpi slt, %rem3A_28, %lt3A : i32
    %lt3A_32 = arith.constant 0 : i32
    %lt3A_33 = arith.cmpi slt, %select_n3A_27, %lt3A_32 : i32
    %ne3A_34 = arith.xori %lt3A_31, %lt3A_33 : i1
    %and3A_35 = arith.andi %ne3A_34, %ne3A_30 : i1
    %add3A_36 = arith.addi %rem3A_28, %select_n3A_27 : i32
    %select_n3A_37 = arith.select %and3A_35, %add3A_36, %rem3A_28 : i32
    %mul3A_38 = arith.constant 4096 : i32
    %mul3A_39 = arith.muli %select_n3A, %mul3A_38 : i32
    %mul3A_40 = arith.constant 256 : i32
    %mul3A_41 = arith.muli %select_n3A_37, %mul3A_40 : i32
    %add3A_42 = arith.addi %mul3A_39, %mul3A_41 : i32
    %run_scoped3A = arith.constant 0 : i32
    "tpu.region"() ({
      %run_scoped3A_248 = tpu.sem_alloc : memref<!tpu.dma_semaphore, #tpu.memory_space<semaphore_mem>>
      %dma_start3A_249 = arith.constant 0 : i32
      %dma_start3A_250 = tpu.memref_slice %arg7[%run_scoped3A, %dma_start3A_249] : memref<2x256xi32, #tpu.memory_space<vmem>> -> memref<1x256xi32, #tpu.memory_space<vmem>>
      %dma_start3A_251 = tpu.memref_squeeze %dma_start3A_250 : memref<1x256xi32, #tpu.memory_space<vmem>> -> memref<256xi32, #tpu.memory_space<vmem>>
      %dma_start3A_252 = tpu.memref_slice %arg2[%add3A_42] : memref<819200xi32, #tpu.memory_space<hbm>> -> memref<256xi32, #tpu.memory_space<hbm>>
      %dma_start3A_253 = arith.constant 0 : i32
      %dma_start3A_254 = tpu.memref_slice %arg7[%run_scoped3A, %dma_start3A_253] : memref<2x256xi32, #tpu.memory_space<vmem>> -> memref<1x256xi32, #tpu.memory_space<vmem>>
      %dma_start3A_255 = tpu.memref_squeeze %dma_start3A_254 : memref<1x256xi32, #tpu.memory_space<vmem>> -> memref<256xi32, #tpu.memory_space<vmem>>
      %dma_start3A_256 = tpu.memref_slice %arg2[%add3A_42] : memref<819200xi32, #tpu.memory_space<hbm>> -> memref<256xi32, #tpu.memory_space<hbm>>
      tpu.enqueue_dma source(%dma_start3A_256 : memref<256xi32, #tpu.memory_space<hbm>>) target(%dma_start3A_255 : memref<256xi32, #tpu.memory_space<vmem>>) target_semaphore(%run_scoped3A_248 : memref<!tpu.dma_semaphore, #tpu.memory_space<semaphore_mem>>)
      %dma_wait3A_257 = arith.constant 0 : i32
      %dma_wait3A_258 = tpu.memref_slice %arg7[%run_scoped3A, %dma_wait3A_257] : memref<2x256xi32, #tpu.memory_space<vmem>> -> memref<1x256xi32, #tpu.memory_space<vmem>>
      %dma_wait3A_259 = tpu.memref_squeeze %dma_wait3A_258 : memref<1x256xi32, #tpu.memory_space<vmem>> -> memref<256xi32, #tpu.memory_space<vmem>>
      %dma_wait3A_260 = tpu.memref_slice %arg2[%add3A_42] : memref<819200xi32, #tpu.memory_space<hbm>> -> memref<256xi32, #tpu.memory_space<hbm>>
      %dma_wait3A_261 = arith.constant 0 : i32
      %dma_wait3A_262 = tpu.memref_slice %arg7[%run_scoped3A, %dma_wait3A_261] : memref<2x256xi32, #tpu.memory_space<vmem>> -> memref<1x256xi32, #tpu.memory_space<vmem>>
      %dma_wait3A_263 = tpu.memref_squeeze %dma_wait3A_262 : memref<1x256xi32, #tpu.memory_space<vmem>> -> memref<256xi32, #tpu.memory_space<vmem>>
      %dma_wait3A_264 = tpu.memref_slice %arg2[%add3A_42] : memref<819200xi32, #tpu.memory_space<hbm>> -> memref<256xi32, #tpu.memory_space<hbm>>
      tpu.wait_dma2 semaphore(%run_scoped3A_248 : memref<!tpu.dma_semaphore, #tpu.memory_space<semaphore_mem>>) src(%dma_wait3A_264 : memref<256xi32, #tpu.memory_space<hbm>>) dst(%dma_wait3A_263 : memref<256xi32, #tpu.memory_space<vmem>>)
      tpu.yield
    }) : () -> ()
    %dma_start3A = arith.constant 0 : i32
    %dma_start3A_43 = arith.constant 0 : i32
    %dma_start3A_44 = arith.constant 0 : i32
    %dma_start3A_45 = arith.constant 0 : i32
    %dma_start3A_46 = tpu.memref_slice %arg8[%dma_start3A_44, %dma_start3A_45] : memref<512x64xf32, #tpu.memory_space<vmem>> -> memref<128x64xf32, #tpu.memory_space<vmem>>
    %dma_start3A_47 = arith.constant 0 : i32
    %dma_start3A_48 = tpu.memref_slice %arg7[%dma_start3A, %dma_start3A_47] : memref<2x256xi32, #tpu.memory_space<vmem>> -> memref<1x128xi32, #tpu.memory_space<vmem>>
    %dma_start3A_49 = tpu.memref_squeeze %dma_start3A_48 : memref<1x128xi32, #tpu.memory_space<vmem>> -> memref<128xi32, #tpu.memory_space<vmem>>
    %dma_start3A_50 = arith.constant 0 : i32
    %dma_start3A_51 = arith.constant 0 : i32
    %dma_start3A_52 = tpu.memref_slice %arg3[%dma_start3A_50, %dma_start3A_51] : memref<1000000x64xf32, #tpu.memory_space<hbm>> -> memref<1000000x64xf32, #tpu.memory_space<hbm>>
    %dma_start3A_53 = tpu.memref_slice %arg11[%dma_start3A_43] : memref<2x!tpu.dma_semaphore, #tpu.memory_space<semaphore_mem>> -> memref<1x!tpu.dma_semaphore, #tpu.memory_space<semaphore_mem>>
    %dma_start3A_54 = tpu.memref_squeeze %dma_start3A_53 : memref<1x!tpu.dma_semaphore, #tpu.memory_space<semaphore_mem>> -> memref<!tpu.dma_semaphore, #tpu.memory_space<semaphore_mem>>
    tpu.enqueue_indirect_dma source(%dma_start3A_52 : memref<1000000x64xf32, #tpu.memory_space<hbm>>) target(%dma_start3A_46 : memref<128x64xf32, #tpu.memory_space<vmem>>) offsets(%dma_start3A_49 : memref<128xi32, #tpu.memory_space<vmem>>) semaphore(%dma_start3A_54 : memref<!tpu.dma_semaphore, #tpu.memory_space<semaphore_mem>>)
    %dma_start3A_55 = arith.constant 0 : i32
    %dma_start3A_56 = arith.constant 0 : i32
    %dma_start3A_57 = arith.constant 128 : i32
    %dma_start3A_58 = arith.constant 0 : i32
    %dma_start3A_59 = tpu.memref_slice %arg8[%dma_start3A_57, %dma_start3A_58] : memref<512x64xf32, #tpu.memory_space<vmem>> -> memref<128x64xf32, #tpu.memory_space<vmem>>
    %dma_start3A_60 = arith.constant 128 : i32
    %dma_start3A_61 = tpu.memref_slice %arg7[%dma_start3A_55, %dma_start3A_60] : memref<2x256xi32, #tpu.memory_space<vmem>> -> memref<1x128xi32, #tpu.memory_space<vmem>>
    %dma_start3A_62 = tpu.memref_squeeze %dma_start3A_61 : memref<1x128xi32, #tpu.memory_space<vmem>> -> memref<128xi32, #tpu.memory_space<vmem>>
    %dma_start3A_63 = arith.constant 0 : i32
    %dma_start3A_64 = arith.constant 0 : i32
    %dma_start3A_65 = tpu.memref_slice %arg3[%dma_start3A_63, %dma_start3A_64] : memref<1000000x64xf32, #tpu.memory_space<hbm>> -> memref<1000000x64xf32, #tpu.memory_space<hbm>>
    %dma_start3A_66 = tpu.memref_slice %arg11[%dma_start3A_56] : memref<2x!tpu.dma_semaphore, #tpu.memory_space<semaphore_mem>> -> memref<1x!tpu.dma_semaphore, #tpu.memory_space<semaphore_mem>>
    %dma_start3A_67 = tpu.memref_squeeze %dma_start3A_66 : memref<1x!tpu.dma_semaphore, #tpu.memory_space<semaphore_mem>> -> memref<!tpu.dma_semaphore, #tpu.memory_space<semaphore_mem>>
    tpu.enqueue_indirect_dma source(%dma_start3A_65 : memref<1000000x64xf32, #tpu.memory_space<hbm>>) target(%dma_start3A_59 : memref<128x64xf32, #tpu.memory_space<vmem>>) offsets(%dma_start3A_62 : memref<128xi32, #tpu.memory_space<vmem>>) semaphore(%dma_start3A_67 : memref<!tpu.dma_semaphore, #tpu.memory_space<semaphore_mem>>)
    %scan3A = arith.constant 0 : i32
    %scan3A_68 = arith.constant 0 : i32
    %scan3A_69 = arith.constant 100 : i32
    %scan3A_70 = arith.addi %scan3A_68, %scan3A_69 : i32
    %scan3A_71 = arith.constant 1 : i32
    scf.for %scan3A_248 = %scan3A_68 to %scan3A_70 step %scan3A_71  : i32 {
      %mul3A_249 = arith.constant 100 : i32
      %mul3A_250 = arith.muli %add3A, %mul3A_249 : i32
      %add3A_251 = arith.addi %mul3A_250, %scan3A_248 : i32
      %jit3A_252 = arith.constant 16 : i32
      %div3A_253 = arith.divsi %add3A_251, %jit3A_252 : i32
      %sign3A_254 = arith.constant 0 : i32
      %sign3A_255 = arith.cmpi sgt, %add3A_251, %sign3A_254 : i32
      %sign3A_256 = arith.extui %sign3A_255 : i1 to i32
      %sign3A_257 = arith.constant 0 : i32
      %sign3A_258 = arith.cmpi slt, %add3A_251, %sign3A_257 : i32
      %sign3A_259 = arith.extui %sign3A_258 : i1 to i32
      %sign3A_260 = arith.subi %sign3A_256, %sign3A_259 : i32
      %sign3A_261 = arith.constant 0 : i32
      %sign3A_262 = arith.cmpi sgt, %jit3A_252, %sign3A_261 : i32
      %sign3A_263 = arith.extui %sign3A_262 : i1 to i32
      %sign3A_264 = arith.constant 0 : i32
      %sign3A_265 = arith.cmpi slt, %jit3A_252, %sign3A_264 : i32
      %sign3A_266 = arith.extui %sign3A_265 : i1 to i32
      %sign3A_267 = arith.subi %sign3A_263, %sign3A_266 : i32
      %ne3A_268 = arith.cmpi ne, %sign3A_260, %sign3A_267 : i32
      %rem3A_269 = arith.remsi %add3A_251, %jit3A_252 : i32
      %ne3A_270 = arith.constant 0 : i32
      %ne3A_271 = arith.cmpi ne, %rem3A_269, %ne3A_270 : i32
      %and3A_272 = arith.andi %ne3A_268, %ne3A_271 : i1
      %sub3A_273 = arith.constant 1 : i32
      %sub3A_274 = arith.subi %div3A_253, %sub3A_273 : i32
      %select_n3A_275 = arith.select %and3A_272, %sub3A_274, %div3A_253 : i32
      %jit3A_276 = arith.constant 16 : i32
      %eq3A_277 = arith.constant 0 : i32
      %eq3A_278 = arith.cmpi eq, %jit3A_276, %eq3A_277 : i32
      %jit3A_279 = arith.constant 1 : i32
      %select_n3A_280 = arith.select %eq3A_278, %jit3A_279, %jit3A_276 : i32
      %rem3A_281 = arith.remsi %add3A_251, %select_n3A_280 : i32
      %ne3A_282 = arith.constant 0 : i32
      %ne3A_283 = arith.cmpi ne, %rem3A_281, %ne3A_282 : i32
      %lt3A_284 = arith.constant 0 : i32
      %lt3A_285 = arith.cmpi slt, %rem3A_281, %lt3A_284 : i32
      %lt3A_286 = arith.constant 0 : i32
      %lt3A_287 = arith.cmpi slt, %select_n3A_280, %lt3A_286 : i32
      %ne3A_288 = arith.xori %lt3A_285, %lt3A_287 : i1
      %and3A_289 = arith.andi %ne3A_288, %ne3A_283 : i1
      %add3A_290 = arith.addi %rem3A_281, %select_n3A_280 : i32
      %select_n3A_291 = arith.select %and3A_289, %add3A_290, %rem3A_281 : i32
      %jit3A_292 = arith.constant 2 : i32
      %eq3A_293 = arith.constant 0 : i32
      %eq3A_294 = arith.cmpi eq, %jit3A_292, %eq3A_293 : i32
      %jit3A_295 = arith.constant 1 : i32
      %select_n3A_296 = arith.select %eq3A_294, %jit3A_295, %jit3A_292 : i32
      %rem3A_297 = arith.remsi %scan3A_248, %select_n3A_296 : i32
      %ne3A_298 = arith.constant 0 : i32
      %ne3A_299 = arith.cmpi ne, %rem3A_297, %ne3A_298 : i32
      %lt3A_300 = arith.constant 0 : i32
      %lt3A_301 = arith.cmpi slt, %rem3A_297, %lt3A_300 : i32
      %lt3A_302 = arith.constant 0 : i32
      %lt3A_303 = arith.cmpi slt, %select_n3A_296, %lt3A_302 : i32
      %ne3A_304 = arith.xori %lt3A_301, %lt3A_303 : i1
      %and3A_305 = arith.andi %ne3A_304, %ne3A_299 : i1
      %add3A_306 = arith.addi %rem3A_297, %select_n3A_296 : i32
      %select_n3A_307 = arith.select %and3A_305, %add3A_306, %rem3A_297 : i32
      %add3A_308 = arith.constant 1 : i32
      %add3A_309 = arith.addi %scan3A_248, %add3A_308 : i32
      %lt3A_310 = arith.constant 100 : i32
      %lt3A_311 = arith.cmpi slt, %add3A_309, %lt3A_310 : i32
      %convert_element_type3A = arith.extui %lt3A_311 : i1 to i32
      %cond3A = arith.constant 0 : i32
      %cond3A_312 = arith.cmpi ne, %convert_element_type3A, %cond3A : i32
      scf.if %cond3A_312 {
        %add3A_594 = arith.constant 1 : i32
        %add3A_595 = arith.addi %scan3A_248, %add3A_594 : i32
        %mul3A_596 = arith.constant 100 : i32
        %mul3A_597 = arith.muli %add3A, %mul3A_596 : i32
        %add3A_598 = arith.addi %mul3A_597, %add3A_595 : i32
        %jit3A_599 = arith.constant 16 : i32
        %div3A_600 = arith.divsi %add3A_598, %jit3A_599 : i32
        %sign3A_601 = arith.constant 0 : i32
        %sign3A_602 = arith.cmpi sgt, %add3A_598, %sign3A_601 : i32
        %sign3A_603 = arith.extui %sign3A_602 : i1 to i32
        %sign3A_604 = arith.constant 0 : i32
        %sign3A_605 = arith.cmpi slt, %add3A_598, %sign3A_604 : i32
        %sign3A_606 = arith.extui %sign3A_605 : i1 to i32
        %sign3A_607 = arith.subi %sign3A_603, %sign3A_606 : i32
        %sign3A_608 = arith.constant 0 : i32
        %sign3A_609 = arith.cmpi sgt, %jit3A_599, %sign3A_608 : i32
        %sign3A_610 = arith.extui %sign3A_609 : i1 to i32
        %sign3A_611 = arith.constant 0 : i32
        %sign3A_612 = arith.cmpi slt, %jit3A_599, %sign3A_611 : i32
        %sign3A_613 = arith.extui %sign3A_612 : i1 to i32
        %sign3A_614 = arith.subi %sign3A_610, %sign3A_613 : i32
        %ne3A_615 = arith.cmpi ne, %sign3A_607, %sign3A_614 : i32
        %rem3A_616 = arith.remsi %add3A_598, %jit3A_599 : i32
        %ne3A_617 = arith.constant 0 : i32
        %ne3A_618 = arith.cmpi ne, %rem3A_616, %ne3A_617 : i32
        %and3A_619 = arith.andi %ne3A_615, %ne3A_618 : i1
        %sub3A_620 = arith.constant 1 : i32
        %sub3A_621 = arith.subi %div3A_600, %sub3A_620 : i32
        %select_n3A_622 = arith.select %and3A_619, %sub3A_621, %div3A_600 : i32
        %jit3A_623 = arith.constant 16 : i32
        %eq3A_624 = arith.constant 0 : i32
        %eq3A_625 = arith.cmpi eq, %jit3A_623, %eq3A_624 : i32
        %jit3A_626 = arith.constant 1 : i32
        %select_n3A_627 = arith.select %eq3A_625, %jit3A_626, %jit3A_623 : i32
        %rem3A_628 = arith.remsi %add3A_598, %select_n3A_627 : i32
        %ne3A_629 = arith.constant 0 : i32
        %ne3A_630 = arith.cmpi ne, %rem3A_628, %ne3A_629 : i32
        %lt3A_631 = arith.constant 0 : i32
        %lt3A_632 = arith.cmpi slt, %rem3A_628, %lt3A_631 : i32
        %lt3A_633 = arith.constant 0 : i32
        %lt3A_634 = arith.cmpi slt, %select_n3A_627, %lt3A_633 : i32
        %ne3A_635 = arith.xori %lt3A_632, %lt3A_634 : i1
        %and3A_636 = arith.andi %ne3A_635, %ne3A_630 : i1
        %add3A_637 = arith.addi %rem3A_628, %select_n3A_627 : i32
        %select_n3A_638 = arith.select %and3A_636, %add3A_637, %rem3A_628 : i32
        %jit3A_639 = arith.constant 2 : i32
        %eq3A_640 = arith.constant 0 : i32
        %eq3A_641 = arith.cmpi eq, %jit3A_639, %eq3A_640 : i32
        %jit3A_642 = arith.constant 1 : i32
        %select_n3A_643 = arith.select %eq3A_641, %jit3A_642, %jit3A_639 : i32
        %rem3A_644 = arith.remsi %add3A_595, %select_n3A_643 : i32
        %ne3A_645 = arith.constant 0 : i32
        %ne3A_646 = arith.cmpi ne, %rem3A_644, %ne3A_645 : i32
        %lt3A_647 = arith.constant 0 : i32
        %lt3A_648 = arith.cmpi slt, %rem3A_644, %lt3A_647 : i32
        %lt3A_649 = arith.constant 0 : i32
        %lt3A_650 = arith.cmpi slt, %select_n3A_643, %lt3A_649 : i32
        %ne3A_651 = arith.xori %lt3A_648, %lt3A_650 : i1
        %and3A_652 = arith.andi %ne3A_651, %ne3A_646 : i1
        %add3A_653 = arith.addi %rem3A_644, %select_n3A_643 : i32
        %select_n3A_654 = arith.select %and3A_652, %add3A_653, %rem3A_644 : i32
        %mul3A_655 = arith.constant 4096 : i32
        %mul3A_656 = arith.muli %select_n3A_622, %mul3A_655 : i32
        %mul3A_657 = arith.constant 256 : i32
        %mul3A_658 = arith.muli %select_n3A_638, %mul3A_657 : i32
        %add3A_659 = arith.addi %mul3A_656, %mul3A_658 : i32
        "tpu.region"() ({
          %run_scoped3A_688 = tpu.sem_alloc : memref<!tpu.dma_semaphore, #tpu.memory_space<semaphore_mem>>
          %dma_start3A_689 = arith.constant 0 : i32
          %dma_start3A_690 = tpu.memref_slice %arg7[%select_n3A_654, %dma_start3A_689] : memref<2x256xi32, #tpu.memory_space<vmem>> -> memref<1x256xi32, #tpu.memory_space<vmem>>
          %dma_start3A_691 = tpu.memref_squeeze %dma_start3A_690 : memref<1x256xi32, #tpu.memory_space<vmem>> -> memref<256xi32, #tpu.memory_space<vmem>>
          %dma_start3A_692 = tpu.memref_slice %arg2[%add3A_659] : memref<819200xi32, #tpu.memory_space<hbm>> -> memref<256xi32, #tpu.memory_space<hbm>>
          %dma_start3A_693 = arith.constant 0 : i32
          %dma_start3A_694 = tpu.memref_slice %arg7[%select_n3A_654, %dma_start3A_693] : memref<2x256xi32, #tpu.memory_space<vmem>> -> memref<1x256xi32, #tpu.memory_space<vmem>>
          %dma_start3A_695 = tpu.memref_squeeze %dma_start3A_694 : memref<1x256xi32, #tpu.memory_space<vmem>> -> memref<256xi32, #tpu.memory_space<vmem>>
          %dma_start3A_696 = tpu.memref_slice %arg2[%add3A_659] : memref<819200xi32, #tpu.memory_space<hbm>> -> memref<256xi32, #tpu.memory_space<hbm>>
          tpu.enqueue_dma source(%dma_start3A_696 : memref<256xi32, #tpu.memory_space<hbm>>) target(%dma_start3A_695 : memref<256xi32, #tpu.memory_space<vmem>>) target_semaphore(%run_scoped3A_688 : memref<!tpu.dma_semaphore, #tpu.memory_space<semaphore_mem>>)
          %dma_wait3A_697 = arith.constant 0 : i32
          %dma_wait3A_698 = tpu.memref_slice %arg7[%select_n3A_654, %dma_wait3A_697] : memref<2x256xi32, #tpu.memory_space<vmem>> -> memref<1x256xi32, #tpu.memory_space<vmem>>
          %dma_wait3A_699 = tpu.memref_squeeze %dma_wait3A_698 : memref<1x256xi32, #tpu.memory_space<vmem>> -> memref<256xi32, #tpu.memory_space<vmem>>
          %dma_wait3A_700 = tpu.memref_slice %arg2[%add3A_659] : memref<819200xi32, #tpu.memory_space<hbm>> -> memref<256xi32, #tpu.memory_space<hbm>>
          %dma_wait3A_701 = arith.constant 0 : i32
          %dma_wait3A_702 = tpu.memref_slice %arg7[%select_n3A_654, %dma_wait3A_701] : memref<2x256xi32, #tpu.memory_space<vmem>> -> memref<1x256xi32, #tpu.memory_space<vmem>>
          %dma_wait3A_703 = tpu.memref_squeeze %dma_wait3A_702 : memref<1x256xi32, #tpu.memory_space<vmem>> -> memref<256xi32, #tpu.memory_space<vmem>>
          %dma_wait3A_704 = tpu.memref_slice %arg2[%add3A_659] : memref<819200xi32, #tpu.memory_space<hbm>> -> memref<256xi32, #tpu.memory_space<hbm>>
          tpu.wait_dma2 semaphore(%run_scoped3A_688 : memref<!tpu.dma_semaphore, #tpu.memory_space<semaphore_mem>>) src(%dma_wait3A_704 : memref<256xi32, #tpu.memory_space<hbm>>) dst(%dma_wait3A_703 : memref<256xi32, #tpu.memory_space<vmem>>)
          tpu.yield
        }) : () -> ()
        %mul3A_660 = arith.constant 256 : i32
        %mul3A_661 = arith.muli %select_n3A_654, %mul3A_660 : i32
        %add3A_662 = arith.constant 0 : i32
        %add3A_663 = arith.addi %mul3A_661, %add3A_662 : i32
        %dma_start3A_664 = arith.constant 0 : i32
        %dma_start3A_665 = tpu.memref_slice %arg8[%add3A_663, %dma_start3A_664] : memref<512x64xf32, #tpu.memory_space<vmem>> -> memref<128x64xf32, #tpu.memory_space<vmem>>
        %dma_start3A_666 = arith.constant 0 : i32
        %dma_start3A_667 = tpu.memref_slice %arg7[%select_n3A_654, %dma_start3A_666] : memref<2x256xi32, #tpu.memory_space<vmem>> -> memref<1x128xi32, #tpu.memory_space<vmem>>
        %dma_start3A_668 = tpu.memref_squeeze %dma_start3A_667 : memref<1x128xi32, #tpu.memory_space<vmem>> -> memref<128xi32, #tpu.memory_space<vmem>>
        %dma_start3A_669 = arith.constant 0 : i32
        %dma_start3A_670 = arith.constant 0 : i32
        %dma_start3A_671 = tpu.memref_slice %arg3[%dma_start3A_669, %dma_start3A_670] : memref<1000000x64xf32, #tpu.memory_space<hbm>> -> memref<1000000x64xf32, #tpu.memory_space<hbm>>
        %dma_start3A_672 = tpu.memref_slice %arg11[%select_n3A_654] : memref<2x!tpu.dma_semaphore, #tpu.memory_space<semaphore_mem>> -> memref<1x!tpu.dma_semaphore, #tpu.memory_space<semaphore_mem>>
        %dma_start3A_673 = tpu.memref_squeeze %dma_start3A_672 : memref<1x!tpu.dma_semaphore, #tpu.memory_space<semaphore_mem>> -> memref<!tpu.dma_semaphore, #tpu.memory_space<semaphore_mem>>
        tpu.enqueue_indirect_dma source(%dma_start3A_671 : memref<1000000x64xf32, #tpu.memory_space<hbm>>) target(%dma_start3A_665 : memref<128x64xf32, #tpu.memory_space<vmem>>) offsets(%dma_start3A_668 : memref<128xi32, #tpu.memory_space<vmem>>) semaphore(%dma_start3A_673 : memref<!tpu.dma_semaphore, #tpu.memory_space<semaphore_mem>>)
        %mul3A_674 = arith.constant 256 : i32
        %mul3A_675 = arith.muli %select_n3A_654, %mul3A_674 : i32
        %add3A_676 = arith.constant 128 : i32
        %add3A_677 = arith.addi %mul3A_675, %add3A_676 : i32
        %dma_start3A_678 = arith.constant 0 : i32
        %dma_start3A_679 = tpu.memref_slice %arg8[%add3A_677, %dma_start3A_678] : memref<512x64xf32, #tpu.memory_space<vmem>> -> memref<128x64xf32, #tpu.memory_space<vmem>>
        %dma_start3A_680 = arith.constant 128 : i32
        %dma_start3A_681 = tpu.memref_slice %arg7[%select_n3A_654, %dma_start3A_680] : memref<2x256xi32, #tpu.memory_space<vmem>> -> memref<1x128xi32, #tpu.memory_space<vmem>>
        %dma_start3A_682 = tpu.memref_squeeze %dma_start3A_681 : memref<1x128xi32, #tpu.memory_space<vmem>> -> memref<128xi32, #tpu.memory_space<vmem>>
        %dma_start3A_683 = arith.constant 0 : i32
        %dma_start3A_684 = arith.constant 0 : i32
        %dma_start3A_685 = tpu.memref_slice %arg3[%dma_start3A_683, %dma_start3A_684] : memref<1000000x64xf32, #tpu.memory_space<hbm>> -> memref<1000000x64xf32, #tpu.memory_space<hbm>>
        %dma_start3A_686 = tpu.memref_slice %arg11[%select_n3A_654] : memref<2x!tpu.dma_semaphore, #tpu.memory_space<semaphore_mem>> -> memref<1x!tpu.dma_semaphore, #tpu.memory_space<semaphore_mem>>
        %dma_start3A_687 = tpu.memref_squeeze %dma_start3A_686 : memref<1x!tpu.dma_semaphore, #tpu.memory_space<semaphore_mem>> -> memref<!tpu.dma_semaphore, #tpu.memory_space<semaphore_mem>>
        tpu.enqueue_indirect_dma source(%dma_start3A_685 : memref<1000000x64xf32, #tpu.memory_space<hbm>>) target(%dma_start3A_679 : memref<128x64xf32, #tpu.memory_space<vmem>>) offsets(%dma_start3A_682 : memref<128xi32, #tpu.memory_space<vmem>>) semaphore(%dma_start3A_687 : memref<!tpu.dma_semaphore, #tpu.memory_space<semaphore_mem>>)
      } else {
      }
      %dma_wait3A_313 = arith.constant 0 : i32
      %dma_wait3A_314 = arith.constant 0 : i32
      %dma_wait3A_315 = tpu.memref_slice %arg8[%dma_wait3A_313, %dma_wait3A_314] : memref<512x64xf32, #tpu.memory_space<vmem>> -> memref<128x64xf32, #tpu.memory_space<vmem>>
      %dma_wait3A_316 = arith.constant 0 : i32
      %dma_wait3A_317 = tpu.memref_slice %arg7[%select_n3A_307, %dma_wait3A_316] : memref<2x256xi32, #tpu.memory_space<vmem>> -> memref<1x128xi32, #tpu.memory_space<vmem>>
      %dma_wait3A_318 = tpu.memref_squeeze %dma_wait3A_317 : memref<1x128xi32, #tpu.memory_space<vmem>> -> memref<128xi32, #tpu.memory_space<vmem>>
      %dma_wait3A_319 = arith.constant 0 : i32
      %dma_wait3A_320 = arith.constant 0 : i32
      %dma_wait3A_321 = tpu.memref_slice %arg3[%dma_wait3A_319, %dma_wait3A_320] : memref<1000000x64xf32, #tpu.memory_space<hbm>> -> memref<1000000x64xf32, #tpu.memory_space<hbm>>
      %dma_wait3A_322 = tpu.memref_slice %arg11[%select_n3A_307] : memref<2x!tpu.dma_semaphore, #tpu.memory_space<semaphore_mem>> -> memref<1x!tpu.dma_semaphore, #tpu.memory_space<semaphore_mem>>
      %dma_wait3A_323 = tpu.memref_squeeze %dma_wait3A_322 : memref<1x!tpu.dma_semaphore, #tpu.memory_space<semaphore_mem>> -> memref<!tpu.dma_semaphore, #tpu.memory_space<semaphore_mem>>
      tpu.wait_indirect_dma semaphore(%dma_wait3A_323 : memref<!tpu.dma_semaphore, #tpu.memory_space<semaphore_mem>>) src(%dma_wait3A_321 : memref<1000000x64xf32, #tpu.memory_space<hbm>>) dst(%dma_wait3A_315 : memref<128x64xf32, #tpu.memory_space<vmem>>)
      %dma_wait3A_324 = arith.constant 0 : i32
      %dma_wait3A_325 = arith.constant 0 : i32
      %dma_wait3A_326 = tpu.memref_slice %arg8[%dma_wait3A_324, %dma_wait3A_325] : memref<512x64xf32, #tpu.memory_space<vmem>> -> memref<128x64xf32, #tpu.memory_space<vmem>>
      %dma_wait3A_327 = arith.constant 0 : i32
      %dma_wait3A_328 = tpu.memref_slice %arg7[%select_n3A_307, %dma_wait3A_327] : memref<2x256xi32, #tpu.memory_space<vmem>> -> memref<1x128xi32, #tpu.memory_space<vmem>>
      %dma_wait3A_329 = tpu.memref_squeeze %dma_wait3A_328 : memref<1x128xi32, #tpu.memory_space<vmem>> -> memref<128xi32, #tpu.memory_space<vmem>>
      %dma_wait3A_330 = arith.constant 0 : i32
      %dma_wait3A_331 = arith.constant 0 : i32
      %dma_wait3A_332 = tpu.memref_slice %arg3[%dma_wait3A_330, %dma_wait3A_331] : memref<1000000x64xf32, #tpu.memory_space<hbm>> -> memref<1000000x64xf32, #tpu.memory_space<hbm>>
      %dma_wait3A_333 = tpu.memref_slice %arg11[%select_n3A_307] : memref<2x!tpu.dma_semaphore, #tpu.memory_space<semaphore_mem>> -> memref<1x!tpu.dma_semaphore, #tpu.memory_space<semaphore_mem>>
      %dma_wait3A_334 = tpu.memref_squeeze %dma_wait3A_333 : memref<1x!tpu.dma_semaphore, #tpu.memory_space<semaphore_mem>> -> memref<!tpu.dma_semaphore, #tpu.memory_space<semaphore_mem>>
      tpu.wait_indirect_dma semaphore(%dma_wait3A_334 : memref<!tpu.dma_semaphore, #tpu.memory_space<semaphore_mem>>) src(%dma_wait3A_332 : memref<1000000x64xf32, #tpu.memory_space<hbm>>) dst(%dma_wait3A_326 : memref<128x64xf32, #tpu.memory_space<vmem>>)
      %ge3A = arith.constant 2 : i32
      %ge3A_335 = arith.cmpi sge, %scan3A_248, %ge3A : i32
      %convert_element_type3A_336 = arith.extui %ge3A_335 : i1 to i32
      %cond3A_337 = arith.constant 0 : i32
      %cond3A_338 = arith.cmpi ne, %convert_element_type3A_336, %cond3A_337 : i32
      scf.if %cond3A_338 {
        %dma_wait3A_594 = arith.constant 0 : i32
        %dma_wait3A_595 = tpu.memref_slice %arg9[%dma_wait3A_594] : memref<32768xf32, #tpu.memory_space<vmem>> -> memref<2048xf32, #tpu.memory_space<vmem>>
        %dma_wait3A_596 = arith.constant 0 : i32
        %dma_wait3A_597 = tpu.memref_slice %arg5[%dma_wait3A_596] : memref<52428800xf32, #tpu.memory_space<hbm>> -> memref<2048xf32, #tpu.memory_space<hbm>>
        %dma_wait3A_598 = tpu.memref_slice %arg12[%select_n3A_307] : memref<2x!tpu.dma_semaphore, #tpu.memory_space<semaphore_mem>> -> memref<1x!tpu.dma_semaphore, #tpu.memory_space<semaphore_mem>>
        %dma_wait3A_599 = tpu.memref_squeeze %dma_wait3A_598 : memref<1x!tpu.dma_semaphore, #tpu.memory_space<semaphore_mem>> -> memref<!tpu.dma_semaphore, #tpu.memory_space<semaphore_mem>>
        %dma_wait3A_600 = arith.constant 0 : i32
        %dma_wait3A_601 = tpu.memref_slice %arg5[%dma_wait3A_600] : memref<52428800xf32, #tpu.memory_space<hbm>> -> memref<2048xf32, #tpu.memory_space<hbm>>
        %dma_wait3A_602 = arith.constant 0 : i32
        %dma_wait3A_603 = tpu.memref_slice %arg9[%dma_wait3A_602] : memref<32768xf32, #tpu.memory_space<vmem>> -> memref<2048xf32, #tpu.memory_space<vmem>>
        tpu.wait_dma2 semaphore(%dma_wait3A_599 : memref<!tpu.dma_semaphore, #tpu.memory_space<semaphore_mem>>) src(%dma_wait3A_603 : memref<2048xf32, #tpu.memory_space<vmem>>) dst(%dma_wait3A_601 : memref<2048xf32, #tpu.memory_space<hbm>>)
        %dma_wait3A_604 = arith.constant 0 : i32
        %dma_wait3A_605 = tpu.memref_slice %arg9[%dma_wait3A_604] : memref<32768xf32, #tpu.memory_space<vmem>> -> memref<2048xf32, #tpu.memory_space<vmem>>
        %dma_wait3A_606 = arith.constant 0 : i32
        %dma_wait3A_607 = tpu.memref_slice %arg5[%dma_wait3A_606] : memref<52428800xf32, #tpu.memory_space<hbm>> -> memref<2048xf32, #tpu.memory_space<hbm>>
        %dma_wait3A_608 = tpu.memref_slice %arg12[%select_n3A_307] : memref<2x!tpu.dma_semaphore, #tpu.memory_space<semaphore_mem>> -> memref<1x!tpu.dma_semaphore, #tpu.memory_space<semaphore_mem>>
        %dma_wait3A_609 = tpu.memref_squeeze %dma_wait3A_608 : memref<1x!tpu.dma_semaphore, #tpu.memory_space<semaphore_mem>> -> memref<!tpu.dma_semaphore, #tpu.memory_space<semaphore_mem>>
        %dma_wait3A_610 = arith.constant 0 : i32
        %dma_wait3A_611 = tpu.memref_slice %arg5[%dma_wait3A_610] : memref<52428800xf32, #tpu.memory_space<hbm>> -> memref<2048xf32, #tpu.memory_space<hbm>>
        %dma_wait3A_612 = arith.constant 0 : i32
        %dma_wait3A_613 = tpu.memref_slice %arg9[%dma_wait3A_612] : memref<32768xf32, #tpu.memory_space<vmem>> -> memref<2048xf32, #tpu.memory_space<vmem>>
        tpu.wait_dma2 semaphore(%dma_wait3A_609 : memref<!tpu.dma_semaphore, #tpu.memory_space<semaphore_mem>>) src(%dma_wait3A_613 : memref<2048xf32, #tpu.memory_space<vmem>>) dst(%dma_wait3A_611 : memref<2048xf32, #tpu.memory_space<hbm>>)
        %dma_wait3A_614 = arith.constant 0 : i32
        %dma_wait3A_615 = tpu.memref_slice %arg9[%dma_wait3A_614] : memref<32768xf32, #tpu.memory_space<vmem>> -> memref<2048xf32, #tpu.memory_space<vmem>>
        %dma_wait3A_616 = arith.constant 0 : i32
        %dma_wait3A_617 = tpu.memref_slice %arg5[%dma_wait3A_616] : memref<52428800xf32, #tpu.memory_space<hbm>> -> memref<2048xf32, #tpu.memory_space<hbm>>
        %dma_wait3A_618 = tpu.memref_slice %arg12[%select_n3A_307] : memref<2x!tpu.dma_semaphore, #tpu.memory_space<semaphore_mem>> -> memref<1x!tpu.dma_semaphore, #tpu.memory_space<semaphore_mem>>
        %dma_wait3A_619 = tpu.memref_squeeze %dma_wait3A_618 : memref<1x!tpu.dma_semaphore, #tpu.memory_space<semaphore_mem>> -> memref<!tpu.dma_semaphore, #tpu.memory_space<semaphore_mem>>
        %dma_wait3A_620 = arith.constant 0 : i32
        %dma_wait3A_621 = tpu.memref_slice %arg5[%dma_wait3A_620] : memref<52428800xf32, #tpu.memory_space<hbm>> -> memref<2048xf32, #tpu.memory_space<hbm>>
        %dma_wait3A_622 = arith.constant 0 : i32
        %dma_wait3A_623 = tpu.memref_slice %arg9[%dma_wait3A_622] : memref<32768xf32, #tpu.memory_space<vmem>> -> memref<2048xf32, #tpu.memory_space<vmem>>
        tpu.wait_dma2 semaphore(%dma_wait3A_619 : memref<!tpu.dma_semaphore, #tpu.memory_space<semaphore_mem>>) src(%dma_wait3A_623 : memref<2048xf32, #tpu.memory_space<vmem>>) dst(%dma_wait3A_621 : memref<2048xf32, #tpu.memory_space<hbm>>)
        %dma_wait3A_624 = arith.constant 0 : i32
        %dma_wait3A_625 = tpu.memref_slice %arg9[%dma_wait3A_624] : memref<32768xf32, #tpu.memory_space<vmem>> -> memref<2048xf32, #tpu.memory_space<vmem>>
        %dma_wait3A_626 = arith.constant 0 : i32
        %dma_wait3A_627 = tpu.memref_slice %arg5[%dma_wait3A_626] : memref<52428800xf32, #tpu.memory_space<hbm>> -> memref<2048xf32, #tpu.memory_space<hbm>>
        %dma_wait3A_628 = tpu.memref_slice %arg12[%select_n3A_307] : memref<2x!tpu.dma_semaphore, #tpu.memory_space<semaphore_mem>> -> memref<1x!tpu.dma_semaphore, #tpu.memory_space<semaphore_mem>>
        %dma_wait3A_629 = tpu.memref_squeeze %dma_wait3A_628 : memref<1x!tpu.dma_semaphore, #tpu.memory_space<semaphore_mem>> -> memref<!tpu.dma_semaphore, #tpu.memory_space<semaphore_mem>>
        %dma_wait3A_630 = arith.constant 0 : i32
        %dma_wait3A_631 = tpu.memref_slice %arg5[%dma_wait3A_630] : memref<52428800xf32, #tpu.memory_space<hbm>> -> memref<2048xf32, #tpu.memory_space<hbm>>
        %dma_wait3A_632 = arith.constant 0 : i32
        %dma_wait3A_633 = tpu.memref_slice %arg9[%dma_wait3A_632] : memref<32768xf32, #tpu.memory_space<vmem>> -> memref<2048xf32, #tpu.memory_space<vmem>>
        tpu.wait_dma2 semaphore(%dma_wait3A_629 : memref<!tpu.dma_semaphore, #tpu.memory_space<semaphore_mem>>) src(%dma_wait3A_633 : memref<2048xf32, #tpu.memory_space<vmem>>) dst(%dma_wait3A_631 : memref<2048xf32, #tpu.memory_space<hbm>>)
        %dma_wait3A_634 = arith.constant 0 : i32
        %dma_wait3A_635 = tpu.memref_slice %arg9[%dma_wait3A_634] : memref<32768xf32, #tpu.memory_space<vmem>> -> memref<2048xf32, #tpu.memory_space<vmem>>
        %dma_wait3A_636 = arith.constant 0 : i32
        %dma_wait3A_637 = tpu.memref_slice %arg5[%dma_wait3A_636] : memref<52428800xf32, #tpu.memory_space<hbm>> -> memref<2048xf32, #tpu.memory_space<hbm>>
        %dma_wait3A_638 = tpu.memref_slice %arg12[%select_n3A_307] : memref<2x!tpu.dma_semaphore, #tpu.memory_space<semaphore_mem>> -> memref<1x!tpu.dma_semaphore, #tpu.memory_space<semaphore_mem>>
        %dma_wait3A_639 = tpu.memref_squeeze %dma_wait3A_638 : memref<1x!tpu.dma_semaphore, #tpu.memory_space<semaphore_mem>> -> memref<!tpu.dma_semaphore, #tpu.memory_space<semaphore_mem>>
        %dma_wait3A_640 = arith.constant 0 : i32
        %dma_wait3A_641 = tpu.memref_slice %arg5[%dma_wait3A_640] : memref<52428800xf32, #tpu.memory_space<hbm>> -> memref<2048xf32, #tpu.memory_space<hbm>>
        %dma_wait3A_642 = arith.constant 0 : i32
        %dma_wait3A_643 = tpu.memref_slice %arg9[%dma_wait3A_642] : memref<32768xf32, #tpu.memory_space<vmem>> -> memref<2048xf32, #tpu.memory_space<vmem>>
        tpu.wait_dma2 semaphore(%dma_wait3A_639 : memref<!tpu.dma_semaphore, #tpu.memory_space<semaphore_mem>>) src(%dma_wait3A_643 : memref<2048xf32, #tpu.memory_space<vmem>>) dst(%dma_wait3A_641 : memref<2048xf32, #tpu.memory_space<hbm>>)
        %dma_wait3A_644 = arith.constant 0 : i32
        %dma_wait3A_645 = tpu.memref_slice %arg9[%dma_wait3A_644] : memref<32768xf32, #tpu.memory_space<vmem>> -> memref<2048xf32, #tpu.memory_space<vmem>>
        %dma_wait3A_646 = arith.constant 0 : i32
        %dma_wait3A_647 = tpu.memref_slice %arg5[%dma_wait3A_646] : memref<52428800xf32, #tpu.memory_space<hbm>> -> memref<2048xf32, #tpu.memory_space<hbm>>
        %dma_wait3A_648 = tpu.memref_slice %arg12[%select_n3A_307] : memref<2x!tpu.dma_semaphore, #tpu.memory_space<semaphore_mem>> -> memref<1x!tpu.dma_semaphore, #tpu.memory_space<semaphore_mem>>
        %dma_wait3A_649 = tpu.memref_squeeze %dma_wait3A_648 : memref<1x!tpu.dma_semaphore, #tpu.memory_space<semaphore_mem>> -> memref<!tpu.dma_semaphore, #tpu.memory_space<semaphore_mem>>
        %dma_wait3A_650 = arith.constant 0 : i32
        %dma_wait3A_651 = tpu.memref_slice %arg5[%dma_wait3A_650] : memref<52428800xf32, #tpu.memory_space<hbm>> -> memref<2048xf32, #tpu.memory_space<hbm>>
        %dma_wait3A_652 = arith.constant 0 : i32
        %dma_wait3A_653 = tpu.memref_slice %arg9[%dma_wait3A_652] : memref<32768xf32, #tpu.memory_space<vmem>> -> memref<2048xf32, #tpu.memory_space<vmem>>
        tpu.wait_dma2 semaphore(%dma_wait3A_649 : memref<!tpu.dma_semaphore, #tpu.memory_space<semaphore_mem>>) src(%dma_wait3A_653 : memref<2048xf32, #tpu.memory_space<vmem>>) dst(%dma_wait3A_651 : memref<2048xf32, #tpu.memory_space<hbm>>)
        %dma_wait3A_654 = arith.constant 0 : i32
        %dma_wait3A_655 = tpu.memref_slice %arg9[%dma_wait3A_654] : memref<32768xf32, #tpu.memory_space<vmem>> -> memref<2048xf32, #tpu.memory_space<vmem>>
        %dma_wait3A_656 = arith.constant 0 : i32
        %dma_wait3A_657 = tpu.memref_slice %arg5[%dma_wait3A_656] : memref<52428800xf32, #tpu.memory_space<hbm>> -> memref<2048xf32, #tpu.memory_space<hbm>>
        %dma_wait3A_658 = tpu.memref_slice %arg12[%select_n3A_307] : memref<2x!tpu.dma_semaphore, #tpu.memory_space<semaphore_mem>> -> memref<1x!tpu.dma_semaphore, #tpu.memory_space<semaphore_mem>>
        %dma_wait3A_659 = tpu.memref_squeeze %dma_wait3A_658 : memref<1x!tpu.dma_semaphore, #tpu.memory_space<semaphore_mem>> -> memref<!tpu.dma_semaphore, #tpu.memory_space<semaphore_mem>>
        %dma_wait3A_660 = arith.constant 0 : i32
        %dma_wait3A_661 = tpu.memref_slice %arg5[%dma_wait3A_660] : memref<52428800xf32, #tpu.memory_space<hbm>> -> memref<2048xf32, #tpu.memory_space<hbm>>
        %dma_wait3A_662 = arith.constant 0 : i32
        %dma_wait3A_663 = tpu.memref_slice %arg9[%dma_wait3A_662] : memref<32768xf32, #tpu.memory_space<vmem>> -> memref<2048xf32, #tpu.memory_space<vmem>>
        tpu.wait_dma2 semaphore(%dma_wait3A_659 : memref<!tpu.dma_semaphore, #tpu.memory_space<semaphore_mem>>) src(%dma_wait3A_663 : memref<2048xf32, #tpu.memory_space<vmem>>) dst(%dma_wait3A_661 : memref<2048xf32, #tpu.memory_space<hbm>>)
        %dma_wait3A_664 = arith.constant 0 : i32
        %dma_wait3A_665 = tpu.memref_slice %arg9[%dma_wait3A_664] : memref<32768xf32, #tpu.memory_space<vmem>> -> memref<2048xf32, #tpu.memory_space<vmem>>
        %dma_wait3A_666 = arith.constant 0 : i32
        %dma_wait3A_667 = tpu.memref_slice %arg5[%dma_wait3A_666] : memref<52428800xf32, #tpu.memory_space<hbm>> -> memref<2048xf32, #tpu.memory_space<hbm>>
        %dma_wait3A_668 = tpu.memref_slice %arg12[%select_n3A_307] : memref<2x!tpu.dma_semaphore, #tpu.memory_space<semaphore_mem>> -> memref<1x!tpu.dma_semaphore, #tpu.memory_space<semaphore_mem>>
        %dma_wait3A_669 = tpu.memref_squeeze %dma_wait3A_668 : memref<1x!tpu.dma_semaphore, #tpu.memory_space<semaphore_mem>> -> memref<!tpu.dma_semaphore, #tpu.memory_space<semaphore_mem>>
        %dma_wait3A_670 = arith.constant 0 : i32
        %dma_wait3A_671 = tpu.memref_slice %arg5[%dma_wait3A_670] : memref<52428800xf32, #tpu.memory_space<hbm>> -> memref<2048xf32, #tpu.memory_space<hbm>>
        %dma_wait3A_672 = arith.constant 0 : i32
        %dma_wait3A_673 = tpu.memref_slice %arg9[%dma_wait3A_672] : memref<32768xf32, #tpu.memory_space<vmem>> -> memref<2048xf32, #tpu.memory_space<vmem>>
        tpu.wait_dma2 semaphore(%dma_wait3A_669 : memref<!tpu.dma_semaphore, #tpu.memory_space<semaphore_mem>>) src(%dma_wait3A_673 : memref<2048xf32, #tpu.memory_space<vmem>>) dst(%dma_wait3A_671 : memref<2048xf32, #tpu.memory_space<hbm>>)
      } else {
      }
      %get3A = arith.index_cast %select_n3A_275 : i32 to index
      %get3A_339 = arith.constant 0 : index
      %get3A_340 = tpu.vector_load %arg6[%get3A, %get3A_339] {strides = array<i32>} : memref<200x64xf32, #tpu.memory_space<vmem>>, vector<16xf32>,
      %mul3A_341 = arith.constant 256 : i32
      %mul3A_342 = arith.muli %select_n3A_307, %mul3A_341 : i32
      %add3A_343 = arith.constant 0 : i32
      %add3A_344 = arith.addi %mul3A_342, %add3A_343 : i32
      %mul3A_345 = arith.constant 16384 : i32
      %mul3A_346 = arith.muli %select_n3A_307, %mul3A_345 : i32
      %add3A_347 = arith.constant 0 : i32
      %add3A_348 = arith.addi %mul3A_346, %add3A_347 : i32
      %add3A_349 = arith.constant 0 : i32
      %add3A_350 = arith.addi %add3A_348, %add3A_349 : i32
      %parallel_loop3A = arith.constant 0 : i32
      %parallel_loop3A_351 = arith.constant 128 : i32
      %parallel_loop3A_352 = arith.constant 1 : i32
      scf.for %parallel_loop3A_594 = %parallel_loop3A to %parallel_loop3A_351 step %parallel_loop3A_352  : i32 {
        %parallel_loop3A_595 = arith.addi %add3A_344, %parallel_loop3A_594 : i32
        %parallel_loop3A_596 = arith.index_cast %parallel_loop3A_595 : i32 to index
        %parallel_loop3A_597 = arith.constant 0 : index
        %parallel_loop3A_598 = tpu.vector_load %arg8[%parallel_loop3A_596, %parallel_loop3A_597] {strides = array<i32>} : memref<512x64xf32, #tpu.memory_space<vmem>>, vector<16xf32>,
        %parallel_loop3A_599 = arith.addf %parallel_loop3A_598, %get3A_340 : vector<16xf32>
        %parallel_loop3A_600 = arith.constant 17 : i32
        %parallel_loop3A_601 = arith.muli %parallel_loop3A_594, %parallel_loop3A_600 : i32
        %parallel_loop3A_602 = arith.index_cast %parallel_loop3A_601 : i32 to index
        %parallel_loop3A_603 = tpu.vector_load %arg10[%parallel_loop3A_602] {strides = array<i32>} : memref<2176xf32, #tpu.memory_space<vmem>>, vector<16xf32>,
        tpu.vector_store %arg10[%parallel_loop3A_602], %parallel_loop3A_599 {strides = array<i32>} : memref<2176xf32, #tpu.memory_space<vmem>>, vector<16xf32>,
      } {sc.loop_unroll_factor = 4 : i64, sc.parallel_access}
      %parallel_loop3A_353 = arith.constant 0 : i32
      %parallel_loop3A_354 = arith.constant 128 : i32
      %parallel_loop3A_355 = arith.constant 1 : i32
      scf.for %parallel_loop3A_594 = %parallel_loop3A_353 to %parallel_loop3A_354 step %parallel_loop3A_355  : i32 {
        %parallel_loop3A_595 = arith.constant 8 : i32
        %parallel_loop3A_596 = arith.divsi %parallel_loop3A_594, %parallel_loop3A_595 : i32
        %parallel_loop3A_597 = arith.constant 0 : i32
        %parallel_loop3A_598 = arith.cmpi sgt, %parallel_loop3A_594, %parallel_loop3A_597 : i32
        %parallel_loop3A_599 = arith.extui %parallel_loop3A_598 : i1 to i32
        %parallel_loop3A_600 = arith.constant 0 : i32
        %parallel_loop3A_601 = arith.cmpi slt, %parallel_loop3A_594, %parallel_loop3A_600 : i32
        %parallel_loop3A_602 = arith.extui %parallel_loop3A_601 : i1 to i32
        %parallel_loop3A_603 = arith.subi %parallel_loop3A_599, %parallel_loop3A_602 : i32
        %parallel_loop3A_604 = arith.constant 0 : i32
        %parallel_loop3A_605 = arith.cmpi sgt, %parallel_loop3A_595, %parallel_loop3A_604 : i32
        %parallel_loop3A_606 = arith.extui %parallel_loop3A_605 : i1 to i32
        %parallel_loop3A_607 = arith.constant 0 : i32
        %parallel_loop3A_608 = arith.cmpi slt, %parallel_loop3A_595, %parallel_loop3A_607 : i32
        %parallel_loop3A_609 = arith.extui %parallel_loop3A_608 : i1 to i32
        %parallel_loop3A_610 = arith.subi %parallel_loop3A_606, %parallel_loop3A_609 : i32
        %parallel_loop3A_611 = arith.cmpi ne, %parallel_loop3A_603, %parallel_loop3A_610 : i32
        %parallel_loop3A_612 = arith.remsi %parallel_loop3A_594, %parallel_loop3A_595 : i32
        %parallel_loop3A_613 = arith.constant 0 : i32
        %parallel_loop3A_614 = arith.cmpi ne, %parallel_loop3A_612, %parallel_loop3A_613 : i32
        %parallel_loop3A_615 = arith.andi %parallel_loop3A_611, %parallel_loop3A_614 : i1
        %parallel_loop3A_616 = arith.constant 1 : i32
        %parallel_loop3A_617 = arith.subi %parallel_loop3A_596, %parallel_loop3A_616 : i32
        %parallel_loop3A_618 = arith.select %parallel_loop3A_615, %parallel_loop3A_617, %parallel_loop3A_596 : i32
        %parallel_loop3A_619 = arith.constant 8 : i32
        %parallel_loop3A_620 = arith.constant 0 : i32
        %parallel_loop3A_621 = arith.cmpi eq, %parallel_loop3A_619, %parallel_loop3A_620 : i32
        %parallel_loop3A_622 = arith.constant 1 : i32
        %parallel_loop3A_623 = arith.select %parallel_loop3A_621, %parallel_loop3A_622, %parallel_loop3A_619 : i32
        %parallel_loop3A_624 = arith.remsi %parallel_loop3A_594, %parallel_loop3A_623 : i32
        %parallel_loop3A_625 = arith.constant 0 : i32
        %parallel_loop3A_626 = arith.cmpi ne, %parallel_loop3A_624, %parallel_loop3A_625 : i32
        %parallel_loop3A_627 = arith.constant 0 : i32
        %parallel_loop3A_628 = arith.cmpi slt, %parallel_loop3A_624, %parallel_loop3A_627 : i32
        %parallel_loop3A_629 = arith.constant 0 : i32
        %parallel_loop3A_630 = arith.cmpi slt, %parallel_loop3A_623, %parallel_loop3A_629 : i32
        %parallel_loop3A_631 = arith.xori %parallel_loop3A_628, %parallel_loop3A_630 : i1
        %parallel_loop3A_632 = arith.andi %parallel_loop3A_631, %parallel_loop3A_626 : i1
        %parallel_loop3A_633 = arith.addi %parallel_loop3A_624, %parallel_loop3A_623 : i32
        %parallel_loop3A_634 = arith.select %parallel_loop3A_632, %parallel_loop3A_633, %parallel_loop3A_624 : i32
        %parallel_loop3A_635 = arith.constant 272 : i32
        %parallel_loop3A_636 = arith.muli %parallel_loop3A_634, %parallel_loop3A_635 : i32
        %parallel_loop3A_637 = arith.addi %parallel_loop3A_636, %parallel_loop3A_618 : i32
        %parallel_loop3A_638 = vector.broadcast %parallel_loop3A_637 : i32 to vector<16xi32>
        %parallel_loop3A_639 = arith.addi %mul3A_3, %parallel_loop3A_638 : vector<16xi32>
        %parallel_loop3A_640 = tpu.vector_load_idx %arg10[%parallel_loop3A_639] : memref<2176xf32, #tpu.memory_space<vmem>>[vector<16xi32>], vector<16xf32>,
        %parallel_loop3A_641 = arith.constant 8 : i32
        %parallel_loop3A_642 = arith.divsi %parallel_loop3A_618, %parallel_loop3A_641 : i32
        %parallel_loop3A_643 = arith.constant 0 : i32
        %parallel_loop3A_644 = arith.cmpi sgt, %parallel_loop3A_618, %parallel_loop3A_643 : i32
        %parallel_loop3A_645 = arith.extui %parallel_loop3A_644 : i1 to i32
        %parallel_loop3A_646 = arith.constant 0 : i32
        %parallel_loop3A_647 = arith.cmpi slt, %parallel_loop3A_618, %parallel_loop3A_646 : i32
        %parallel_loop3A_648 = arith.extui %parallel_loop3A_647 : i1 to i32
        %parallel_loop3A_649 = arith.subi %parallel_loop3A_645, %parallel_loop3A_648 : i32
        %parallel_loop3A_650 = arith.constant 0 : i32
        %parallel_loop3A_651 = arith.cmpi sgt, %parallel_loop3A_641, %parallel_loop3A_650 : i32
        %parallel_loop3A_652 = arith.extui %parallel_loop3A_651 : i1 to i32
        %parallel_loop3A_653 = arith.constant 0 : i32
        %parallel_loop3A_654 = arith.cmpi slt, %parallel_loop3A_641, %parallel_loop3A_653 : i32
        %parallel_loop3A_655 = arith.extui %parallel_loop3A_654 : i1 to i32
        %parallel_loop3A_656 = arith.subi %parallel_loop3A_652, %parallel_loop3A_655 : i32
        %parallel_loop3A_657 = arith.cmpi ne, %parallel_loop3A_649, %parallel_loop3A_656 : i32
        %parallel_loop3A_658 = arith.remsi %parallel_loop3A_618, %parallel_loop3A_641 : i32
        %parallel_loop3A_659 = arith.constant 0 : i32
        %parallel_loop3A_660 = arith.cmpi ne, %parallel_loop3A_658, %parallel_loop3A_659 : i32
        %parallel_loop3A_661 = arith.andi %parallel_loop3A_657, %parallel_loop3A_660 : i1
        %parallel_loop3A_662 = arith.constant 1 : i32
        %parallel_loop3A_663 = arith.subi %parallel_loop3A_642, %parallel_loop3A_662 : i32
        %parallel_loop3A_664 = arith.select %parallel_loop3A_661, %parallel_loop3A_663, %parallel_loop3A_642 : i32
        %parallel_loop3A_665 = arith.constant 2048 : i32
        %parallel_loop3A_666 = arith.muli %parallel_loop3A_664, %parallel_loop3A_665 : i32
        %parallel_loop3A_667 = arith.addi %add3A_350, %parallel_loop3A_666 : i32
        %parallel_loop3A_668 = arith.constant 8 : i32
        %parallel_loop3A_669 = arith.constant 0 : i32
        %parallel_loop3A_670 = arith.cmpi eq, %parallel_loop3A_668, %parallel_loop3A_669 : i32
        %parallel_loop3A_671 = arith.constant 1 : i32
        %parallel_loop3A_672 = arith.select %parallel_loop3A_670, %parallel_loop3A_671, %parallel_loop3A_668 : i32
        %parallel_loop3A_673 = arith.remsi %parallel_loop3A_618, %parallel_loop3A_672 : i32
        %parallel_loop3A_674 = arith.constant 0 : i32
        %parallel_loop3A_675 = arith.cmpi ne, %parallel_loop3A_673, %parallel_loop3A_674 : i32
        %parallel_loop3A_676 = arith.constant 0 : i32
        %parallel_loop3A_677 = arith.cmpi slt, %parallel_loop3A_673, %parallel_loop3A_676 : i32
        %parallel_loop3A_678 = arith.constant 0 : i32
        %parallel_loop3A_679 = arith.cmpi slt, %parallel_loop3A_672, %parallel_loop3A_678 : i32
        %parallel_loop3A_680 = arith.xori %parallel_loop3A_677, %parallel_loop3A_679 : i1
        %parallel_loop3A_681 = arith.andi %parallel_loop3A_680, %parallel_loop3A_675 : i1
        %parallel_loop3A_682 = arith.addi %parallel_loop3A_673, %parallel_loop3A_672 : i32
        %parallel_loop3A_683 = arith.select %parallel_loop3A_681, %parallel_loop3A_682, %parallel_loop3A_673 : i32
        %parallel_loop3A_684 = arith.constant 128 : i32
        %parallel_loop3A_685 = arith.muli %parallel_loop3A_683, %parallel_loop3A_684 : i32
        %parallel_loop3A_686 = arith.addi %parallel_loop3A_667, %parallel_loop3A_685 : i32
        %parallel_loop3A_687 = arith.constant 16 : i32
        %parallel_loop3A_688 = arith.muli %parallel_loop3A_634, %parallel_loop3A_687 : i32
        %parallel_loop3A_689 = arith.addi %parallel_loop3A_686, %parallel_loop3A_688 : i32
        %parallel_loop3A_690 = arith.index_cast %parallel_loop3A_689 : i32 to index
        %parallel_loop3A_691 = tpu.vector_load %arg9[%parallel_loop3A_690] {strides = array<i32>} : memref<32768xf32, #tpu.memory_space<vmem>>, vector<16xf32>,
        tpu.vector_store %arg9[%parallel_loop3A_690], %parallel_loop3A_640 {strides = array<i32>} : memref<32768xf32, #tpu.memory_space<vmem>>, vector<16xf32>,
      } {sc.loop_unroll_factor = 4 : i64, sc.parallel_access}
      %get3A_356 = arith.index_cast %select_n3A_275 : i32 to index
      %get3A_357 = arith.constant 16 : index
      %get3A_358 = tpu.vector_load %arg6[%get3A_356, %get3A_357] {strides = array<i32>} : memref<200x64xf32, #tpu.memory_space<vmem>>, vector<16xf32>,
      %mul3A_359 = arith.constant 256 : i32
      %mul3A_360 = arith.muli %select_n3A_307, %mul3A_359 : i32
      %add3A_361 = arith.constant 0 : i32
      %add3A_362 = arith.addi %mul3A_360, %add3A_361 : i32
      %mul3A_363 = arith.constant 16384 : i32
      %mul3A_364 = arith.muli %select_n3A_307, %mul3A_363 : i32
      %add3A_365 = arith.constant 4096 : i32
      %add3A_366 = arith.addi %mul3A_364, %add3A_365 : i32
      %add3A_367 = arith.constant 0 : i32
      %add3A_368 = arith.addi %add3A_366, %add3A_367 : i32
      %parallel_loop3A_369 = arith.constant 0 : i32
      %parallel_loop3A_370 = arith.constant 128 : i32
      %parallel_loop3A_371 = arith.constant 1 : i32
      scf.for %parallel_loop3A_594 = %parallel_loop3A_369 to %parallel_loop3A_370 step %parallel_loop3A_371  : i32 {
        %parallel_loop3A_595 = arith.addi %add3A_362, %parallel_loop3A_594 : i32
        %parallel_loop3A_596 = arith.index_cast %parallel_loop3A_595 : i32 to index
        %parallel_loop3A_597 = arith.constant 16 : index
        %parallel_loop3A_598 = tpu.vector_load %arg8[%parallel_loop3A_596, %parallel_loop3A_597] {strides = array<i32>} : memref<512x64xf32, #tpu.memory_space<vmem>>, vector<16xf32>,
        %parallel_loop3A_599 = arith.addf %parallel_loop3A_598, %get3A_358 : vector<16xf32>
        %parallel_loop3A_600 = arith.constant 17 : i32
        %parallel_loop3A_601 = arith.muli %parallel_loop3A_594, %parallel_loop3A_600 : i32
        %parallel_loop3A_602 = arith.index_cast %parallel_loop3A_601 : i32 to index
        %parallel_loop3A_603 = tpu.vector_load %arg10[%parallel_loop3A_602] {strides = array<i32>} : memref<2176xf32, #tpu.memory_space<vmem>>, vector<16xf32>,
        tpu.vector_store %arg10[%parallel_loop3A_602], %parallel_loop3A_599 {strides = array<i32>} : memref<2176xf32, #tpu.memory_space<vmem>>, vector<16xf32>,
      } {sc.loop_unroll_factor = 4 : i64, sc.parallel_access}
      %parallel_loop3A_372 = arith.constant 0 : i32
      %parallel_loop3A_373 = arith.constant 128 : i32
      %parallel_loop3A_374 = arith.constant 1 : i32
      scf.for %parallel_loop3A_594 = %parallel_loop3A_372 to %parallel_loop3A_373 step %parallel_loop3A_374  : i32 {
        %parallel_loop3A_595 = arith.constant 8 : i32
        %parallel_loop3A_596 = arith.divsi %parallel_loop3A_594, %parallel_loop3A_595 : i32
        %parallel_loop3A_597 = arith.constant 0 : i32
        %parallel_loop3A_598 = arith.cmpi sgt, %parallel_loop3A_594, %parallel_loop3A_597 : i32
        %parallel_loop3A_599 = arith.extui %parallel_loop3A_598 : i1 to i32
        %parallel_loop3A_600 = arith.constant 0 : i32
        %parallel_loop3A_601 = arith.cmpi slt, %parallel_loop3A_594, %parallel_loop3A_600 : i32
        %parallel_loop3A_602 = arith.extui %parallel_loop3A_601 : i1 to i32
        %parallel_loop3A_603 = arith.subi %parallel_loop3A_599, %parallel_loop3A_602 : i32
        %parallel_loop3A_604 = arith.constant 0 : i32
        %parallel_loop3A_605 = arith.cmpi sgt, %parallel_loop3A_595, %parallel_loop3A_604 : i32
        %parallel_loop3A_606 = arith.extui %parallel_loop3A_605 : i1 to i32
        %parallel_loop3A_607 = arith.constant 0 : i32
        %parallel_loop3A_608 = arith.cmpi slt, %parallel_loop3A_595, %parallel_loop3A_607 : i32
        %parallel_loop3A_609 = arith.extui %parallel_loop3A_608 : i1 to i32
        %parallel_loop3A_610 = arith.subi %parallel_loop3A_606, %parallel_loop3A_609 : i32
        %parallel_loop3A_611 = arith.cmpi ne, %parallel_loop3A_603, %parallel_loop3A_610 : i32
        %parallel_loop3A_612 = arith.remsi %parallel_loop3A_594, %parallel_loop3A_595 : i32
        %parallel_loop3A_613 = arith.constant 0 : i32
        %parallel_loop3A_614 = arith.cmpi ne, %parallel_loop3A_612, %parallel_loop3A_613 : i32
        %parallel_loop3A_615 = arith.andi %parallel_loop3A_611, %parallel_loop3A_614 : i1
        %parallel_loop3A_616 = arith.constant 1 : i32
        %parallel_loop3A_617 = arith.subi %parallel_loop3A_596, %parallel_loop3A_616 : i32
        %parallel_loop3A_618 = arith.select %parallel_loop3A_615, %parallel_loop3A_617, %parallel_loop3A_596 : i32
        %parallel_loop3A_619 = arith.constant 8 : i32
        %parallel_loop3A_620 = arith.constant 0 : i32
        %parallel_loop3A_621 = arith.cmpi eq, %parallel_loop3A_619, %parallel_loop3A_620 : i32
        %parallel_loop3A_622 = arith.constant 1 : i32
        %parallel_loop3A_623 = arith.select %parallel_loop3A_621, %parallel_loop3A_622, %parallel_loop3A_619 : i32
        %parallel_loop3A_624 = arith.remsi %parallel_loop3A_594, %parallel_loop3A_623 : i32
        %parallel_loop3A_625 = arith.constant 0 : i32
        %parallel_loop3A_626 = arith.cmpi ne, %parallel_loop3A_624, %parallel_loop3A_625 : i32
        %parallel_loop3A_627 = arith.constant 0 : i32
        %parallel_loop3A_628 = arith.cmpi slt, %parallel_loop3A_624, %parallel_loop3A_627 : i32
        %parallel_loop3A_629 = arith.constant 0 : i32
        %parallel_loop3A_630 = arith.cmpi slt, %parallel_loop3A_623, %parallel_loop3A_629 : i32
        %parallel_loop3A_631 = arith.xori %parallel_loop3A_628, %parallel_loop3A_630 : i1
        %parallel_loop3A_632 = arith.andi %parallel_loop3A_631, %parallel_loop3A_626 : i1
        %parallel_loop3A_633 = arith.addi %parallel_loop3A_624, %parallel_loop3A_623 : i32
        %parallel_loop3A_634 = arith.select %parallel_loop3A_632, %parallel_loop3A_633, %parallel_loop3A_624 : i32
        %parallel_loop3A_635 = arith.constant 272 : i32
        %parallel_loop3A_636 = arith.muli %parallel_loop3A_634, %parallel_loop3A_635 : i32
        %parallel_loop3A_637 = arith.addi %parallel_loop3A_636, %parallel_loop3A_618 : i32
        %parallel_loop3A_638 = vector.broadcast %parallel_loop3A_637 : i32 to vector<16xi32>
        %parallel_loop3A_639 = arith.addi %mul3A_3, %parallel_loop3A_638 : vector<16xi32>
        %parallel_loop3A_640 = tpu.vector_load_idx %arg10[%parallel_loop3A_639] : memref<2176xf32, #tpu.memory_space<vmem>>[vector<16xi32>], vector<16xf32>,
        %parallel_loop3A_641 = arith.constant 8 : i32
        %parallel_loop3A_642 = arith.divsi %parallel_loop3A_618, %parallel_loop3A_641 : i32
        %parallel_loop3A_643 = arith.constant 0 : i32
        %parallel_loop3A_644 = arith.cmpi sgt, %parallel_loop3A_618, %parallel_loop3A_643 : i32
        %parallel_loop3A_645 = arith.extui %parallel_loop3A_644 : i1 to i32
        %parallel_loop3A_646 = arith.constant 0 : i32
        %parallel_loop3A_647 = arith.cmpi slt, %parallel_loop3A_618, %parallel_loop3A_646 : i32
        %parallel_loop3A_648 = arith.extui %parallel_loop3A_647 : i1 to i32
        %parallel_loop3A_649 = arith.subi %parallel_loop3A_645, %parallel_loop3A_648 : i32
        %parallel_loop3A_650 = arith.constant 0 : i32
        %parallel_loop3A_651 = arith.cmpi sgt, %parallel_loop3A_641, %parallel_loop3A_650 : i32
        %parallel_loop3A_652 = arith.extui %parallel_loop3A_651 : i1 to i32
        %parallel_loop3A_653 = arith.constant 0 : i32
        %parallel_loop3A_654 = arith.cmpi slt, %parallel_loop3A_641, %parallel_loop3A_653 : i32
        %parallel_loop3A_655 = arith.extui %parallel_loop3A_654 : i1 to i32
        %parallel_loop3A_656 = arith.subi %parallel_loop3A_652, %parallel_loop3A_655 : i32
        %parallel_loop3A_657 = arith.cmpi ne, %parallel_loop3A_649, %parallel_loop3A_656 : i32
        %parallel_loop3A_658 = arith.remsi %parallel_loop3A_618, %parallel_loop3A_641 : i32
        %parallel_loop3A_659 = arith.constant 0 : i32
        %parallel_loop3A_660 = arith.cmpi ne, %parallel_loop3A_658, %parallel_loop3A_659 : i32
        %parallel_loop3A_661 = arith.andi %parallel_loop3A_657, %parallel_loop3A_660 : i1
        %parallel_loop3A_662 = arith.constant 1 : i32
        %parallel_loop3A_663 = arith.subi %parallel_loop3A_642, %parallel_loop3A_662 : i32
        %parallel_loop3A_664 = arith.select %parallel_loop3A_661, %parallel_loop3A_663, %parallel_loop3A_642 : i32
        %parallel_loop3A_665 = arith.constant 2048 : i32
        %parallel_loop3A_666 = arith.muli %parallel_loop3A_664, %parallel_loop3A_665 : i32
        %parallel_loop3A_667 = arith.addi %add3A_368, %parallel_loop3A_666 : i32
        %parallel_loop3A_668 = arith.constant 8 : i32
        %parallel_loop3A_669 = arith.constant 0 : i32
        %parallel_loop3A_670 = arith.cmpi eq, %parallel_loop3A_668, %parallel_loop3A_669 : i32
        %parallel_loop3A_671 = arith.constant 1 : i32
        %parallel_loop3A_672 = arith.select %parallel_loop3A_670, %parallel_loop3A_671, %parallel_loop3A_668 : i32
        %parallel_loop3A_673 = arith.remsi %parallel_loop3A_618, %parallel_loop3A_672 : i32
        %parallel_loop3A_674 = arith.constant 0 : i32
        %parallel_loop3A_675 = arith.cmpi ne, %parallel_loop3A_673, %parallel_loop3A_674 : i32
        %parallel_loop3A_676 = arith.constant 0 : i32
        %parallel_loop3A_677 = arith.cmpi slt, %parallel_loop3A_673, %parallel_loop3A_676 : i32
        %parallel_loop3A_678 = arith.constant 0 : i32
        %parallel_loop3A_679 = arith.cmpi slt, %parallel_loop3A_672, %parallel_loop3A_678 : i32
        %parallel_loop3A_680 = arith.xori %parallel_loop3A_677, %parallel_loop3A_679 : i1
        %parallel_loop3A_681 = arith.andi %parallel_loop3A_680, %parallel_loop3A_675 : i1
        %parallel_loop3A_682 = arith.addi %parallel_loop3A_673, %parallel_loop3A_672 : i32
        %parallel_loop3A_683 = arith.select %parallel_loop3A_681, %parallel_loop3A_682, %parallel_loop3A_673 : i32
        %parallel_loop3A_684 = arith.constant 128 : i32
        %parallel_loop3A_685 = arith.muli %parallel_loop3A_683, %parallel_loop3A_684 : i32
        %parallel_loop3A_686 = arith.addi %parallel_loop3A_667, %parallel_loop3A_685 : i32
        %parallel_loop3A_687 = arith.constant 16 : i32
        %parallel_loop3A_688 = arith.muli %parallel_loop3A_634, %parallel_loop3A_687 : i32
        %parallel_loop3A_689 = arith.addi %parallel_loop3A_686, %parallel_loop3A_688 : i32
        %parallel_loop3A_690 = arith.index_cast %parallel_loop3A_689 : i32 to index
        %parallel_loop3A_691 = tpu.vector_load %arg9[%parallel_loop3A_690] {strides = array<i32>} : memref<32768xf32, #tpu.memory_space<vmem>>, vector<16xf32>,
        tpu.vector_store %arg9[%parallel_loop3A_690], %parallel_loop3A_640 {strides = array<i32>} : memref<32768xf32, #tpu.memory_space<vmem>>, vector<16xf32>,
      } {sc.loop_unroll_factor = 4 : i64, sc.parallel_access}
      %get3A_375 = arith.index_cast %select_n3A_275 : i32 to index
      %get3A_376 = arith.constant 32 : index
      %get3A_377 = tpu.vector_load %arg6[%get3A_375, %get3A_376] {strides = array<i32>} : memref<200x64xf32, #tpu.memory_space<vmem>>, vector<16xf32>,
      %mul3A_378 = arith.constant 256 : i32
      %mul3A_379 = arith.muli %select_n3A_307, %mul3A_378 : i32
      %add3A_380 = arith.constant 0 : i32
      %add3A_381 = arith.addi %mul3A_379, %add3A_380 : i32
      %mul3A_382 = arith.constant 16384 : i32
      %mul3A_383 = arith.muli %select_n3A_307, %mul3A_382 : i32
      %add3A_384 = arith.constant 8192 : i32
      %add3A_385 = arith.addi %mul3A_383, %add3A_384 : i32
      %add3A_386 = arith.constant 0 : i32
      %add3A_387 = arith.addi %add3A_385, %add3A_386 : i32
      %parallel_loop3A_388 = arith.constant 0 : i32
      %parallel_loop3A_389 = arith.constant 128 : i32
      %parallel_loop3A_390 = arith.constant 1 : i32
      scf.for %parallel_loop3A_594 = %parallel_loop3A_388 to %parallel_loop3A_389 step %parallel_loop3A_390  : i32 {
        %parallel_loop3A_595 = arith.addi %add3A_381, %parallel_loop3A_594 : i32
        %parallel_loop3A_596 = arith.index_cast %parallel_loop3A_595 : i32 to index
        %parallel_loop3A_597 = arith.constant 32 : index
        %parallel_loop3A_598 = tpu.vector_load %arg8[%parallel_loop3A_596, %parallel_loop3A_597] {strides = array<i32>} : memref<512x64xf32, #tpu.memory_space<vmem>>, vector<16xf32>,
        %parallel_loop3A_599 = arith.addf %parallel_loop3A_598, %get3A_377 : vector<16xf32>
        %parallel_loop3A_600 = arith.constant 17 : i32
        %parallel_loop3A_601 = arith.muli %parallel_loop3A_594, %parallel_loop3A_600 : i32
        %parallel_loop3A_602 = arith.index_cast %parallel_loop3A_601 : i32 to index
        %parallel_loop3A_603 = tpu.vector_load %arg10[%parallel_loop3A_602] {strides = array<i32>} : memref<2176xf32, #tpu.memory_space<vmem>>, vector<16xf32>,
        tpu.vector_store %arg10[%parallel_loop3A_602], %parallel_loop3A_599 {strides = array<i32>} : memref<2176xf32, #tpu.memory_space<vmem>>, vector<16xf32>,
      } {sc.loop_unroll_factor = 4 : i64, sc.parallel_access}
      %parallel_loop3A_391 = arith.constant 0 : i32
      %parallel_loop3A_392 = arith.constant 128 : i32
      %parallel_loop3A_393 = arith.constant 1 : i32
      scf.for %parallel_loop3A_594 = %parallel_loop3A_391 to %parallel_loop3A_392 step %parallel_loop3A_393  : i32 {
        %parallel_loop3A_595 = arith.constant 8 : i32
        %parallel_loop3A_596 = arith.divsi %parallel_loop3A_594, %parallel_loop3A_595 : i32
        %parallel_loop3A_597 = arith.constant 0 : i32
        %parallel_loop3A_598 = arith.cmpi sgt, %parallel_loop3A_594, %parallel_loop3A_597 : i32
        %parallel_loop3A_599 = arith.extui %parallel_loop3A_598 : i1 to i32
        %parallel_loop3A_600 = arith.constant 0 : i32
        %parallel_loop3A_601 = arith.cmpi slt, %parallel_loop3A_594, %parallel_loop3A_600 : i32
        %parallel_loop3A_602 = arith.extui %parallel_loop3A_601 : i1 to i32
        %parallel_loop3A_603 = arith.subi %parallel_loop3A_599, %parallel_loop3A_602 : i32
        %parallel_loop3A_604 = arith.constant 0 : i32
        %parallel_loop3A_605 = arith.cmpi sgt, %parallel_loop3A_595, %parallel_loop3A_604 : i32
        %parallel_loop3A_606 = arith.extui %parallel_loop3A_605 : i1 to i32
        %parallel_loop3A_607 = arith.constant 0 : i32
        %parallel_loop3A_608 = arith.cmpi slt, %parallel_loop3A_595, %parallel_loop3A_607 : i32
        %parallel_loop3A_609 = arith.extui %parallel_loop3A_608 : i1 to i32
        %parallel_loop3A_610 = arith.subi %parallel_loop3A_606, %parallel_loop3A_609 : i32
        %parallel_loop3A_611 = arith.cmpi ne, %parallel_loop3A_603, %parallel_loop3A_610 : i32
        %parallel_loop3A_612 = arith.remsi %parallel_loop3A_594, %parallel_loop3A_595 : i32
        %parallel_loop3A_613 = arith.constant 0 : i32
        %parallel_loop3A_614 = arith.cmpi ne, %parallel_loop3A_612, %parallel_loop3A_613 : i32
        %parallel_loop3A_615 = arith.andi %parallel_loop3A_611, %parallel_loop3A_614 : i1
        %parallel_loop3A_616 = arith.constant 1 : i32
        %parallel_loop3A_617 = arith.subi %parallel_loop3A_596, %parallel_loop3A_616 : i32
        %parallel_loop3A_618 = arith.select %parallel_loop3A_615, %parallel_loop3A_617, %parallel_loop3A_596 : i32
        %parallel_loop3A_619 = arith.constant 8 : i32
        %parallel_loop3A_620 = arith.constant 0 : i32
        %parallel_loop3A_621 = arith.cmpi eq, %parallel_loop3A_619, %parallel_loop3A_620 : i32
        %parallel_loop3A_622 = arith.constant 1 : i32
        %parallel_loop3A_623 = arith.select %parallel_loop3A_621, %parallel_loop3A_622, %parallel_loop3A_619 : i32
        %parallel_loop3A_624 = arith.remsi %parallel_loop3A_594, %parallel_loop3A_623 : i32
        %parallel_loop3A_625 = arith.constant 0 : i32
        %parallel_loop3A_626 = arith.cmpi ne, %parallel_loop3A_624, %parallel_loop3A_625 : i32
        %parallel_loop3A_627 = arith.constant 0 : i32
        %parallel_loop3A_628 = arith.cmpi slt, %parallel_loop3A_624, %parallel_loop3A_627 : i32
        %parallel_loop3A_629 = arith.constant 0 : i32
        %parallel_loop3A_630 = arith.cmpi slt, %parallel_loop3A_623, %parallel_loop3A_629 : i32
        %parallel_loop3A_631 = arith.xori %parallel_loop3A_628, %parallel_loop3A_630 : i1
        %parallel_loop3A_632 = arith.andi %parallel_loop3A_631, %parallel_loop3A_626 : i1
        %parallel_loop3A_633 = arith.addi %parallel_loop3A_624, %parallel_loop3A_623 : i32
        %parallel_loop3A_634 = arith.select %parallel_loop3A_632, %parallel_loop3A_633, %parallel_loop3A_624 : i32
        %parallel_loop3A_635 = arith.constant 272 : i32
        %parallel_loop3A_636 = arith.muli %parallel_loop3A_634, %parallel_loop3A_635 : i32
        %parallel_loop3A_637 = arith.addi %parallel_loop3A_636, %parallel_loop3A_618 : i32
        %parallel_loop3A_638 = vector.broadcast %parallel_loop3A_637 : i32 to vector<16xi32>
        %parallel_loop3A_639 = arith.addi %mul3A_3, %parallel_loop3A_638 : vector<16xi32>
        %parallel_loop3A_640 = tpu.vector_load_idx %arg10[%parallel_loop3A_639] : memref<2176xf32, #tpu.memory_space<vmem>>[vector<16xi32>], vector<16xf32>,
        %parallel_loop3A_641 = arith.constant 8 : i32
        %parallel_loop3A_642 = arith.divsi %parallel_loop3A_618, %parallel_loop3A_641 : i32
        %parallel_loop3A_643 = arith.constant 0 : i32
        %parallel_loop3A_644 = arith.cmpi sgt, %parallel_loop3A_618, %parallel_loop3A_643 : i32
        %parallel_loop3A_645 = arith.extui %parallel_loop3A_644 : i1 to i32
        %parallel_loop3A_646 = arith.constant 0 : i32
        %parallel_loop3A_647 = arith.cmpi slt, %parallel_loop3A_618, %parallel_loop3A_646 : i32
        %parallel_loop3A_648 = arith.extui %parallel_loop3A_647 : i1 to i32
        %parallel_loop3A_649 = arith.subi %parallel_loop3A_645, %parallel_loop3A_648 : i32
        %parallel_loop3A_650 = arith.constant 0 : i32
        %parallel_loop3A_651 = arith.cmpi sgt, %parallel_loop3A_641, %parallel_loop3A_650 : i32
        %parallel_loop3A_652 = arith.extui %parallel_loop3A_651 : i1 to i32
        %parallel_loop3A_653 = arith.constant 0 : i32
        %parallel_loop3A_654 = arith.cmpi slt, %parallel_loop3A_641, %parallel_loop3A_653 : i32
        %parallel_loop3A_655 = arith.extui %parallel_loop3A_654 : i1 to i32
        %parallel_loop3A_656 = arith.subi %parallel_loop3A_652, %parallel_loop3A_655 : i32
        %parallel_loop3A_657 = arith.cmpi ne, %parallel_loop3A_649, %parallel_loop3A_656 : i32
        %parallel_loop3A_658 = arith.remsi %parallel_loop3A_618, %parallel_loop3A_641 : i32
        %parallel_loop3A_659 = arith.constant 0 : i32
        %parallel_loop3A_660 = arith.cmpi ne, %parallel_loop3A_658, %parallel_loop3A_659 : i32
        %parallel_loop3A_661 = arith.andi %parallel_loop3A_657, %parallel_loop3A_660 : i1
        %parallel_loop3A_662 = arith.constant 1 : i32
        %parallel_loop3A_663 = arith.subi %parallel_loop3A_642, %parallel_loop3A_662 : i32
        %parallel_loop3A_664 = arith.select %parallel_loop3A_661, %parallel_loop3A_663, %parallel_loop3A_642 : i32
        %parallel_loop3A_665 = arith.constant 2048 : i32
        %parallel_loop3A_666 = arith.muli %parallel_loop3A_664, %parallel_loop3A_665 : i32
        %parallel_loop3A_667 = arith.addi %add3A_387, %parallel_loop3A_666 : i32
        %parallel_loop3A_668 = arith.constant 8 : i32
        %parallel_loop3A_669 = arith.constant 0 : i32
        %parallel_loop3A_670 = arith.cmpi eq, %parallel_loop3A_668, %parallel_loop3A_669 : i32
        %parallel_loop3A_671 = arith.constant 1 : i32
        %parallel_loop3A_672 = arith.select %parallel_loop3A_670, %parallel_loop3A_671, %parallel_loop3A_668 : i32
        %parallel_loop3A_673 = arith.remsi %parallel_loop3A_618, %parallel_loop3A_672 : i32
        %parallel_loop3A_674 = arith.constant 0 : i32
        %parallel_loop3A_675 = arith.cmpi ne, %parallel_loop3A_673, %parallel_loop3A_674 : i32
        %parallel_loop3A_676 = arith.constant 0 : i32
        %parallel_loop3A_677 = arith.cmpi slt, %parallel_loop3A_673, %parallel_loop3A_676 : i32
        %parallel_loop3A_678 = arith.constant 0 : i32
        %parallel_loop3A_679 = arith.cmpi slt, %parallel_loop3A_672, %parallel_loop3A_678 : i32
        %parallel_loop3A_680 = arith.xori %parallel_loop3A_677, %parallel_loop3A_679 : i1
        %parallel_loop3A_681 = arith.andi %parallel_loop3A_680, %parallel_loop3A_675 : i1
        %parallel_loop3A_682 = arith.addi %parallel_loop3A_673, %parallel_loop3A_672 : i32
        %parallel_loop3A_683 = arith.select %parallel_loop3A_681, %parallel_loop3A_682, %parallel_loop3A_673 : i32
        %parallel_loop3A_684 = arith.constant 128 : i32
        %parallel_loop3A_685 = arith.muli %parallel_loop3A_683, %parallel_loop3A_684 : i32
        %parallel_loop3A_686 = arith.addi %parallel_loop3A_667, %parallel_loop3A_685 : i32
        %parallel_loop3A_687 = arith.constant 16 : i32
        %parallel_loop3A_688 = arith.muli %parallel_loop3A_634, %parallel_loop3A_687 : i32
        %parallel_loop3A_689 = arith.addi %parallel_loop3A_686, %parallel_loop3A_688 : i32
        %parallel_loop3A_690 = arith.index_cast %parallel_loop3A_689 : i32 to index
        %parallel_loop3A_691 = tpu.vector_load %arg9[%parallel_loop3A_690] {strides = array<i32>} : memref<32768xf32, #tpu.memory_space<vmem>>, vector<16xf32>,
        tpu.vector_store %arg9[%parallel_loop3A_690], %parallel_loop3A_640 {strides = array<i32>} : memref<32768xf32, #tpu.memory_space<vmem>>, vector<16xf32>,
      } {sc.loop_unroll_factor = 4 : i64, sc.parallel_access}
      %get3A_394 = arith.index_cast %select_n3A_275 : i32 to index
      %get3A_395 = arith.constant 48 : index
      %get3A_396 = tpu.vector_load %arg6[%get3A_394, %get3A_395] {strides = array<i32>} : memref<200x64xf32, #tpu.memory_space<vmem>>, vector<16xf32>,
      %mul3A_397 = arith.constant 256 : i32
      %mul3A_398 = arith.muli %select_n3A_307, %mul3A_397 : i32
      %add3A_399 = arith.constant 0 : i32
      %add3A_400 = arith.addi %mul3A_398, %add3A_399 : i32
      %mul3A_401 = arith.constant 16384 : i32
      %mul3A_402 = arith.muli %select_n3A_307, %mul3A_401 : i32
      %add3A_403 = arith.constant 12288 : i32
      %add3A_404 = arith.addi %mul3A_402, %add3A_403 : i32
      %add3A_405 = arith.constant 0 : i32
      %add3A_406 = arith.addi %add3A_404, %add3A_405 : i32
      %parallel_loop3A_407 = arith.constant 0 : i32
      %parallel_loop3A_408 = arith.constant 128 : i32
      %parallel_loop3A_409 = arith.constant 1 : i32
      scf.for %parallel_loop3A_594 = %parallel_loop3A_407 to %parallel_loop3A_408 step %parallel_loop3A_409  : i32 {
        %parallel_loop3A_595 = arith.addi %add3A_400, %parallel_loop3A_594 : i32
        %parallel_loop3A_596 = arith.index_cast %parallel_loop3A_595 : i32 to index
        %parallel_loop3A_597 = arith.constant 48 : index
        %parallel_loop3A_598 = tpu.vector_load %arg8[%parallel_loop3A_596, %parallel_loop3A_597] {strides = array<i32>} : memref<512x64xf32, #tpu.memory_space<vmem>>, vector<16xf32>,
        %parallel_loop3A_599 = arith.addf %parallel_loop3A_598, %get3A_396 : vector<16xf32>
        %parallel_loop3A_600 = arith.constant 17 : i32
        %parallel_loop3A_601 = arith.muli %parallel_loop3A_594, %parallel_loop3A_600 : i32
        %parallel_loop3A_602 = arith.index_cast %parallel_loop3A_601 : i32 to index
        %parallel_loop3A_603 = tpu.vector_load %arg10[%parallel_loop3A_602] {strides = array<i32>} : memref<2176xf32, #tpu.memory_space<vmem>>, vector<16xf32>,
        tpu.vector_store %arg10[%parallel_loop3A_602], %parallel_loop3A_599 {strides = array<i32>} : memref<2176xf32, #tpu.memory_space<vmem>>, vector<16xf32>,
      } {sc.loop_unroll_factor = 4 : i64, sc.parallel_access}
      %parallel_loop3A_410 = arith.constant 0 : i32
      %parallel_loop3A_411 = arith.constant 128 : i32
      %parallel_loop3A_412 = arith.constant 1 : i32
      scf.for %parallel_loop3A_594 = %parallel_loop3A_410 to %parallel_loop3A_411 step %parallel_loop3A_412  : i32 {
        %parallel_loop3A_595 = arith.constant 8 : i32
        %parallel_loop3A_596 = arith.divsi %parallel_loop3A_594, %parallel_loop3A_595 : i32
        %parallel_loop3A_597 = arith.constant 0 : i32
        %parallel_loop3A_598 = arith.cmpi sgt, %parallel_loop3A_594, %parallel_loop3A_597 : i32
        %parallel_loop3A_599 = arith.extui %parallel_loop3A_598 : i1 to i32
        %parallel_loop3A_600 = arith.constant 0 : i32
        %parallel_loop3A_601 = arith.cmpi slt, %parallel_loop3A_594, %parallel_loop3A_600 : i32
        %parallel_loop3A_602 = arith.extui %parallel_loop3A_601 : i1 to i32
        %parallel_loop3A_603 = arith.subi %parallel_loop3A_599, %parallel_loop3A_602 : i32
        %parallel_loop3A_604 = arith.constant 0 : i32
        %parallel_loop3A_605 = arith.cmpi sgt, %parallel_loop3A_595, %parallel_loop3A_604 : i32
        %parallel_loop3A_606 = arith.extui %parallel_loop3A_605 : i1 to i32
        %parallel_loop3A_607 = arith.constant 0 : i32
        %parallel_loop3A_608 = arith.cmpi slt, %parallel_loop3A_595, %parallel_loop3A_607 : i32
        %parallel_loop3A_609 = arith.extui %parallel_loop3A_608 : i1 to i32
        %parallel_loop3A_610 = arith.subi %parallel_loop3A_606, %parallel_loop3A_609 : i32
        %parallel_loop3A_611 = arith.cmpi ne, %parallel_loop3A_603, %parallel_loop3A_610 : i32
        %parallel_loop3A_612 = arith.remsi %parallel_loop3A_594, %parallel_loop3A_595 : i32
        %parallel_loop3A_613 = arith.constant 0 : i32
        %parallel_loop3A_614 = arith.cmpi ne, %parallel_loop3A_612, %parallel_loop3A_613 : i32
        %parallel_loop3A_615 = arith.andi %parallel_loop3A_611, %parallel_loop3A_614 : i1
        %parallel_loop3A_616 = arith.constant 1 : i32
        %parallel_loop3A_617 = arith.subi %parallel_loop3A_596, %parallel_loop3A_616 : i32
        %parallel_loop3A_618 = arith.select %parallel_loop3A_615, %parallel_loop3A_617, %parallel_loop3A_596 : i32
        %parallel_loop3A_619 = arith.constant 8 : i32
        %parallel_loop3A_620 = arith.constant 0 : i32
        %parallel_loop3A_621 = arith.cmpi eq, %parallel_loop3A_619, %parallel_loop3A_620 : i32
        %parallel_loop3A_622 = arith.constant 1 : i32
        %parallel_loop3A_623 = arith.select %parallel_loop3A_621, %parallel_loop3A_622, %parallel_loop3A_619 : i32
        %parallel_loop3A_624 = arith.remsi %parallel_loop3A_594, %parallel_loop3A_623 : i32
        %parallel_loop3A_625 = arith.constant 0 : i32
        %parallel_loop3A_626 = arith.cmpi ne, %parallel_loop3A_624, %parallel_loop3A_625 : i32
        %parallel_loop3A_627 = arith.constant 0 : i32
        %parallel_loop3A_628 = arith.cmpi slt, %parallel_loop3A_624, %parallel_loop3A_627 : i32
        %parallel_loop3A_629 = arith.constant 0 : i32
        %parallel_loop3A_630 = arith.cmpi slt, %parallel_loop3A_623, %parallel_loop3A_629 : i32
        %parallel_loop3A_631 = arith.xori %parallel_loop3A_628, %parallel_loop3A_630 : i1
        %parallel_loop3A_632 = arith.andi %parallel_loop3A_631, %parallel_loop3A_626 : i1
        %parallel_loop3A_633 = arith.addi %parallel_loop3A_624, %parallel_loop3A_623 : i32
        %parallel_loop3A_634 = arith.select %parallel_loop3A_632, %parallel_loop3A_633, %parallel_loop3A_624 : i32
        %parallel_loop3A_635 = arith.constant 272 : i32
        %parallel_loop3A_636 = arith.muli %parallel_loop3A_634, %parallel_loop3A_635 : i32
        %parallel_loop3A_637 = arith.addi %parallel_loop3A_636, %parallel_loop3A_618 : i32
        %parallel_loop3A_638 = vector.broadcast %parallel_loop3A_637 : i32 to vector<16xi32>
        %parallel_loop3A_639 = arith.addi %mul3A_3, %parallel_loop3A_638 : vector<16xi32>
        %parallel_loop3A_640 = tpu.vector_load_idx %arg10[%parallel_loop3A_639] : memref<2176xf32, #tpu.memory_space<vmem>>[vector<16xi32>], vector<16xf32>,
        %parallel_loop3A_641 = arith.constant 8 : i32
        %parallel_loop3A_642 = arith.divsi %parallel_loop3A_618, %parallel_loop3A_641 : i32
        %parallel_loop3A_643 = arith.constant 0 : i32
        %parallel_loop3A_644 = arith.cmpi sgt, %parallel_loop3A_618, %parallel_loop3A_643 : i32
        %parallel_loop3A_645 = arith.extui %parallel_loop3A_644 : i1 to i32
        %parallel_loop3A_646 = arith.constant 0 : i32
        %parallel_loop3A_647 = arith.cmpi slt, %parallel_loop3A_618, %parallel_loop3A_646 : i32
        %parallel_loop3A_648 = arith.extui %parallel_loop3A_647 : i1 to i32
        %parallel_loop3A_649 = arith.subi %parallel_loop3A_645, %parallel_loop3A_648 : i32
        %parallel_loop3A_650 = arith.constant 0 : i32
        %parallel_loop3A_651 = arith.cmpi sgt, %parallel_loop3A_641, %parallel_loop3A_650 : i32
        %parallel_loop3A_652 = arith.extui %parallel_loop3A_651 : i1 to i32
        %parallel_loop3A_653 = arith.constant 0 : i32
        %parallel_loop3A_654 = arith.cmpi slt, %parallel_loop3A_641, %parallel_loop3A_653 : i32
        %parallel_loop3A_655 = arith.extui %parallel_loop3A_654 : i1 to i32
        %parallel_loop3A_656 = arith.subi %parallel_loop3A_652, %parallel_loop3A_655 : i32
        %parallel_loop3A_657 = arith.cmpi ne, %parallel_loop3A_649, %parallel_loop3A_656 : i32
        %parallel_loop3A_658 = arith.remsi %parallel_loop3A_618, %parallel_loop3A_641 : i32
        %parallel_loop3A_659 = arith.constant 0 : i32
        %parallel_loop3A_660 = arith.cmpi ne, %parallel_loop3A_658, %parallel_loop3A_659 : i32
        %parallel_loop3A_661 = arith.andi %parallel_loop3A_657, %parallel_loop3A_660 : i1
        %parallel_loop3A_662 = arith.constant 1 : i32
        %parallel_loop3A_663 = arith.subi %parallel_loop3A_642, %parallel_loop3A_662 : i32
        %parallel_loop3A_664 = arith.select %parallel_loop3A_661, %parallel_loop3A_663, %parallel_loop3A_642 : i32
        %parallel_loop3A_665 = arith.constant 2048 : i32
        %parallel_loop3A_666 = arith.muli %parallel_loop3A_664, %parallel_loop3A_665 : i32
        %parallel_loop3A_667 = arith.addi %add3A_406, %parallel_loop3A_666 : i32
        %parallel_loop3A_668 = arith.constant 8 : i32
        %parallel_loop3A_669 = arith.constant 0 : i32
        %parallel_loop3A_670 = arith.cmpi eq, %parallel_loop3A_668, %parallel_loop3A_669 : i32
        %parallel_loop3A_671 = arith.constant 1 : i32
        %parallel_loop3A_672 = arith.select %parallel_loop3A_670, %parallel_loop3A_671, %parallel_loop3A_668 : i32
        %parallel_loop3A_673 = arith.remsi %parallel_loop3A_618, %parallel_loop3A_672 : i32
        %parallel_loop3A_674 = arith.constant 0 : i32
        %parallel_loop3A_675 = arith.cmpi ne, %parallel_loop3A_673, %parallel_loop3A_674 : i32
        %parallel_loop3A_676 = arith.constant 0 : i32
        %parallel_loop3A_677 = arith.cmpi slt, %parallel_loop3A_673, %parallel_loop3A_676 : i32
        %parallel_loop3A_678 = arith.constant 0 : i32
        %parallel_loop3A_679 = arith.cmpi slt, %parallel_loop3A_672, %parallel_loop3A_678 : i32
        %parallel_loop3A_680 = arith.xori %parallel_loop3A_677, %parallel_loop3A_679 : i1
        %parallel_loop3A_681 = arith.andi %parallel_loop3A_680, %parallel_loop3A_675 : i1
        %parallel_loop3A_682 = arith.addi %parallel_loop3A_673, %parallel_loop3A_672 : i32
        %parallel_loop3A_683 = arith.select %parallel_loop3A_681, %parallel_loop3A_682, %parallel_loop3A_673 : i32
        %parallel_loop3A_684 = arith.constant 128 : i32
        %parallel_loop3A_685 = arith.muli %parallel_loop3A_683, %parallel_loop3A_684 : i32
        %parallel_loop3A_686 = arith.addi %parallel_loop3A_667, %parallel_loop3A_685 : i32
        %parallel_loop3A_687 = arith.constant 16 : i32
        %parallel_loop3A_688 = arith.muli %parallel_loop3A_634, %parallel_loop3A_687 : i32
        %parallel_loop3A_689 = arith.addi %parallel_loop3A_686, %parallel_loop3A_688 : i32
        %parallel_loop3A_690 = arith.index_cast %parallel_loop3A_689 : i32 to index
        %parallel_loop3A_691 = tpu.vector_load %arg9[%parallel_loop3A_690] {strides = array<i32>} : memref<32768xf32, #tpu.memory_space<vmem>>, vector<16xf32>,
        tpu.vector_store %arg9[%parallel_loop3A_690], %parallel_loop3A_640 {strides = array<i32>} : memref<32768xf32, #tpu.memory_space<vmem>>, vector<16xf32>,
      } {sc.loop_unroll_factor = 4 : i64, sc.parallel_access}
      %get3A_413 = arith.index_cast %select_n3A_275 : i32 to index
      %get3A_414 = arith.constant 0 : index
      %get3A_415 = tpu.vector_load %arg6[%get3A_413, %get3A_414] {strides = array<i32>} : memref<200x64xf32, #tpu.memory_space<vmem>>, vector<16xf32>,
      %mul3A_416 = arith.constant 256 : i32
      %mul3A_417 = arith.muli %select_n3A_307, %mul3A_416 : i32
      %add3A_418 = arith.constant 128 : i32
      %add3A_419 = arith.addi %mul3A_417, %add3A_418 : i32
      %mul3A_420 = arith.constant 16384 : i32
      %mul3A_421 = arith.muli %select_n3A_307, %mul3A_420 : i32
      %add3A_422 = arith.constant 0 : i32
      %add3A_423 = arith.addi %mul3A_421, %add3A_422 : i32
      %add3A_424 = arith.constant 1024 : i32
      %add3A_425 = arith.addi %add3A_423, %add3A_424 : i32
      %parallel_loop3A_426 = arith.constant 0 : i32
      %parallel_loop3A_427 = arith.constant 128 : i32
      %parallel_loop3A_428 = arith.constant 1 : i32
      scf.for %parallel_loop3A_594 = %parallel_loop3A_426 to %parallel_loop3A_427 step %parallel_loop3A_428  : i32 {
        %parallel_loop3A_595 = arith.addi %add3A_419, %parallel_loop3A_594 : i32
        %parallel_loop3A_596 = arith.index_cast %parallel_loop3A_595 : i32 to index
        %parallel_loop3A_597 = arith.constant 0 : index
        %parallel_loop3A_598 = tpu.vector_load %arg8[%parallel_loop3A_596, %parallel_loop3A_597] {strides = array<i32>} : memref<512x64xf32, #tpu.memory_space<vmem>>, vector<16xf32>,
        %parallel_loop3A_599 = arith.addf %parallel_loop3A_598, %get3A_415 : vector<16xf32>
        %parallel_loop3A_600 = arith.constant 17 : i32
        %parallel_loop3A_601 = arith.muli %parallel_loop3A_594, %parallel_loop3A_600 : i32
        %parallel_loop3A_602 = arith.index_cast %parallel_loop3A_601 : i32 to index
        %parallel_loop3A_603 = tpu.vector_load %arg10[%parallel_loop3A_602] {strides = array<i32>} : memref<2176xf32, #tpu.memory_space<vmem>>, vector<16xf32>,
        tpu.vector_store %arg10[%parallel_loop3A_602], %parallel_loop3A_599 {strides = array<i32>} : memref<2176xf32, #tpu.memory_space<vmem>>, vector<16xf32>,
      } {sc.loop_unroll_factor = 4 : i64, sc.parallel_access}
      %parallel_loop3A_429 = arith.constant 0 : i32
      %parallel_loop3A_430 = arith.constant 128 : i32
      %parallel_loop3A_431 = arith.constant 1 : i32
      scf.for %parallel_loop3A_594 = %parallel_loop3A_429 to %parallel_loop3A_430 step %parallel_loop3A_431  : i32 {
        %parallel_loop3A_595 = arith.constant 8 : i32
        %parallel_loop3A_596 = arith.divsi %parallel_loop3A_594, %parallel_loop3A_595 : i32
        %parallel_loop3A_597 = arith.constant 0 : i32
        %parallel_loop3A_598 = arith.cmpi sgt, %parallel_loop3A_594, %parallel_loop3A_597 : i32
        %parallel_loop3A_599 = arith.extui %parallel_loop3A_598 : i1 to i32
        %parallel_loop3A_600 = arith.constant 0 : i32
        %parallel_loop3A_601 = arith.cmpi slt, %parallel_loop3A_594, %parallel_loop3A_600 : i32
        %parallel_loop3A_602 = arith.extui %parallel_loop3A_601 : i1 to i32
        %parallel_loop3A_603 = arith.subi %parallel_loop3A_599, %parallel_loop3A_602 : i32
        %parallel_loop3A_604 = arith.constant 0 : i32
        %parallel_loop3A_605 = arith.cmpi sgt, %parallel_loop3A_595, %parallel_loop3A_604 : i32
        %parallel_loop3A_606 = arith.extui %parallel_loop3A_605 : i1 to i32
        %parallel_loop3A_607 = arith.constant 0 : i32
        %parallel_loop3A_608 = arith.cmpi slt, %parallel_loop3A_595, %parallel_loop3A_607 : i32
        %parallel_loop3A_609 = arith.extui %parallel_loop3A_608 : i1 to i32
        %parallel_loop3A_610 = arith.subi %parallel_loop3A_606, %parallel_loop3A_609 : i32
        %parallel_loop3A_611 = arith.cmpi ne, %parallel_loop3A_603, %parallel_loop3A_610 : i32
        %parallel_loop3A_612 = arith.remsi %parallel_loop3A_594, %parallel_loop3A_595 : i32
        %parallel_loop3A_613 = arith.constant 0 : i32
        %parallel_loop3A_614 = arith.cmpi ne, %parallel_loop3A_612, %parallel_loop3A_613 : i32
        %parallel_loop3A_615 = arith.andi %parallel_loop3A_611, %parallel_loop3A_614 : i1
        %parallel_loop3A_616 = arith.constant 1 : i32
        %parallel_loop3A_617 = arith.subi %parallel_loop3A_596, %parallel_loop3A_616 : i32
        %parallel_loop3A_618 = arith.select %parallel_loop3A_615, %parallel_loop3A_617, %parallel_loop3A_596 : i32
        %parallel_loop3A_619 = arith.constant 8 : i32
        %parallel_loop3A_620 = arith.constant 0 : i32
        %parallel_loop3A_621 = arith.cmpi eq, %parallel_loop3A_619, %parallel_loop3A_620 : i32
        %parallel_loop3A_622 = arith.constant 1 : i32
        %parallel_loop3A_623 = arith.select %parallel_loop3A_621, %parallel_loop3A_622, %parallel_loop3A_619 : i32
        %parallel_loop3A_624 = arith.remsi %parallel_loop3A_594, %parallel_loop3A_623 : i32
        %parallel_loop3A_625 = arith.constant 0 : i32
        %parallel_loop3A_626 = arith.cmpi ne, %parallel_loop3A_624, %parallel_loop3A_625 : i32
        %parallel_loop3A_627 = arith.constant 0 : i32
        %parallel_loop3A_628 = arith.cmpi slt, %parallel_loop3A_624, %parallel_loop3A_627 : i32
        %parallel_loop3A_629 = arith.constant 0 : i32
        %parallel_loop3A_630 = arith.cmpi slt, %parallel_loop3A_623, %parallel_loop3A_629 : i32
        %parallel_loop3A_631 = arith.xori %parallel_loop3A_628, %parallel_loop3A_630 : i1
        %parallel_loop3A_632 = arith.andi %parallel_loop3A_631, %parallel_loop3A_626 : i1
        %parallel_loop3A_633 = arith.addi %parallel_loop3A_624, %parallel_loop3A_623 : i32
        %parallel_loop3A_634 = arith.select %parallel_loop3A_632, %parallel_loop3A_633, %parallel_loop3A_624 : i32
        %parallel_loop3A_635 = arith.constant 272 : i32
        %parallel_loop3A_636 = arith.muli %parallel_loop3A_634, %parallel_loop3A_635 : i32
        %parallel_loop3A_637 = arith.addi %parallel_loop3A_636, %parallel_loop3A_618 : i32
        %parallel_loop3A_638 = vector.broadcast %parallel_loop3A_637 : i32 to vector<16xi32>
        %parallel_loop3A_639 = arith.addi %mul3A_3, %parallel_loop3A_638 : vector<16xi32>
        %parallel_loop3A_640 = tpu.vector_load_idx %arg10[%parallel_loop3A_639] : memref<2176xf32, #tpu.memory_space<vmem>>[vector<16xi32>], vector<16xf32>,
        %parallel_loop3A_641 = arith.constant 8 : i32
        %parallel_loop3A_642 = arith.divsi %parallel_loop3A_618, %parallel_loop3A_641 : i32
        %parallel_loop3A_643 = arith.constant 0 : i32
        %parallel_loop3A_644 = arith.cmpi sgt, %parallel_loop3A_618, %parallel_loop3A_643 : i32
        %parallel_loop3A_645 = arith.extui %parallel_loop3A_644 : i1 to i32
        %parallel_loop3A_646 = arith.constant 0 : i32
        %parallel_loop3A_647 = arith.cmpi slt, %parallel_loop3A_618, %parallel_loop3A_646 : i32
        %parallel_loop3A_648 = arith.extui %parallel_loop3A_647 : i1 to i32
        %parallel_loop3A_649 = arith.subi %parallel_loop3A_645, %parallel_loop3A_648 : i32
        %parallel_loop3A_650 = arith.constant 0 : i32
        %parallel_loop3A_651 = arith.cmpi sgt, %parallel_loop3A_641, %parallel_loop3A_650 : i32
        %parallel_loop3A_652 = arith.extui %parallel_loop3A_651 : i1 to i32
        %parallel_loop3A_653 = arith.constant 0 : i32
        %parallel_loop3A_654 = arith.cmpi slt, %parallel_loop3A_641, %parallel_loop3A_653 : i32
        %parallel_loop3A_655 = arith.extui %parallel_loop3A_654 : i1 to i32
        %parallel_loop3A_656 = arith.subi %parallel_loop3A_652, %parallel_loop3A_655 : i32
        %parallel_loop3A_657 = arith.cmpi ne, %parallel_loop3A_649, %parallel_loop3A_656 : i32
        %parallel_loop3A_658 = arith.remsi %parallel_loop3A_618, %parallel_loop3A_641 : i32
        %parallel_loop3A_659 = arith.constant 0 : i32
        %parallel_loop3A_660 = arith.cmpi ne, %parallel_loop3A_658, %parallel_loop3A_659 : i32
        %parallel_loop3A_661 = arith.andi %parallel_loop3A_657, %parallel_loop3A_660 : i1
        %parallel_loop3A_662 = arith.constant 1 : i32
        %parallel_loop3A_663 = arith.subi %parallel_loop3A_642, %parallel_loop3A_662 : i32
        %parallel_loop3A_664 = arith.select %parallel_loop3A_661, %parallel_loop3A_663, %parallel_loop3A_642 : i32
        %parallel_loop3A_665 = arith.constant 2048 : i32
        %parallel_loop3A_666 = arith.muli %parallel_loop3A_664, %parallel_loop3A_665 : i32
        %parallel_loop3A_667 = arith.addi %add3A_425, %parallel_loop3A_666 : i32
        %parallel_loop3A_668 = arith.constant 8 : i32
        %parallel_loop3A_669 = arith.constant 0 : i32
        %parallel_loop3A_670 = arith.cmpi eq, %parallel_loop3A_668, %parallel_loop3A_669 : i32
        %parallel_loop3A_671 = arith.constant 1 : i32
        %parallel_loop3A_672 = arith.select %parallel_loop3A_670, %parallel_loop3A_671, %parallel_loop3A_668 : i32
        %parallel_loop3A_673 = arith.remsi %parallel_loop3A_618, %parallel_loop3A_672 : i32
        %parallel_loop3A_674 = arith.constant 0 : i32
        %parallel_loop3A_675 = arith.cmpi ne, %parallel_loop3A_673, %parallel_loop3A_674 : i32
        %parallel_loop3A_676 = arith.constant 0 : i32
        %parallel_loop3A_677 = arith.cmpi slt, %parallel_loop3A_673, %parallel_loop3A_676 : i32
        %parallel_loop3A_678 = arith.constant 0 : i32
        %parallel_loop3A_679 = arith.cmpi slt, %parallel_loop3A_672, %parallel_loop3A_678 : i32
        %parallel_loop3A_680 = arith.xori %parallel_loop3A_677, %parallel_loop3A_679 : i1
        %parallel_loop3A_681 = arith.andi %parallel_loop3A_680, %parallel_loop3A_675 : i1
        %parallel_loop3A_682 = arith.addi %parallel_loop3A_673, %parallel_loop3A_672 : i32
        %parallel_loop3A_683 = arith.select %parallel_loop3A_681, %parallel_loop3A_682, %parallel_loop3A_673 : i32
        %parallel_loop3A_684 = arith.constant 128 : i32
        %parallel_loop3A_685 = arith.muli %parallel_loop3A_683, %parallel_loop3A_684 : i32
        %parallel_loop3A_686 = arith.addi %parallel_loop3A_667, %parallel_loop3A_685 : i32
        %parallel_loop3A_687 = arith.constant 16 : i32
        %parallel_loop3A_688 = arith.muli %parallel_loop3A_634, %parallel_loop3A_687 : i32
        %parallel_loop3A_689 = arith.addi %parallel_loop3A_686, %parallel_loop3A_688 : i32
        %parallel_loop3A_690 = arith.index_cast %parallel_loop3A_689 : i32 to index
        %parallel_loop3A_691 = tpu.vector_load %arg9[%parallel_loop3A_690] {strides = array<i32>} : memref<32768xf32, #tpu.memory_space<vmem>>, vector<16xf32>,
        tpu.vector_store %arg9[%parallel_loop3A_690], %parallel_loop3A_640 {strides = array<i32>} : memref<32768xf32, #tpu.memory_space<vmem>>, vector<16xf32>,
      } {sc.loop_unroll_factor = 4 : i64, sc.parallel_access}
      %get3A_432 = arith.index_cast %select_n3A_275 : i32 to index
      %get3A_433 = arith.constant 16 : index
      %get3A_434 = tpu.vector_load %arg6[%get3A_432, %get3A_433] {strides = array<i32>} : memref<200x64xf32, #tpu.memory_space<vmem>>, vector<16xf32>,
      %mul3A_435 = arith.constant 256 : i32
      %mul3A_436 = arith.muli %select_n3A_307, %mul3A_435 : i32
      %add3A_437 = arith.constant 128 : i32
      %add3A_438 = arith.addi %mul3A_436, %add3A_437 : i32
      %mul3A_439 = arith.constant 16384 : i32
      %mul3A_440 = arith.muli %select_n3A_307, %mul3A_439 : i32
      %add3A_441 = arith.constant 4096 : i32
      %add3A_442 = arith.addi %mul3A_440, %add3A_441 : i32
      %add3A_443 = arith.constant 1024 : i32
      %add3A_444 = arith.addi %add3A_442, %add3A_443 : i32
      %parallel_loop3A_445 = arith.constant 0 : i32
      %parallel_loop3A_446 = arith.constant 128 : i32
      %parallel_loop3A_447 = arith.constant 1 : i32
      scf.for %parallel_loop3A_594 = %parallel_loop3A_445 to %parallel_loop3A_446 step %parallel_loop3A_447  : i32 {
        %parallel_loop3A_595 = arith.addi %add3A_438, %parallel_loop3A_594 : i32
        %parallel_loop3A_596 = arith.index_cast %parallel_loop3A_595 : i32 to index
        %parallel_loop3A_597 = arith.constant 16 : index
        %parallel_loop3A_598 = tpu.vector_load %arg8[%parallel_loop3A_596, %parallel_loop3A_597] {strides = array<i32>} : memref<512x64xf32, #tpu.memory_space<vmem>>, vector<16xf32>,
        %parallel_loop3A_599 = arith.addf %parallel_loop3A_598, %get3A_434 : vector<16xf32>
        %parallel_loop3A_600 = arith.constant 17 : i32
        %parallel_loop3A_601 = arith.muli %parallel_loop3A_594, %parallel_loop3A_600 : i32
        %parallel_loop3A_602 = arith.index_cast %parallel_loop3A_601 : i32 to index
        %parallel_loop3A_603 = tpu.vector_load %arg10[%parallel_loop3A_602] {strides = array<i32>} : memref<2176xf32, #tpu.memory_space<vmem>>, vector<16xf32>,
        tpu.vector_store %arg10[%parallel_loop3A_602], %parallel_loop3A_599 {strides = array<i32>} : memref<2176xf32, #tpu.memory_space<vmem>>, vector<16xf32>,
      } {sc.loop_unroll_factor = 4 : i64, sc.parallel_access}
      %parallel_loop3A_448 = arith.constant 0 : i32
      %parallel_loop3A_449 = arith.constant 128 : i32
      %parallel_loop3A_450 = arith.constant 1 : i32
      scf.for %parallel_loop3A_594 = %parallel_loop3A_448 to %parallel_loop3A_449 step %parallel_loop3A_450  : i32 {
        %parallel_loop3A_595 = arith.constant 8 : i32
        %parallel_loop3A_596 = arith.divsi %parallel_loop3A_594, %parallel_loop3A_595 : i32
        %parallel_loop3A_597 = arith.constant 0 : i32
        %parallel_loop3A_598 = arith.cmpi sgt, %parallel_loop3A_594, %parallel_loop3A_597 : i32
        %parallel_loop3A_599 = arith.extui %parallel_loop3A_598 : i1 to i32
        %parallel_loop3A_600 = arith.constant 0 : i32
        %parallel_loop3A_601 = arith.cmpi slt, %parallel_loop3A_594, %parallel_loop3A_600 : i32
        %parallel_loop3A_602 = arith.extui %parallel_loop3A_601 : i1 to i32
        %parallel_loop3A_603 = arith.subi %parallel_loop3A_599, %parallel_loop3A_602 : i32
        %parallel_loop3A_604 = arith.constant 0 : i32
        %parallel_loop3A_605 = arith.cmpi sgt, %parallel_loop3A_595, %parallel_loop3A_604 : i32
        %parallel_loop3A_606 = arith.extui %parallel_loop3A_605 : i1 to i32
        %parallel_loop3A_607 = arith.constant 0 : i32
        %parallel_loop3A_608 = arith.cmpi slt, %parallel_loop3A_595, %parallel_loop3A_607 : i32
        %parallel_loop3A_609 = arith.extui %parallel_loop3A_608 : i1 to i32
        %parallel_loop3A_610 = arith.subi %parallel_loop3A_606, %parallel_loop3A_609 : i32
        %parallel_loop3A_611 = arith.cmpi ne, %parallel_loop3A_603, %parallel_loop3A_610 : i32
        %parallel_loop3A_612 = arith.remsi %parallel_loop3A_594, %parallel_loop3A_595 : i32
        %parallel_loop3A_613 = arith.constant 0 : i32
        %parallel_loop3A_614 = arith.cmpi ne, %parallel_loop3A_612, %parallel_loop3A_613 : i32
        %parallel_loop3A_615 = arith.andi %parallel_loop3A_611, %parallel_loop3A_614 : i1
        %parallel_loop3A_616 = arith.constant 1 : i32
        %parallel_loop3A_617 = arith.subi %parallel_loop3A_596, %parallel_loop3A_616 : i32
        %parallel_loop3A_618 = arith.select %parallel_loop3A_615, %parallel_loop3A_617, %parallel_loop3A_596 : i32
        %parallel_loop3A_619 = arith.constant 8 : i32
        %parallel_loop3A_620 = arith.constant 0 : i32
        %parallel_loop3A_621 = arith.cmpi eq, %parallel_loop3A_619, %parallel_loop3A_620 : i32
        %parallel_loop3A_622 = arith.constant 1 : i32
        %parallel_loop3A_623 = arith.select %parallel_loop3A_621, %parallel_loop3A_622, %parallel_loop3A_619 : i32
        %parallel_loop3A_624 = arith.remsi %parallel_loop3A_594, %parallel_loop3A_623 : i32
        %parallel_loop3A_625 = arith.constant 0 : i32
        %parallel_loop3A_626 = arith.cmpi ne, %parallel_loop3A_624, %parallel_loop3A_625 : i32
        %parallel_loop3A_627 = arith.constant 0 : i32
        %parallel_loop3A_628 = arith.cmpi slt, %parallel_loop3A_624, %parallel_loop3A_627 : i32
        %parallel_loop3A_629 = arith.constant 0 : i32
        %parallel_loop3A_630 = arith.cmpi slt, %parallel_loop3A_623, %parallel_loop3A_629 : i32
        %parallel_loop3A_631 = arith.xori %parallel_loop3A_628, %parallel_loop3A_630 : i1
        %parallel_loop3A_632 = arith.andi %parallel_loop3A_631, %parallel_loop3A_626 : i1
        %parallel_loop3A_633 = arith.addi %parallel_loop3A_624, %parallel_loop3A_623 : i32
        %parallel_loop3A_634 = arith.select %parallel_loop3A_632, %parallel_loop3A_633, %parallel_loop3A_624 : i32
        %parallel_loop3A_635 = arith.constant 272 : i32
        %parallel_loop3A_636 = arith.muli %parallel_loop3A_634, %parallel_loop3A_635 : i32
        %parallel_loop3A_637 = arith.addi %parallel_loop3A_636, %parallel_loop3A_618 : i32
        %parallel_loop3A_638 = vector.broadcast %parallel_loop3A_637 : i32 to vector<16xi32>
        %parallel_loop3A_639 = arith.addi %mul3A_3, %parallel_loop3A_638 : vector<16xi32>
        %parallel_loop3A_640 = tpu.vector_load_idx %arg10[%parallel_loop3A_639] : memref<2176xf32, #tpu.memory_space<vmem>>[vector<16xi32>], vector<16xf32>,
        %parallel_loop3A_641 = arith.constant 8 : i32
        %parallel_loop3A_642 = arith.divsi %parallel_loop3A_618, %parallel_loop3A_641 : i32
        %parallel_loop3A_643 = arith.constant 0 : i32
        %parallel_loop3A_644 = arith.cmpi sgt, %parallel_loop3A_618, %parallel_loop3A_643 : i32
        %parallel_loop3A_645 = arith.extui %parallel_loop3A_644 : i1 to i32
        %parallel_loop3A_646 = arith.constant 0 : i32
        %parallel_loop3A_647 = arith.cmpi slt, %parallel_loop3A_618, %parallel_loop3A_646 : i32
        %parallel_loop3A_648 = arith.extui %parallel_loop3A_647 : i1 to i32
        %parallel_loop3A_649 = arith.subi %parallel_loop3A_645, %parallel_loop3A_648 : i32
        %parallel_loop3A_650 = arith.constant 0 : i32
        %parallel_loop3A_651 = arith.cmpi sgt, %parallel_loop3A_641, %parallel_loop3A_650 : i32
        %parallel_loop3A_652 = arith.extui %parallel_loop3A_651 : i1 to i32
        %parallel_loop3A_653 = arith.constant 0 : i32
        %parallel_loop3A_654 = arith.cmpi slt, %parallel_loop3A_641, %parallel_loop3A_653 : i32
        %parallel_loop3A_655 = arith.extui %parallel_loop3A_654 : i1 to i32
        %parallel_loop3A_656 = arith.subi %parallel_loop3A_652, %parallel_loop3A_655 : i32
        %parallel_loop3A_657 = arith.cmpi ne, %parallel_loop3A_649, %parallel_loop3A_656 : i32
        %parallel_loop3A_658 = arith.remsi %parallel_loop3A_618, %parallel_loop3A_641 : i32
        %parallel_loop3A_659 = arith.constant 0 : i32
        %parallel_loop3A_660 = arith.cmpi ne, %parallel_loop3A_658, %parallel_loop3A_659 : i32
        %parallel_loop3A_661 = arith.andi %parallel_loop3A_657, %parallel_loop3A_660 : i1
        %parallel_loop3A_662 = arith.constant 1 : i32
        %parallel_loop3A_663 = arith.subi %parallel_loop3A_642, %parallel_loop3A_662 : i32
        %parallel_loop3A_664 = arith.select %parallel_loop3A_661, %parallel_loop3A_663, %parallel_loop3A_642 : i32
        %parallel_loop3A_665 = arith.constant 2048 : i32
        %parallel_loop3A_666 = arith.muli %parallel_loop3A_664, %parallel_loop3A_665 : i32
        %parallel_loop3A_667 = arith.addi %add3A_444, %parallel_loop3A_666 : i32
        %parallel_loop3A_668 = arith.constant 8 : i32
        %parallel_loop3A_669 = arith.constant 0 : i32
        %parallel_loop3A_670 = arith.cmpi eq, %parallel_loop3A_668, %parallel_loop3A_669 : i32
        %parallel_loop3A_671 = arith.constant 1 : i32
        %parallel_loop3A_672 = arith.select %parallel_loop3A_670, %parallel_loop3A_671, %parallel_loop3A_668 : i32
        %parallel_loop3A_673 = arith.remsi %parallel_loop3A_618, %parallel_loop3A_672 : i32
        %parallel_loop3A_674 = arith.constant 0 : i32
        %parallel_loop3A_675 = arith.cmpi ne, %parallel_loop3A_673, %parallel_loop3A_674 : i32
        %parallel_loop3A_676 = arith.constant 0 : i32
        %parallel_loop3A_677 = arith.cmpi slt, %parallel_loop3A_673, %parallel_loop3A_676 : i32
        %parallel_loop3A_678 = arith.constant 0 : i32
        %parallel_loop3A_679 = arith.cmpi slt, %parallel_loop3A_672, %parallel_loop3A_678 : i32
        %parallel_loop3A_680 = arith.xori %parallel_loop3A_677, %parallel_loop3A_679 : i1
        %parallel_loop3A_681 = arith.andi %parallel_loop3A_680, %parallel_loop3A_675 : i1
        %parallel_loop3A_682 = arith.addi %parallel_loop3A_673, %parallel_loop3A_672 : i32
        %parallel_loop3A_683 = arith.select %parallel_loop3A_681, %parallel_loop3A_682, %parallel_loop3A_673 : i32
        %parallel_loop3A_684 = arith.constant 128 : i32
        %parallel_loop3A_685 = arith.muli %parallel_loop3A_683, %parallel_loop3A_684 : i32
        %parallel_loop3A_686 = arith.addi %parallel_loop3A_667, %parallel_loop3A_685 : i32
        %parallel_loop3A_687 = arith.constant 16 : i32
        %parallel_loop3A_688 = arith.muli %parallel_loop3A_634, %parallel_loop3A_687 : i32
        %parallel_loop3A_689 = arith.addi %parallel_loop3A_686, %parallel_loop3A_688 : i32
        %parallel_loop3A_690 = arith.index_cast %parallel_loop3A_689 : i32 to index
        %parallel_loop3A_691 = tpu.vector_load %arg9[%parallel_loop3A_690] {strides = array<i32>} : memref<32768xf32, #tpu.memory_space<vmem>>, vector<16xf32>,
        tpu.vector_store %arg9[%parallel_loop3A_690], %parallel_loop3A_640 {strides = array<i32>} : memref<32768xf32, #tpu.memory_space<vmem>>, vector<16xf32>,
      } {sc.loop_unroll_factor = 4 : i64, sc.parallel_access}
      %get3A_451 = arith.index_cast %select_n3A_275 : i32 to index
      %get3A_452 = arith.constant 32 : index
      %get3A_453 = tpu.vector_load %arg6[%get3A_451, %get3A_452] {strides = array<i32>} : memref<200x64xf32, #tpu.memory_space<vmem>>, vector<16xf32>,
      %mul3A_454 = arith.constant 256 : i32
      %mul3A_455 = arith.muli %select_n3A_307, %mul3A_454 : i32
      %add3A_456 = arith.constant 128 : i32
      %add3A_457 = arith.addi %mul3A_455, %add3A_456 : i32
      %mul3A_458 = arith.constant 16384 : i32
      %mul3A_459 = arith.muli %select_n3A_307, %mul3A_458 : i32
      %add3A_460 = arith.constant 8192 : i32
      %add3A_461 = arith.addi %mul3A_459, %add3A_460 : i32
      %add3A_462 = arith.constant 1024 : i32
      %add3A_463 = arith.addi %add3A_461, %add3A_462 : i32
      %parallel_loop3A_464 = arith.constant 0 : i32
      %parallel_loop3A_465 = arith.constant 128 : i32
      %parallel_loop3A_466 = arith.constant 1 : i32
      scf.for %parallel_loop3A_594 = %parallel_loop3A_464 to %parallel_loop3A_465 step %parallel_loop3A_466  : i32 {
        %parallel_loop3A_595 = arith.addi %add3A_457, %parallel_loop3A_594 : i32
        %parallel_loop3A_596 = arith.index_cast %parallel_loop3A_595 : i32 to index
        %parallel_loop3A_597 = arith.constant 32 : index
        %parallel_loop3A_598 = tpu.vector_load %arg8[%parallel_loop3A_596, %parallel_loop3A_597] {strides = array<i32>} : memref<512x64xf32, #tpu.memory_space<vmem>>, vector<16xf32>,
        %parallel_loop3A_599 = arith.addf %parallel_loop3A_598, %get3A_453 : vector<16xf32>
        %parallel_loop3A_600 = arith.constant 17 : i32
        %parallel_loop3A_601 = arith.muli %parallel_loop3A_594, %parallel_loop3A_600 : i32
        %parallel_loop3A_602 = arith.index_cast %parallel_loop3A_601 : i32 to index
        %parallel_loop3A_603 = tpu.vector_load %arg10[%parallel_loop3A_602] {strides = array<i32>} : memref<2176xf32, #tpu.memory_space<vmem>>, vector<16xf32>,
        tpu.vector_store %arg10[%parallel_loop3A_602], %parallel_loop3A_599 {strides = array<i32>} : memref<2176xf32, #tpu.memory_space<vmem>>, vector<16xf32>,
      } {sc.loop_unroll_factor = 4 : i64, sc.parallel_access}
      %parallel_loop3A_467 = arith.constant 0 : i32
      %parallel_loop3A_468 = arith.constant 128 : i32
      %parallel_loop3A_469 = arith.constant 1 : i32
      scf.for %parallel_loop3A_594 = %parallel_loop3A_467 to %parallel_loop3A_468 step %parallel_loop3A_469  : i32 {
        %parallel_loop3A_595 = arith.constant 8 : i32
        %parallel_loop3A_596 = arith.divsi %parallel_loop3A_594, %parallel_loop3A_595 : i32
        %parallel_loop3A_597 = arith.constant 0 : i32
        %parallel_loop3A_598 = arith.cmpi sgt, %parallel_loop3A_594, %parallel_loop3A_597 : i32
        %parallel_loop3A_599 = arith.extui %parallel_loop3A_598 : i1 to i32
        %parallel_loop3A_600 = arith.constant 0 : i32
        %parallel_loop3A_601 = arith.cmpi slt, %parallel_loop3A_594, %parallel_loop3A_600 : i32
        %parallel_loop3A_602 = arith.extui %parallel_loop3A_601 : i1 to i32
        %parallel_loop3A_603 = arith.subi %parallel_loop3A_599, %parallel_loop3A_602 : i32
        %parallel_loop3A_604 = arith.constant 0 : i32
        %parallel_loop3A_605 = arith.cmpi sgt, %parallel_loop3A_595, %parallel_loop3A_604 : i32
        %parallel_loop3A_606 = arith.extui %parallel_loop3A_605 : i1 to i32
        %parallel_loop3A_607 = arith.constant 0 : i32
        %parallel_loop3A_608 = arith.cmpi slt, %parallel_loop3A_595, %parallel_loop3A_607 : i32
        %parallel_loop3A_609 = arith.extui %parallel_loop3A_608 : i1 to i32
        %parallel_loop3A_610 = arith.subi %parallel_loop3A_606, %parallel_loop3A_609 : i32
        %parallel_loop3A_611 = arith.cmpi ne, %parallel_loop3A_603, %parallel_loop3A_610 : i32
        %parallel_loop3A_612 = arith.remsi %parallel_loop3A_594, %parallel_loop3A_595 : i32
        %parallel_loop3A_613 = arith.constant 0 : i32
        %parallel_loop3A_614 = arith.cmpi ne, %parallel_loop3A_612, %parallel_loop3A_613 : i32
        %parallel_loop3A_615 = arith.andi %parallel_loop3A_611, %parallel_loop3A_614 : i1
        %parallel_loop3A_616 = arith.constant 1 : i32
        %parallel_loop3A_617 = arith.subi %parallel_loop3A_596, %parallel_loop3A_616 : i32
        %parallel_loop3A_618 = arith.select %parallel_loop3A_615, %parallel_loop3A_617, %parallel_loop3A_596 : i32
        %parallel_loop3A_619 = arith.constant 8 : i32
        %parallel_loop3A_620 = arith.constant 0 : i32
        %parallel_loop3A_621 = arith.cmpi eq, %parallel_loop3A_619, %parallel_loop3A_620 : i32
        %parallel_loop3A_622 = arith.constant 1 : i32
        %parallel_loop3A_623 = arith.select %parallel_loop3A_621, %parallel_loop3A_622, %parallel_loop3A_619 : i32
        %parallel_loop3A_624 = arith.remsi %parallel_loop3A_594, %parallel_loop3A_623 : i32
        %parallel_loop3A_625 = arith.constant 0 : i32
        %parallel_loop3A_626 = arith.cmpi ne, %parallel_loop3A_624, %parallel_loop3A_625 : i32
        %parallel_loop3A_627 = arith.constant 0 : i32
        %parallel_loop3A_628 = arith.cmpi slt, %parallel_loop3A_624, %parallel_loop3A_627 : i32
        %parallel_loop3A_629 = arith.constant 0 : i32
        %parallel_loop3A_630 = arith.cmpi slt, %parallel_loop3A_623, %parallel_loop3A_629 : i32
        %parallel_loop3A_631 = arith.xori %parallel_loop3A_628, %parallel_loop3A_630 : i1
        %parallel_loop3A_632 = arith.andi %parallel_loop3A_631, %parallel_loop3A_626 : i1
        %parallel_loop3A_633 = arith.addi %parallel_loop3A_624, %parallel_loop3A_623 : i32
        %parallel_loop3A_634 = arith.select %parallel_loop3A_632, %parallel_loop3A_633, %parallel_loop3A_624 : i32
        %parallel_loop3A_635 = arith.constant 272 : i32
        %parallel_loop3A_636 = arith.muli %parallel_loop3A_634, %parallel_loop3A_635 : i32
        %parallel_loop3A_637 = arith.addi %parallel_loop3A_636, %parallel_loop3A_618 : i32
        %parallel_loop3A_638 = vector.broadcast %parallel_loop3A_637 : i32 to vector<16xi32>
        %parallel_loop3A_639 = arith.addi %mul3A_3, %parallel_loop3A_638 : vector<16xi32>
        %parallel_loop3A_640 = tpu.vector_load_idx %arg10[%parallel_loop3A_639] : memref<2176xf32, #tpu.memory_space<vmem>>[vector<16xi32>], vector<16xf32>,
        %parallel_loop3A_641 = arith.constant 8 : i32
        %parallel_loop3A_642 = arith.divsi %parallel_loop3A_618, %parallel_loop3A_641 : i32
        %parallel_loop3A_643 = arith.constant 0 : i32
        %parallel_loop3A_644 = arith.cmpi sgt, %parallel_loop3A_618, %parallel_loop3A_643 : i32
        %parallel_loop3A_645 = arith.extui %parallel_loop3A_644 : i1 to i32
        %parallel_loop3A_646 = arith.constant 0 : i32
        %parallel_loop3A_647 = arith.cmpi slt, %parallel_loop3A_618, %parallel_loop3A_646 : i32
        %parallel_loop3A_648 = arith.extui %parallel_loop3A_647 : i1 to i32
        %parallel_loop3A_649 = arith.subi %parallel_loop3A_645, %parallel_loop3A_648 : i32
        %parallel_loop3A_650 = arith.constant 0 : i32
        %parallel_loop3A_651 = arith.cmpi sgt, %parallel_loop3A_641, %parallel_loop3A_650 : i32
        %parallel_loop3A_652 = arith.extui %parallel_loop3A_651 : i1 to i32
        %parallel_loop3A_653 = arith.constant 0 : i32
        %parallel_loop3A_654 = arith.cmpi slt, %parallel_loop3A_641, %parallel_loop3A_653 : i32
        %parallel_loop3A_655 = arith.extui %parallel_loop3A_654 : i1 to i32
        %parallel_loop3A_656 = arith.subi %parallel_loop3A_652, %parallel_loop3A_655 : i32
        %parallel_loop3A_657 = arith.cmpi ne, %parallel_loop3A_649, %parallel_loop3A_656 : i32
        %parallel_loop3A_658 = arith.remsi %parallel_loop3A_618, %parallel_loop3A_641 : i32
        %parallel_loop3A_659 = arith.constant 0 : i32
        %parallel_loop3A_660 = arith.cmpi ne, %parallel_loop3A_658, %parallel_loop3A_659 : i32
        %parallel_loop3A_661 = arith.andi %parallel_loop3A_657, %parallel_loop3A_660 : i1
        %parallel_loop3A_662 = arith.constant 1 : i32
        %parallel_loop3A_663 = arith.subi %parallel_loop3A_642, %parallel_loop3A_662 : i32
        %parallel_loop3A_664 = arith.select %parallel_loop3A_661, %parallel_loop3A_663, %parallel_loop3A_642 : i32
        %parallel_loop3A_665 = arith.constant 2048 : i32
        %parallel_loop3A_666 = arith.muli %parallel_loop3A_664, %parallel_loop3A_665 : i32
        %parallel_loop3A_667 = arith.addi %add3A_463, %parallel_loop3A_666 : i32
        %parallel_loop3A_668 = arith.constant 8 : i32
        %parallel_loop3A_669 = arith.constant 0 : i32
        %parallel_loop3A_670 = arith.cmpi eq, %parallel_loop3A_668, %parallel_loop3A_669 : i32
        %parallel_loop3A_671 = arith.constant 1 : i32
        %parallel_loop3A_672 = arith.select %parallel_loop3A_670, %parallel_loop3A_671, %parallel_loop3A_668 : i32
        %parallel_loop3A_673 = arith.remsi %parallel_loop3A_618, %parallel_loop3A_672 : i32
        %parallel_loop3A_674 = arith.constant 0 : i32
        %parallel_loop3A_675 = arith.cmpi ne, %parallel_loop3A_673, %parallel_loop3A_674 : i32
        %parallel_loop3A_676 = arith.constant 0 : i32
        %parallel_loop3A_677 = arith.cmpi slt, %parallel_loop3A_673, %parallel_loop3A_676 : i32
        %parallel_loop3A_678 = arith.constant 0 : i32
        %parallel_loop3A_679 = arith.cmpi slt, %parallel_loop3A_672, %parallel_loop3A_678 : i32
        %parallel_loop3A_680 = arith.xori %parallel_loop3A_677, %parallel_loop3A_679 : i1
        %parallel_loop3A_681 = arith.andi %parallel_loop3A_680, %parallel_loop3A_675 : i1
        %parallel_loop3A_682 = arith.addi %parallel_loop3A_673, %parallel_loop3A_672 : i32
        %parallel_loop3A_683 = arith.select %parallel_loop3A_681, %parallel_loop3A_682, %parallel_loop3A_673 : i32
        %parallel_loop3A_684 = arith.constant 128 : i32
        %parallel_loop3A_685 = arith.muli %parallel_loop3A_683, %parallel_loop3A_684 : i32
        %parallel_loop3A_686 = arith.addi %parallel_loop3A_667, %parallel_loop3A_685 : i32
        %parallel_loop3A_687 = arith.constant 16 : i32
        %parallel_loop3A_688 = arith.muli %parallel_loop3A_634, %parallel_loop3A_687 : i32
        %parallel_loop3A_689 = arith.addi %parallel_loop3A_686, %parallel_loop3A_688 : i32
        %parallel_loop3A_690 = arith.index_cast %parallel_loop3A_689 : i32 to index
        %parallel_loop3A_691 = tpu.vector_load %arg9[%parallel_loop3A_690] {strides = array<i32>} : memref<32768xf32, #tpu.memory_space<vmem>>, vector<16xf32>,
        tpu.vector_store %arg9[%parallel_loop3A_690], %parallel_loop3A_640 {strides = array<i32>} : memref<32768xf32, #tpu.memory_space<vmem>>, vector<16xf32>,
      } {sc.loop_unroll_factor = 4 : i64, sc.parallel_access}
      %get3A_470 = arith.index_cast %select_n3A_275 : i32 to index
      %get3A_471 = arith.constant 48 : index
      %get3A_472 = tpu.vector_load %arg6[%get3A_470, %get3A_471] {strides = array<i32>} : memref<200x64xf32, #tpu.memory_space<vmem>>, vector<16xf32>,
      %mul3A_473 = arith.constant 256 : i32
      %mul3A_474 = arith.muli %select_n3A_307, %mul3A_473 : i32
      %add3A_475 = arith.constant 128 : i32
      %add3A_476 = arith.addi %mul3A_474, %add3A_475 : i32
      %mul3A_477 = arith.constant 16384 : i32
      %mul3A_478 = arith.muli %select_n3A_307, %mul3A_477 : i32
      %add3A_479 = arith.constant 12288 : i32
      %add3A_480 = arith.addi %mul3A_478, %add3A_479 : i32
      %add3A_481 = arith.constant 1024 : i32
      %add3A_482 = arith.addi %add3A_480, %add3A_481 : i32
      %parallel_loop3A_483 = arith.constant 0 : i32
      %parallel_loop3A_484 = arith.constant 128 : i32
      %parallel_loop3A_485 = arith.constant 1 : i32
      scf.for %parallel_loop3A_594 = %parallel_loop3A_483 to %parallel_loop3A_484 step %parallel_loop3A_485  : i32 {
        %parallel_loop3A_595 = arith.addi %add3A_476, %parallel_loop3A_594 : i32
        %parallel_loop3A_596 = arith.index_cast %parallel_loop3A_595 : i32 to index
        %parallel_loop3A_597 = arith.constant 48 : index
        %parallel_loop3A_598 = tpu.vector_load %arg8[%parallel_loop3A_596, %parallel_loop3A_597] {strides = array<i32>} : memref<512x64xf32, #tpu.memory_space<vmem>>, vector<16xf32>,
        %parallel_loop3A_599 = arith.addf %parallel_loop3A_598, %get3A_472 : vector<16xf32>
        %parallel_loop3A_600 = arith.constant 17 : i32
        %parallel_loop3A_601 = arith.muli %parallel_loop3A_594, %parallel_loop3A_600 : i32
        %parallel_loop3A_602 = arith.index_cast %parallel_loop3A_601 : i32 to index
        %parallel_loop3A_603 = tpu.vector_load %arg10[%parallel_loop3A_602] {strides = array<i32>} : memref<2176xf32, #tpu.memory_space<vmem>>, vector<16xf32>,
        tpu.vector_store %arg10[%parallel_loop3A_602], %parallel_loop3A_599 {strides = array<i32>} : memref<2176xf32, #tpu.memory_space<vmem>>, vector<16xf32>,
      } {sc.loop_unroll_factor = 4 : i64, sc.parallel_access}
      %parallel_loop3A_486 = arith.constant 0 : i32
      %parallel_loop3A_487 = arith.constant 128 : i32
      %parallel_loop3A_488 = arith.constant 1 : i32
      scf.for %parallel_loop3A_594 = %parallel_loop3A_486 to %parallel_loop3A_487 step %parallel_loop3A_488  : i32 {
        %parallel_loop3A_595 = arith.constant 8 : i32
        %parallel_loop3A_596 = arith.divsi %parallel_loop3A_594, %parallel_loop3A_595 : i32
        %parallel_loop3A_597 = arith.constant 0 : i32
        %parallel_loop3A_598 = arith.cmpi sgt, %parallel_loop3A_594, %parallel_loop3A_597 : i32
        %parallel_loop3A_599 = arith.extui %parallel_loop3A_598 : i1 to i32
        %parallel_loop3A_600 = arith.constant 0 : i32
        %parallel_loop3A_601 = arith.cmpi slt, %parallel_loop3A_594, %parallel_loop3A_600 : i32
        %parallel_loop3A_602 = arith.extui %parallel_loop3A_601 : i1 to i32
        %parallel_loop3A_603 = arith.subi %parallel_loop3A_599, %parallel_loop3A_602 : i32
        %parallel_loop3A_604 = arith.constant 0 : i32
        %parallel_loop3A_605 = arith.cmpi sgt, %parallel_loop3A_595, %parallel_loop3A_604 : i32
        %parallel_loop3A_606 = arith.extui %parallel_loop3A_605 : i1 to i32
        %parallel_loop3A_607 = arith.constant 0 : i32
        %parallel_loop3A_608 = arith.cmpi slt, %parallel_loop3A_595, %parallel_loop3A_607 : i32
        %parallel_loop3A_609 = arith.extui %parallel_loop3A_608 : i1 to i32
        %parallel_loop3A_610 = arith.subi %parallel_loop3A_606, %parallel_loop3A_609 : i32
        %parallel_loop3A_611 = arith.cmpi ne, %parallel_loop3A_603, %parallel_loop3A_610 : i32
        %parallel_loop3A_612 = arith.remsi %parallel_loop3A_594, %parallel_loop3A_595 : i32
        %parallel_loop3A_613 = arith.constant 0 : i32
        %parallel_loop3A_614 = arith.cmpi ne, %parallel_loop3A_612, %parallel_loop3A_613 : i32
        %parallel_loop3A_615 = arith.andi %parallel_loop3A_611, %parallel_loop3A_614 : i1
        %parallel_loop3A_616 = arith.constant 1 : i32
        %parallel_loop3A_617 = arith.subi %parallel_loop3A_596, %parallel_loop3A_616 : i32
        %parallel_loop3A_618 = arith.select %parallel_loop3A_615, %parallel_loop3A_617, %parallel_loop3A_596 : i32
        %parallel_loop3A_619 = arith.constant 8 : i32
        %parallel_loop3A_620 = arith.constant 0 : i32
        %parallel_loop3A_621 = arith.cmpi eq, %parallel_loop3A_619, %parallel_loop3A_620 : i32
        %parallel_loop3A_622 = arith.constant 1 : i32
        %parallel_loop3A_623 = arith.select %parallel_loop3A_621, %parallel_loop3A_622, %parallel_loop3A_619 : i32
        %parallel_loop3A_624 = arith.remsi %parallel_loop3A_594, %parallel_loop3A_623 : i32
        %parallel_loop3A_625 = arith.constant 0 : i32
        %parallel_loop3A_626 = arith.cmpi ne, %parallel_loop3A_624, %parallel_loop3A_625 : i32
        %parallel_loop3A_627 = arith.constant 0 : i32
        %parallel_loop3A_628 = arith.cmpi slt, %parallel_loop3A_624, %parallel_loop3A_627 : i32
        %parallel_loop3A_629 = arith.constant 0 : i32
        %parallel_loop3A_630 = arith.cmpi slt, %parallel_loop3A_623, %parallel_loop3A_629 : i32
        %parallel_loop3A_631 = arith.xori %parallel_loop3A_628, %parallel_loop3A_630 : i1
        %parallel_loop3A_632 = arith.andi %parallel_loop3A_631, %parallel_loop3A_626 : i1
        %parallel_loop3A_633 = arith.addi %parallel_loop3A_624, %parallel_loop3A_623 : i32
        %parallel_loop3A_634 = arith.select %parallel_loop3A_632, %parallel_loop3A_633, %parallel_loop3A_624 : i32
        %parallel_loop3A_635 = arith.constant 272 : i32
        %parallel_loop3A_636 = arith.muli %parallel_loop3A_634, %parallel_loop3A_635 : i32
        %parallel_loop3A_637 = arith.addi %parallel_loop3A_636, %parallel_loop3A_618 : i32
        %parallel_loop3A_638 = vector.broadcast %parallel_loop3A_637 : i32 to vector<16xi32>
        %parallel_loop3A_639 = arith.addi %mul3A_3, %parallel_loop3A_638 : vector<16xi32>
        %parallel_loop3A_640 = tpu.vector_load_idx %arg10[%parallel_loop3A_639] : memref<2176xf32, #tpu.memory_space<vmem>>[vector<16xi32>], vector<16xf32>,
        %parallel_loop3A_641 = arith.constant 8 : i32
        %parallel_loop3A_642 = arith.divsi %parallel_loop3A_618, %parallel_loop3A_641 : i32
        %parallel_loop3A_643 = arith.constant 0 : i32
        %parallel_loop3A_644 = arith.cmpi sgt, %parallel_loop3A_618, %parallel_loop3A_643 : i32
        %parallel_loop3A_645 = arith.extui %parallel_loop3A_644 : i1 to i32
        %parallel_loop3A_646 = arith.constant 0 : i32
        %parallel_loop3A_647 = arith.cmpi slt, %parallel_loop3A_618, %parallel_loop3A_646 : i32
        %parallel_loop3A_648 = arith.extui %parallel_loop3A_647 : i1 to i32
        %parallel_loop3A_649 = arith.subi %parallel_loop3A_645, %parallel_loop3A_648 : i32
        %parallel_loop3A_650 = arith.constant 0 : i32
        %parallel_loop3A_651 = arith.cmpi sgt, %parallel_loop3A_641, %parallel_loop3A_650 : i32
        %parallel_loop3A_652 = arith.extui %parallel_loop3A_651 : i1 to i32
        %parallel_loop3A_653 = arith.constant 0 : i32
        %parallel_loop3A_654 = arith.cmpi slt, %parallel_loop3A_641, %parallel_loop3A_653 : i32
        %parallel_loop3A_655 = arith.extui %parallel_loop3A_654 : i1 to i32
        %parallel_loop3A_656 = arith.subi %parallel_loop3A_652, %parallel_loop3A_655 : i32
        %parallel_loop3A_657 = arith.cmpi ne, %parallel_loop3A_649, %parallel_loop3A_656 : i32
        %parallel_loop3A_658 = arith.remsi %parallel_loop3A_618, %parallel_loop3A_641 : i32
        %parallel_loop3A_659 = arith.constant 0 : i32
        %parallel_loop3A_660 = arith.cmpi ne, %parallel_loop3A_658, %parallel_loop3A_659 : i32
        %parallel_loop3A_661 = arith.andi %parallel_loop3A_657, %parallel_loop3A_660 : i1
        %parallel_loop3A_662 = arith.constant 1 : i32
        %parallel_loop3A_663 = arith.subi %parallel_loop3A_642, %parallel_loop3A_662 : i32
        %parallel_loop3A_664 = arith.select %parallel_loop3A_661, %parallel_loop3A_663, %parallel_loop3A_642 : i32
        %parallel_loop3A_665 = arith.constant 2048 : i32
        %parallel_loop3A_666 = arith.muli %parallel_loop3A_664, %parallel_loop3A_665 : i32
        %parallel_loop3A_667 = arith.addi %add3A_482, %parallel_loop3A_666 : i32
        %parallel_loop3A_668 = arith.constant 8 : i32
        %parallel_loop3A_669 = arith.constant 0 : i32
        %parallel_loop3A_670 = arith.cmpi eq, %parallel_loop3A_668, %parallel_loop3A_669 : i32
        %parallel_loop3A_671 = arith.constant 1 : i32
        %parallel_loop3A_672 = arith.select %parallel_loop3A_670, %parallel_loop3A_671, %parallel_loop3A_668 : i32
        %parallel_loop3A_673 = arith.remsi %parallel_loop3A_618, %parallel_loop3A_672 : i32
        %parallel_loop3A_674 = arith.constant 0 : i32
        %parallel_loop3A_675 = arith.cmpi ne, %parallel_loop3A_673, %parallel_loop3A_674 : i32
        %parallel_loop3A_676 = arith.constant 0 : i32
        %parallel_loop3A_677 = arith.cmpi slt, %parallel_loop3A_673, %parallel_loop3A_676 : i32
        %parallel_loop3A_678 = arith.constant 0 : i32
        %parallel_loop3A_679 = arith.cmpi slt, %parallel_loop3A_672, %parallel_loop3A_678 : i32
        %parallel_loop3A_680 = arith.xori %parallel_loop3A_677, %parallel_loop3A_679 : i1
        %parallel_loop3A_681 = arith.andi %parallel_loop3A_680, %parallel_loop3A_675 : i1
        %parallel_loop3A_682 = arith.addi %parallel_loop3A_673, %parallel_loop3A_672 : i32
        %parallel_loop3A_683 = arith.select %parallel_loop3A_681, %parallel_loop3A_682, %parallel_loop3A_673 : i32
        %parallel_loop3A_684 = arith.constant 128 : i32
        %parallel_loop3A_685 = arith.muli %parallel_loop3A_683, %parallel_loop3A_684 : i32
        %parallel_loop3A_686 = arith.addi %parallel_loop3A_667, %parallel_loop3A_685 : i32
        %parallel_loop3A_687 = arith.constant 16 : i32
        %parallel_loop3A_688 = arith.muli %parallel_loop3A_634, %parallel_loop3A_687 : i32
        %parallel_loop3A_689 = arith.addi %parallel_loop3A_686, %parallel_loop3A_688 : i32
        %parallel_loop3A_690 = arith.index_cast %parallel_loop3A_689 : i32 to index
        %parallel_loop3A_691 = tpu.vector_load %arg9[%parallel_loop3A_690] {strides = array<i32>} : memref<32768xf32, #tpu.memory_space<vmem>>, vector<16xf32>,
        tpu.vector_store %arg9[%parallel_loop3A_690], %parallel_loop3A_640 {strides = array<i32>} : memref<32768xf32, #tpu.memory_space<vmem>>, vector<16xf32>,
      } {sc.loop_unroll_factor = 4 : i64, sc.parallel_access}
      %mul3A_489 = arith.constant 8 : i32
      %mul3A_490 = arith.muli %select_n3A_275, %mul3A_489 : i32
      %mul3A_491 = arith.constant 32 : i32
      %mul3A_492 = arith.muli %mul3A_490, %mul3A_491 : i32
      %mul3A_493 = arith.constant 2 : i32
      %mul3A_494 = arith.muli %select_n3A_291, %mul3A_493 : i32
      %add3A_495 = arith.addi %mul3A_492, %mul3A_494 : i32
      %mul3A_496 = arith.constant 1024 : i32
      %mul3A_497 = arith.muli %add3A_495, %mul3A_496 : i32
      %mul3A_498 = arith.constant 16384 : i32
      %mul3A_499 = arith.muli %select_n3A_307, %mul3A_498 : i32
      %add3A_500 = arith.constant 0 : i32
      %add3A_501 = arith.addi %mul3A_499, %add3A_500 : i32
      %add3A_502 = arith.constant 0 : i32
      %add3A_503 = arith.addi %mul3A_497, %add3A_502 : i32
      %dma_start3A_504 = tpu.memref_slice %arg9[%add3A_501] : memref<32768xf32, #tpu.memory_space<vmem>> -> memref<2048xf32, #tpu.memory_space<vmem>>
      %dma_start3A_505 = tpu.memref_slice %arg5[%add3A_503] : memref<52428800xf32, #tpu.memory_space<hbm>> -> memref<2048xf32, #tpu.memory_space<hbm>>
      %dma_start3A_506 = tpu.memref_slice %arg12[%select_n3A_307] : memref<2x!tpu.dma_semaphore, #tpu.memory_space<semaphore_mem>> -> memref<1x!tpu.dma_semaphore, #tpu.memory_space<semaphore_mem>>
      %dma_start3A_507 = tpu.memref_squeeze %dma_start3A_506 : memref<1x!tpu.dma_semaphore, #tpu.memory_space<semaphore_mem>> -> memref<!tpu.dma_semaphore, #tpu.memory_space<semaphore_mem>>
      %dma_start3A_508 = tpu.memref_slice %arg5[%add3A_503] : memref<52428800xf32, #tpu.memory_space<hbm>> -> memref<2048xf32, #tpu.memory_space<hbm>>
      %dma_start3A_509 = tpu.memref_slice %arg9[%add3A_501] : memref<32768xf32, #tpu.memory_space<vmem>> -> memref<2048xf32, #tpu.memory_space<vmem>>
      tpu.enqueue_dma source(%dma_start3A_509 : memref<2048xf32, #tpu.memory_space<vmem>>) target(%dma_start3A_508 : memref<2048xf32, #tpu.memory_space<hbm>>) target_semaphore(%dma_start3A_507 : memref<!tpu.dma_semaphore, #tpu.memory_space<semaphore_mem>>)
      %mul3A_510 = arith.constant 16384 : i32
      %mul3A_511 = arith.muli %select_n3A_307, %mul3A_510 : i32
      %add3A_512 = arith.constant 2048 : i32
      %add3A_513 = arith.addi %mul3A_511, %add3A_512 : i32
      %add3A_514 = arith.constant 32768 : i32
      %add3A_515 = arith.addi %mul3A_497, %add3A_514 : i32
      %dma_start3A_516 = tpu.memref_slice %arg9[%add3A_513] : memref<32768xf32, #tpu.memory_space<vmem>> -> memref<2048xf32, #tpu.memory_space<vmem>>
      %dma_start3A_517 = tpu.memref_slice %arg5[%add3A_515] : memref<52428800xf32, #tpu.memory_space<hbm>> -> memref<2048xf32, #tpu.memory_space<hbm>>
      %dma_start3A_518 = tpu.memref_slice %arg12[%select_n3A_307] : memref<2x!tpu.dma_semaphore, #tpu.memory_space<semaphore_mem>> -> memref<1x!tpu.dma_semaphore, #tpu.memory_space<semaphore_mem>>
      %dma_start3A_519 = tpu.memref_squeeze %dma_start3A_518 : memref<1x!tpu.dma_semaphore, #tpu.memory_space<semaphore_mem>> -> memref<!tpu.dma_semaphore, #tpu.memory_space<semaphore_mem>>
      %dma_start3A_520 = tpu.memref_slice %arg5[%add3A_515] : memref<52428800xf32, #tpu.memory_space<hbm>> -> memref<2048xf32, #tpu.memory_space<hbm>>
      %dma_start3A_521 = tpu.memref_slice %arg9[%add3A_513] : memref<32768xf32, #tpu.memory_space<vmem>> -> memref<2048xf32, #tpu.memory_space<vmem>>
      tpu.enqueue_dma source(%dma_start3A_521 : memref<2048xf32, #tpu.memory_space<vmem>>) target(%dma_start3A_520 : memref<2048xf32, #tpu.memory_space<hbm>>) target_semaphore(%dma_start3A_519 : memref<!tpu.dma_semaphore, #tpu.memory_space<semaphore_mem>>)
      %mul3A_522 = arith.constant 16384 : i32
      %mul3A_523 = arith.muli %select_n3A_307, %mul3A_522 : i32
      %add3A_524 = arith.constant 4096 : i32
      %add3A_525 = arith.addi %mul3A_523, %add3A_524 : i32
      %add3A_526 = arith.constant 65536 : i32
      %add3A_527 = arith.addi %mul3A_497, %add3A_526 : i32
      %dma_start3A_528 = tpu.memref_slice %arg9[%add3A_525] : memref<32768xf32, #tpu.memory_space<vmem>> -> memref<2048xf32, #tpu.memory_space<vmem>>
      %dma_start3A_529 = tpu.memref_slice %arg5[%add3A_527] : memref<52428800xf32, #tpu.memory_space<hbm>> -> memref<2048xf32, #tpu.memory_space<hbm>>
      %dma_start3A_530 = tpu.memref_slice %arg12[%select_n3A_307] : memref<2x!tpu.dma_semaphore, #tpu.memory_space<semaphore_mem>> -> memref<1x!tpu.dma_semaphore, #tpu.memory_space<semaphore_mem>>
      %dma_start3A_531 = tpu.memref_squeeze %dma_start3A_530 : memref<1x!tpu.dma_semaphore, #tpu.memory_space<semaphore_mem>> -> memref<!tpu.dma_semaphore, #tpu.memory_space<semaphore_mem>>
      %dma_start3A_532 = tpu.memref_slice %arg5[%add3A_527] : memref<52428800xf32, #tpu.memory_space<hbm>> -> memref<2048xf32, #tpu.memory_space<hbm>>
      %dma_start3A_533 = tpu.memref_slice %arg9[%add3A_525] : memref<32768xf32, #tpu.memory_space<vmem>> -> memref<2048xf32, #tpu.memory_space<vmem>>
      tpu.enqueue_dma source(%dma_start3A_533 : memref<2048xf32, #tpu.memory_space<vmem>>) target(%dma_start3A_532 : memref<2048xf32, #tpu.memory_space<hbm>>) target_semaphore(%dma_start3A_531 : memref<!tpu.dma_semaphore, #tpu.memory_space<semaphore_mem>>)
      %mul3A_534 = arith.constant 16384 : i32
      %mul3A_535 = arith.muli %select_n3A_307, %mul3A_534 : i32
      %add3A_536 = arith.constant 6144 : i32
      %add3A_537 = arith.addi %mul3A_535, %add3A_536 : i32
      %add3A_538 = arith.constant 98304 : i32
      %add3A_539 = arith.addi %mul3A_497, %add3A_538 : i32
      %dma_start3A_540 = tpu.memref_slice %arg9[%add3A_537] : memref<32768xf32, #tpu.memory_space<vmem>> -> memref<2048xf32, #tpu.memory_space<vmem>>
      %dma_start3A_541 = tpu.memref_slice %arg5[%add3A_539] : memref<52428800xf32, #tpu.memory_space<hbm>> -> memref<2048xf32, #tpu.memory_space<hbm>>
      %dma_start3A_542 = tpu.memref_slice %arg12[%select_n3A_307] : memref<2x!tpu.dma_semaphore, #tpu.memory_space<semaphore_mem>> -> memref<1x!tpu.dma_semaphore, #tpu.memory_space<semaphore_mem>>
      %dma_start3A_543 = tpu.memref_squeeze %dma_start3A_542 : memref<1x!tpu.dma_semaphore, #tpu.memory_space<semaphore_mem>> -> memref<!tpu.dma_semaphore, #tpu.memory_space<semaphore_mem>>
      %dma_start3A_544 = tpu.memref_slice %arg5[%add3A_539] : memref<52428800xf32, #tpu.memory_space<hbm>> -> memref<2048xf32, #tpu.memory_space<hbm>>
      %dma_start3A_545 = tpu.memref_slice %arg9[%add3A_537] : memref<32768xf32, #tpu.memory_space<vmem>> -> memref<2048xf32, #tpu.memory_space<vmem>>
      tpu.enqueue_dma source(%dma_start3A_545 : memref<2048xf32, #tpu.memory_space<vmem>>) target(%dma_start3A_544 : memref<2048xf32, #tpu.memory_space<hbm>>) target_semaphore(%dma_start3A_543 : memref<!tpu.dma_semaphore, #tpu.memory_space<semaphore_mem>>)
      %mul3A_546 = arith.constant 16384 : i32
      %mul3A_547 = arith.muli %select_n3A_307, %mul3A_546 : i32
      %add3A_548 = arith.constant 8192 : i32
      %add3A_549 = arith.addi %mul3A_547, %add3A_548 : i32
      %add3A_550 = arith.constant 131072 : i32
      %add3A_551 = arith.addi %mul3A_497, %add3A_550 : i32
      %dma_start3A_552 = tpu.memref_slice %arg9[%add3A_549] : memref<32768xf32, #tpu.memory_space<vmem>> -> memref<2048xf32, #tpu.memory_space<vmem>>
      %dma_start3A_553 = tpu.memref_slice %arg5[%add3A_551] : memref<52428800xf32, #tpu.memory_space<hbm>> -> memref<2048xf32, #tpu.memory_space<hbm>>
      %dma_start3A_554 = tpu.memref_slice %arg12[%select_n3A_307] : memref<2x!tpu.dma_semaphore, #tpu.memory_space<semaphore_mem>> -> memref<1x!tpu.dma_semaphore, #tpu.memory_space<semaphore_mem>>
      %dma_start3A_555 = tpu.memref_squeeze %dma_start3A_554 : memref<1x!tpu.dma_semaphore, #tpu.memory_space<semaphore_mem>> -> memref<!tpu.dma_semaphore, #tpu.memory_space<semaphore_mem>>
      %dma_start3A_556 = tpu.memref_slice %arg5[%add3A_551] : memref<52428800xf32, #tpu.memory_space<hbm>> -> memref<2048xf32, #tpu.memory_space<hbm>>
      %dma_start3A_557 = tpu.memref_slice %arg9[%add3A_549] : memref<32768xf32, #tpu.memory_space<vmem>> -> memref<2048xf32, #tpu.memory_space<vmem>>
      tpu.enqueue_dma source(%dma_start3A_557 : memref<2048xf32, #tpu.memory_space<vmem>>) target(%dma_start3A_556 : memref<2048xf32, #tpu.memory_space<hbm>>) target_semaphore(%dma_start3A_555 : memref<!tpu.dma_semaphore, #tpu.memory_space<semaphore_mem>>)
      %mul3A_558 = arith.constant 16384 : i32
      %mul3A_559 = arith.muli %select_n3A_307, %mul3A_558 : i32
      %add3A_560 = arith.constant 10240 : i32
      %add3A_561 = arith.addi %mul3A_559, %add3A_560 : i32
      %add3A_562 = arith.constant 163840 : i32
      %add3A_563 = arith.addi %mul3A_497, %add3A_562 : i32
      %dma_start3A_564 = tpu.memref_slice %arg9[%add3A_561] : memref<32768xf32, #tpu.memory_space<vmem>> -> memref<2048xf32, #tpu.memory_space<vmem>>
      %dma_start3A_565 = tpu.memref_slice %arg5[%add3A_563] : memref<52428800xf32, #tpu.memory_space<hbm>> -> memref<2048xf32, #tpu.memory_space<hbm>>
      %dma_start3A_566 = tpu.memref_slice %arg12[%select_n3A_307] : memref<2x!tpu.dma_semaphore, #tpu.memory_space<semaphore_mem>> -> memref<1x!tpu.dma_semaphore, #tpu.memory_space<semaphore_mem>>
      %dma_start3A_567 = tpu.memref_squeeze %dma_start3A_566 : memref<1x!tpu.dma_semaphore, #tpu.memory_space<semaphore_mem>> -> memref<!tpu.dma_semaphore, #tpu.memory_space<semaphore_mem>>
      %dma_start3A_568 = tpu.memref_slice %arg5[%add3A_563] : memref<52428800xf32, #tpu.memory_space<hbm>> -> memref<2048xf32, #tpu.memory_space<hbm>>
      %dma_start3A_569 = tpu.memref_slice %arg9[%add3A_561] : memref<32768xf32, #tpu.memory_space<vmem>> -> memref<2048xf32, #tpu.memory_space<vmem>>
      tpu.enqueue_dma source(%dma_start3A_569 : memref<2048xf32, #tpu.memory_space<vmem>>) target(%dma_start3A_568 : memref<2048xf32, #tpu.memory_space<hbm>>) target_semaphore(%dma_start3A_567 : memref<!tpu.dma_semaphore, #tpu.memory_space<semaphore_mem>>)
      %mul3A_570 = arith.constant 16384 : i32
      %mul3A_571 = arith.muli %select_n3A_307, %mul3A_570 : i32
      %add3A_572 = arith.constant 12288 : i32
      %add3A_573 = arith.addi %mul3A_571, %add3A_572 : i32
      %add3A_574 = arith.constant 196608 : i32
      %add3A_575 = arith.addi %mul3A_497, %add3A_574 : i32
      %dma_start3A_576 = tpu.memref_slice %arg9[%add3A_573] : memref<32768xf32, #tpu.memory_space<vmem>> -> memref<2048xf32, #tpu.memory_space<vmem>>
      %dma_start3A_577 = tpu.memref_slice %arg5[%add3A_575] : memref<52428800xf32, #tpu.memory_space<hbm>> -> memref<2048xf32, #tpu.memory_space<hbm>>
      %dma_start3A_578 = tpu.memref_slice %arg12[%select_n3A_307] : memref<2x!tpu.dma_semaphore, #tpu.memory_space<semaphore_mem>> -> memref<1x!tpu.dma_semaphore, #tpu.memory_space<semaphore_mem>>
      %dma_start3A_579 = tpu.memref_squeeze %dma_start3A_578 : memref<1x!tpu.dma_semaphore, #tpu.memory_space<semaphore_mem>> -> memref<!tpu.dma_semaphore, #tpu.memory_space<semaphore_mem>>
      %dma_start3A_580 = tpu.memref_slice %arg5[%add3A_575] : memref<52428800xf32, #tpu.memory_space<hbm>> -> memref<2048xf32, #tpu.memory_space<hbm>>
      %dma_start3A_581 = tpu.memref_slice %arg9[%add3A_573] : memref<32768xf32, #tpu.memory_space<vmem>> -> memref<2048xf32, #tpu.memory_space<vmem>>
      tpu.enqueue_dma source(%dma_start3A_581 : memref<2048xf32, #tpu.memory_space<vmem>>) target(%dma_start3A_580 : memref<2048xf32, #tpu.memory_space<hbm>>) target_semaphore(%dma_start3A_579 : memref<!tpu.dma_semaphore, #tpu.memory_space<semaphore_mem>>)
      %mul3A_582 = arith.constant 16384 : i32
      %mul3A_583 = arith.muli %select_n3A_307, %mul3A_582 : i32
      %add3A_584 = arith.constant 14336 : i32
      %add3A_585 = arith.addi %mul3A_583, %add3A_584 : i32
      %add3A_586 = arith.constant 229376 : i32
      %add3A_587 = arith.addi %mul3A_497, %add3A_586 : i32
      %dma_start3A_588 = tpu.memref_slice %arg9[%add3A_585] : memref<32768xf32, #tpu.memory_space<vmem>> -> memref<2048xf32, #tpu.memory_space<vmem>>
      %dma_start3A_589 = tpu.memref_slice %arg5[%add3A_587] : memref<52428800xf32, #tpu.memory_space<hbm>> -> memref<2048xf32, #tpu.memory_space<hbm>>
      %dma_start3A_590 = tpu.memref_slice %arg12[%select_n3A_307] : memref<2x!tpu.dma_semaphore, #tpu.memory_space<semaphore_mem>> -> memref<1x!tpu.dma_semaphore, #tpu.memory_space<semaphore_mem>>
      %dma_start3A_591 = tpu.memref_squeeze %dma_start3A_590 : memref<1x!tpu.dma_semaphore, #tpu.memory_space<semaphore_mem>> -> memref<!tpu.dma_semaphore, #tpu.memory_space<semaphore_mem>>
      %dma_start3A_592 = tpu.memref_slice %arg5[%add3A_587] : memref<52428800xf32, #tpu.memory_space<hbm>> -> memref<2048xf32, #tpu.memory_space<hbm>>
      %dma_start3A_593 = tpu.memref_slice %arg9[%add3A_585] : memref<32768xf32, #tpu.memory_space<vmem>> -> memref<2048xf32, #tpu.memory_space<vmem>>
      tpu.enqueue_dma source(%dma_start3A_593 : memref<2048xf32, #tpu.memory_space<vmem>>) target(%dma_start3A_592 : memref<2048xf32, #tpu.memory_space<hbm>>) target_semaphore(%dma_start3A_591 : memref<!tpu.dma_semaphore, #tpu.memory_space<semaphore_mem>>)
    }
    %scan3A_72 = arith.constant 100 : i32
    %dma_wait3A = arith.constant 0 : i32
    %dma_wait3A_73 = arith.constant 0 : i32
    %dma_wait3A_74 = tpu.memref_slice %arg9[%dma_wait3A_73] : memref<32768xf32, #tpu.memory_space<vmem>> -> memref<2048xf32, #tpu.memory_space<vmem>>
    %dma_wait3A_75 = arith.constant 0 : i32
    %dma_wait3A_76 = tpu.memref_slice %arg5[%dma_wait3A_75] : memref<52428800xf32, #tpu.memory_space<hbm>> -> memref<2048xf32, #tpu.memory_space<hbm>>
    %dma_wait3A_77 = tpu.memref_slice %arg12[%dma_wait3A] : memref<2x!tpu.dma_semaphore, #tpu.memory_space<semaphore_mem>> -> memref<1x!tpu.dma_semaphore, #tpu.memory_space<semaphore_mem>>
    %dma_wait3A_78 = tpu.memref_squeeze %dma_wait3A_77 : memref<1x!tpu.dma_semaphore, #tpu.memory_space<semaphore_mem>> -> memref<!tpu.dma_semaphore, #tpu.memory_space<semaphore_mem>>
    %dma_wait3A_79 = arith.constant 0 : i32
    %dma_wait3A_80 = tpu.memref_slice %arg5[%dma_wait3A_79] : memref<52428800xf32, #tpu.memory_space<hbm>> -> memref<2048xf32, #tpu.memory_space<hbm>>
    %dma_wait3A_81 = arith.constant 0 : i32
    %dma_wait3A_82 = tpu.memref_slice %arg9[%dma_wait3A_81] : memref<32768xf32, #tpu.memory_space<vmem>> -> memref<2048xf32, #tpu.memory_space<vmem>>
    tpu.wait_dma2 semaphore(%dma_wait3A_78 : memref<!tpu.dma_semaphore, #tpu.memory_space<semaphore_mem>>) src(%dma_wait3A_82 : memref<2048xf32, #tpu.memory_space<vmem>>) dst(%dma_wait3A_80 : memref<2048xf32, #tpu.memory_space<hbm>>)
    %dma_wait3A_83 = arith.constant 0 : i32
    %dma_wait3A_84 = arith.constant 0 : i32
    %dma_wait3A_85 = tpu.memref_slice %arg9[%dma_wait3A_84] : memref<32768xf32, #tpu.memory_space<vmem>> -> memref<2048xf32, #tpu.memory_space<vmem>>
    %dma_wait3A_86 = arith.constant 0 : i32
    %dma_wait3A_87 = tpu.memref_slice %arg5[%dma_wait3A_86] : memref<52428800xf32, #tpu.memory_space<hbm>> -> memref<2048xf32, #tpu.memory_space<hbm>>
    %dma_wait3A_88 = tpu.memref_slice %arg12[%dma_wait3A_83] : memref<2x!tpu.dma_semaphore, #tpu.memory_space<semaphore_mem>> -> memref<1x!tpu.dma_semaphore, #tpu.memory_space<semaphore_mem>>
    %dma_wait3A_89 = tpu.memref_squeeze %dma_wait3A_88 : memref<1x!tpu.dma_semaphore, #tpu.memory_space<semaphore_mem>> -> memref<!tpu.dma_semaphore, #tpu.memory_space<semaphore_mem>>
    %dma_wait3A_90 = arith.constant 0 : i32
    %dma_wait3A_91 = tpu.memref_slice %arg5[%dma_wait3A_90] : memref<52428800xf32, #tpu.memory_space<hbm>> -> memref<2048xf32, #tpu.memory_space<hbm>>
    %dma_wait3A_92 = arith.constant 0 : i32
    %dma_wait3A_93 = tpu.memref_slice %arg9[%dma_wait3A_92] : memref<32768xf32, #tpu.memory_space<vmem>> -> memref<2048xf32, #tpu.memory_space<vmem>>
    tpu.wait_dma2 semaphore(%dma_wait3A_89 : memref<!tpu.dma_semaphore, #tpu.memory_space<semaphore_mem>>) src(%dma_wait3A_93 : memref<2048xf32, #tpu.memory_space<vmem>>) dst(%dma_wait3A_91 : memref<2048xf32, #tpu.memory_space<hbm>>)
    %dma_wait3A_94 = arith.constant 0 : i32
    %dma_wait3A_95 = arith.constant 0 : i32
    %dma_wait3A_96 = tpu.memref_slice %arg9[%dma_wait3A_95] : memref<32768xf32, #tpu.memory_space<vmem>> -> memref<2048xf32, #tpu.memory_space<vmem>>
    %dma_wait3A_97 = arith.constant 0 : i32
    %dma_wait3A_98 = tpu.memref_slice %arg5[%dma_wait3A_97] : memref<52428800xf32, #tpu.memory_space<hbm>> -> memref<2048xf32, #tpu.memory_space<hbm>>
    %dma_wait3A_99 = tpu.memref_slice %arg12[%dma_wait3A_94] : memref<2x!tpu.dma_semaphore, #tpu.memory_space<semaphore_mem>> -> memref<1x!tpu.dma_semaphore, #tpu.memory_space<semaphore_mem>>
    %dma_wait3A_100 = tpu.memref_squeeze %dma_wait3A_99 : memref<1x!tpu.dma_semaphore, #tpu.memory_space<semaphore_mem>> -> memref<!tpu.dma_semaphore, #tpu.memory_space<semaphore_mem>>
    %dma_wait3A_101 = arith.constant 0 : i32
    %dma_wait3A_102 = tpu.memref_slice %arg5[%dma_wait3A_101] : memref<52428800xf32, #tpu.memory_space<hbm>> -> memref<2048xf32, #tpu.memory_space<hbm>>
    %dma_wait3A_103 = arith.constant 0 : i32
    %dma_wait3A_104 = tpu.memref_slice %arg9[%dma_wait3A_103] : memref<32768xf32, #tpu.memory_space<vmem>> -> memref<2048xf32, #tpu.memory_space<vmem>>
    tpu.wait_dma2 semaphore(%dma_wait3A_100 : memref<!tpu.dma_semaphore, #tpu.memory_space<semaphore_mem>>) src(%dma_wait3A_104 : memref<2048xf32, #tpu.memory_space<vmem>>) dst(%dma_wait3A_102 : memref<2048xf32, #tpu.memory_space<hbm>>)
    %dma_wait3A_105 = arith.constant 0 : i32
    %dma_wait3A_106 = arith.constant 0 : i32
    %dma_wait3A_107 = tpu.memref_slice %arg9[%dma_wait3A_106] : memref<32768xf32, #tpu.memory_space<vmem>> -> memref<2048xf32, #tpu.memory_space<vmem>>
    %dma_wait3A_108 = arith.constant 0 : i32
    %dma_wait3A_109 = tpu.memref_slice %arg5[%dma_wait3A_108] : memref<52428800xf32, #tpu.memory_space<hbm>> -> memref<2048xf32, #tpu.memory_space<hbm>>
    %dma_wait3A_110 = tpu.memref_slice %arg12[%dma_wait3A_105] : memref<2x!tpu.dma_semaphore, #tpu.memory_space<semaphore_mem>> -> memref<1x!tpu.dma_semaphore, #tpu.memory_space<semaphore_mem>>
    %dma_wait3A_111 = tpu.memref_squeeze %dma_wait3A_110 : memref<1x!tpu.dma_semaphore, #tpu.memory_space<semaphore_mem>> -> memref<!tpu.dma_semaphore, #tpu.memory_space<semaphore_mem>>
    %dma_wait3A_112 = arith.constant 0 : i32
    %dma_wait3A_113 = tpu.memref_slice %arg5[%dma_wait3A_112] : memref<52428800xf32, #tpu.memory_space<hbm>> -> memref<2048xf32, #tpu.memory_space<hbm>>
    %dma_wait3A_114 = arith.constant 0 : i32
    %dma_wait3A_115 = tpu.memref_slice %arg9[%dma_wait3A_114] : memref<32768xf32, #tpu.memory_space<vmem>> -> memref<2048xf32, #tpu.memory_space<vmem>>
    tpu.wait_dma2 semaphore(%dma_wait3A_111 : memref<!tpu.dma_semaphore, #tpu.memory_space<semaphore_mem>>) src(%dma_wait3A_115 : memref<2048xf32, #tpu.memory_space<vmem>>) dst(%dma_wait3A_113 : memref<2048xf32, #tpu.memory_space<hbm>>)
    %dma_wait3A_116 = arith.constant 0 : i32
    %dma_wait3A_117 = arith.constant 0 : i32
    %dma_wait3A_118 = tpu.memref_slice %arg9[%dma_wait3A_117] : memref<32768xf32, #tpu.memory_space<vmem>> -> memref<2048xf32, #tpu.memory_space<vmem>>
    %dma_wait3A_119 = arith.constant 0 : i32
    %dma_wait3A_120 = tpu.memref_slice %arg5[%dma_wait3A_119] : memref<52428800xf32, #tpu.memory_space<hbm>> -> memref<2048xf32, #tpu.memory_space<hbm>>
    %dma_wait3A_121 = tpu.memref_slice %arg12[%dma_wait3A_116] : memref<2x!tpu.dma_semaphore, #tpu.memory_space<semaphore_mem>> -> memref<1x!tpu.dma_semaphore, #tpu.memory_space<semaphore_mem>>
    %dma_wait3A_122 = tpu.memref_squeeze %dma_wait3A_121 : memref<1x!tpu.dma_semaphore, #tpu.memory_space<semaphore_mem>> -> memref<!tpu.dma_semaphore, #tpu.memory_space<semaphore_mem>>
    %dma_wait3A_123 = arith.constant 0 : i32
    %dma_wait3A_124 = tpu.memref_slice %arg5[%dma_wait3A_123] : memref<52428800xf32, #tpu.memory_space<hbm>> -> memref<2048xf32, #tpu.memory_space<hbm>>
    %dma_wait3A_125 = arith.constant 0 : i32
    %dma_wait3A_126 = tpu.memref_slice %arg9[%dma_wait3A_125] : memref<32768xf32, #tpu.memory_space<vmem>> -> memref<2048xf32, #tpu.memory_space<vmem>>
    tpu.wait_dma2 semaphore(%dma_wait3A_122 : memref<!tpu.dma_semaphore, #tpu.memory_space<semaphore_mem>>) src(%dma_wait3A_126 : memref<2048xf32, #tpu.memory_space<vmem>>) dst(%dma_wait3A_124 : memref<2048xf32, #tpu.memory_space<hbm>>)
    %dma_wait3A_127 = arith.constant 0 : i32
    %dma_wait3A_128 = arith.constant 0 : i32
    %dma_wait3A_129 = tpu.memref_slice %arg9[%dma_wait3A_128] : memref<32768xf32, #tpu.memory_space<vmem>> -> memref<2048xf32, #tpu.memory_space<vmem>>
    %dma_wait3A_130 = arith.constant 0 : i32
    %dma_wait3A_131 = tpu.memref_slice %arg5[%dma_wait3A_130] : memref<52428800xf32, #tpu.memory_space<hbm>> -> memref<2048xf32, #tpu.memory_space<hbm>>
    %dma_wait3A_132 = tpu.memref_slice %arg12[%dma_wait3A_127] : memref<2x!tpu.dma_semaphore, #tpu.memory_space<semaphore_mem>> -> memref<1x!tpu.dma_semaphore, #tpu.memory_space<semaphore_mem>>
    %dma_wait3A_133 = tpu.memref_squeeze %dma_wait3A_132 : memref<1x!tpu.dma_semaphore, #tpu.memory_space<semaphore_mem>> -> memref<!tpu.dma_semaphore, #tpu.memory_space<semaphore_mem>>
    %dma_wait3A_134 = arith.constant 0 : i32
    %dma_wait3A_135 = tpu.memref_slice %arg5[%dma_wait3A_134] : memref<52428800xf32, #tpu.memory_space<hbm>> -> memref<2048xf32, #tpu.memory_space<hbm>>
    %dma_wait3A_136 = arith.constant 0 : i32
    %dma_wait3A_137 = tpu.memref_slice %arg9[%dma_wait3A_136] : memref<32768xf32, #tpu.memory_space<vmem>> -> memref<2048xf32, #tpu.memory_space<vmem>>
    tpu.wait_dma2 semaphore(%dma_wait3A_133 : memref<!tpu.dma_semaphore, #tpu.memory_space<semaphore_mem>>) src(%dma_wait3A_137 : memref<2048xf32, #tpu.memory_space<vmem>>) dst(%dma_wait3A_135 : memref<2048xf32, #tpu.memory_space<hbm>>)
    %dma_wait3A_138 = arith.constant 0 : i32
    %dma_wait3A_139 = arith.constant 0 : i32
    %dma_wait3A_140 = tpu.memref_slice %arg9[%dma_wait3A_139] : memref<32768xf32, #tpu.memory_space<vmem>> -> memref<2048xf32, #tpu.memory_space<vmem>>
    %dma_wait3A_141 = arith.constant 0 : i32
    %dma_wait3A_142 = tpu.memref_slice %arg5[%dma_wait3A_141] : memref<52428800xf32, #tpu.memory_space<hbm>> -> memref<2048xf32, #tpu.memory_space<hbm>>
    %dma_wait3A_143 = tpu.memref_slice %arg12[%dma_wait3A_138] : memref<2x!tpu.dma_semaphore, #tpu.memory_space<semaphore_mem>> -> memref<1x!tpu.dma_semaphore, #tpu.memory_space<semaphore_mem>>
    %dma_wait3A_144 = tpu.memref_squeeze %dma_wait3A_143 : memref<1x!tpu.dma_semaphore, #tpu.memory_space<semaphore_mem>> -> memref<!tpu.dma_semaphore, #tpu.memory_space<semaphore_mem>>
    %dma_wait3A_145 = arith.constant 0 : i32
    %dma_wait3A_146 = tpu.memref_slice %arg5[%dma_wait3A_145] : memref<52428800xf32, #tpu.memory_space<hbm>> -> memref<2048xf32, #tpu.memory_space<hbm>>
    %dma_wait3A_147 = arith.constant 0 : i32
    %dma_wait3A_148 = tpu.memref_slice %arg9[%dma_wait3A_147] : memref<32768xf32, #tpu.memory_space<vmem>> -> memref<2048xf32, #tpu.memory_space<vmem>>
    tpu.wait_dma2 semaphore(%dma_wait3A_144 : memref<!tpu.dma_semaphore, #tpu.memory_space<semaphore_mem>>) src(%dma_wait3A_148 : memref<2048xf32, #tpu.memory_space<vmem>>) dst(%dma_wait3A_146 : memref<2048xf32, #tpu.memory_space<hbm>>)
    %dma_wait3A_149 = arith.constant 0 : i32
    %dma_wait3A_150 = arith.constant 0 : i32
    %dma_wait3A_151 = tpu.memref_slice %arg9[%dma_wait3A_150] : memref<32768xf32, #tpu.memory_space<vmem>> -> memref<2048xf32, #tpu.memory_space<vmem>>
    %dma_wait3A_152 = arith.constant 0 : i32
    %dma_wait3A_153 = tpu.memref_slice %arg5[%dma_wait3A_152] : memref<52428800xf32, #tpu.memory_space<hbm>> -> memref<2048xf32, #tpu.memory_space<hbm>>
    %dma_wait3A_154 = tpu.memref_slice %arg12[%dma_wait3A_149] : memref<2x!tpu.dma_semaphore, #tpu.memory_space<semaphore_mem>> -> memref<1x!tpu.dma_semaphore, #tpu.memory_space<semaphore_mem>>
    %dma_wait3A_155 = tpu.memref_squeeze %dma_wait3A_154 : memref<1x!tpu.dma_semaphore, #tpu.memory_space<semaphore_mem>> -> memref<!tpu.dma_semaphore, #tpu.memory_space<semaphore_mem>>
    %dma_wait3A_156 = arith.constant 0 : i32
    %dma_wait3A_157 = tpu.memref_slice %arg5[%dma_wait3A_156] : memref<52428800xf32, #tpu.memory_space<hbm>> -> memref<2048xf32, #tpu.memory_space<hbm>>
    %dma_wait3A_158 = arith.constant 0 : i32
    %dma_wait3A_159 = tpu.memref_slice %arg9[%dma_wait3A_158] : memref<32768xf32, #tpu.memory_space<vmem>> -> memref<2048xf32, #tpu.memory_space<vmem>>
    tpu.wait_dma2 semaphore(%dma_wait3A_155 : memref<!tpu.dma_semaphore, #tpu.memory_space<semaphore_mem>>) src(%dma_wait3A_159 : memref<2048xf32, #tpu.memory_space<vmem>>) dst(%dma_wait3A_157 : memref<2048xf32, #tpu.memory_space<hbm>>)
    %dma_wait3A_160 = arith.constant 1 : i32
    %dma_wait3A_161 = arith.constant 0 : i32
    %dma_wait3A_162 = tpu.memref_slice %arg9[%dma_wait3A_161] : memref<32768xf32, #tpu.memory_space<vmem>> -> memref<2048xf32, #tpu.memory_space<vmem>>
    %dma_wait3A_163 = arith.constant 0 : i32
    %dma_wait3A_164 = tpu.memref_slice %arg5[%dma_wait3A_163] : memref<52428800xf32, #tpu.memory_space<hbm>> -> memref<2048xf32, #tpu.memory_space<hbm>>
    %dma_wait3A_165 = tpu.memref_slice %arg12[%dma_wait3A_160] : memref<2x!tpu.dma_semaphore, #tpu.memory_space<semaphore_mem>> -> memref<1x!tpu.dma_semaphore, #tpu.memory_space<semaphore_mem>>
    %dma_wait3A_166 = tpu.memref_squeeze %dma_wait3A_165 : memref<1x!tpu.dma_semaphore, #tpu.memory_space<semaphore_mem>> -> memref<!tpu.dma_semaphore, #tpu.memory_space<semaphore_mem>>
    %dma_wait3A_167 = arith.constant 0 : i32
    %dma_wait3A_168 = tpu.memref_slice %arg5[%dma_wait3A_167] : memref<52428800xf32, #tpu.memory_space<hbm>> -> memref<2048xf32, #tpu.memory_space<hbm>>
    %dma_wait3A_169 = arith.constant 0 : i32
    %dma_wait3A_170 = tpu.memref_slice %arg9[%dma_wait3A_169] : memref<32768xf32, #tpu.memory_space<vmem>> -> memref<2048xf32, #tpu.memory_space<vmem>>
    tpu.wait_dma2 semaphore(%dma_wait3A_166 : memref<!tpu.dma_semaphore, #tpu.memory_space<semaphore_mem>>) src(%dma_wait3A_170 : memref<2048xf32, #tpu.memory_space<vmem>>) dst(%dma_wait3A_168 : memref<2048xf32, #tpu.memory_space<hbm>>)
    %dma_wait3A_171 = arith.constant 1 : i32
    %dma_wait3A_172 = arith.constant 0 : i32
    %dma_wait3A_173 = tpu.memref_slice %arg9[%dma_wait3A_172] : memref<32768xf32, #tpu.memory_space<vmem>> -> memref<2048xf32, #tpu.memory_space<vmem>>
    %dma_wait3A_174 = arith.constant 0 : i32
    %dma_wait3A_175 = tpu.memref_slice %arg5[%dma_wait3A_174] : memref<52428800xf32, #tpu.memory_space<hbm>> -> memref<2048xf32, #tpu.memory_space<hbm>>
    %dma_wait3A_176 = tpu.memref_slice %arg12[%dma_wait3A_171] : memref<2x!tpu.dma_semaphore, #tpu.memory_space<semaphore_mem>> -> memref<1x!tpu.dma_semaphore, #tpu.memory_space<semaphore_mem>>
    %dma_wait3A_177 = tpu.memref_squeeze %dma_wait3A_176 : memref<1x!tpu.dma_semaphore, #tpu.memory_space<semaphore_mem>> -> memref<!tpu.dma_semaphore, #tpu.memory_space<semaphore_mem>>
    %dma_wait3A_178 = arith.constant 0 : i32
    %dma_wait3A_179 = tpu.memref_slice %arg5[%dma_wait3A_178] : memref<52428800xf32, #tpu.memory_space<hbm>> -> memref<2048xf32, #tpu.memory_space<hbm>>
    %dma_wait3A_180 = arith.constant 0 : i32
    %dma_wait3A_181 = tpu.memref_slice %arg9[%dma_wait3A_180] : memref<32768xf32, #tpu.memory_space<vmem>> -> memref<2048xf32, #tpu.memory_space<vmem>>
    tpu.wait_dma2 semaphore(%dma_wait3A_177 : memref<!tpu.dma_semaphore, #tpu.memory_space<semaphore_mem>>) src(%dma_wait3A_181 : memref<2048xf32, #tpu.memory_space<vmem>>) dst(%dma_wait3A_179 : memref<2048xf32, #tpu.memory_space<hbm>>)
    %dma_wait3A_182 = arith.constant 1 : i32
    %dma_wait3A_183 = arith.constant 0 : i32
    %dma_wait3A_184 = tpu.memref_slice %arg9[%dma_wait3A_183] : memref<32768xf32, #tpu.memory_space<vmem>> -> memref<2048xf32, #tpu.memory_space<vmem>>
    %dma_wait3A_185 = arith.constant 0 : i32
    %dma_wait3A_186 = tpu.memref_slice %arg5[%dma_wait3A_185] : memref<52428800xf32, #tpu.memory_space<hbm>> -> memref<2048xf32, #tpu.memory_space<hbm>>
    %dma_wait3A_187 = tpu.memref_slice %arg12[%dma_wait3A_182] : memref<2x!tpu.dma_semaphore, #tpu.memory_space<semaphore_mem>> -> memref<1x!tpu.dma_semaphore, #tpu.memory_space<semaphore_mem>>
    %dma_wait3A_188 = tpu.memref_squeeze %dma_wait3A_187 : memref<1x!tpu.dma_semaphore, #tpu.memory_space<semaphore_mem>> -> memref<!tpu.dma_semaphore, #tpu.memory_space<semaphore_mem>>
    %dma_wait3A_189 = arith.constant 0 : i32
    %dma_wait3A_190 = tpu.memref_slice %arg5[%dma_wait3A_189] : memref<52428800xf32, #tpu.memory_space<hbm>> -> memref<2048xf32, #tpu.memory_space<hbm>>
    %dma_wait3A_191 = arith.constant 0 : i32
    %dma_wait3A_192 = tpu.memref_slice %arg9[%dma_wait3A_191] : memref<32768xf32, #tpu.memory_space<vmem>> -> memref<2048xf32, #tpu.memory_space<vmem>>
    tpu.wait_dma2 semaphore(%dma_wait3A_188 : memref<!tpu.dma_semaphore, #tpu.memory_space<semaphore_mem>>) src(%dma_wait3A_192 : memref<2048xf32, #tpu.memory_space<vmem>>) dst(%dma_wait3A_190 : memref<2048xf32, #tpu.memory_space<hbm>>)
    %dma_wait3A_193 = arith.constant 1 : i32
    %dma_wait3A_194 = arith.constant 0 : i32
    %dma_wait3A_195 = tpu.memref_slice %arg9[%dma_wait3A_194] : memref<32768xf32, #tpu.memory_space<vmem>> -> memref<2048xf32, #tpu.memory_space<vmem>>
    %dma_wait3A_196 = arith.constant 0 : i32
    %dma_wait3A_197 = tpu.memref_slice %arg5[%dma_wait3A_196] : memref<52428800xf32, #tpu.memory_space<hbm>> -> memref<2048xf32, #tpu.memory_space<hbm>>
    %dma_wait3A_198 = tpu.memref_slice %arg12[%dma_wait3A_193] : memref<2x!tpu.dma_semaphore, #tpu.memory_space<semaphore_mem>> -> memref<1x!tpu.dma_semaphore, #tpu.memory_space<semaphore_mem>>
    %dma_wait3A_199 = tpu.memref_squeeze %dma_wait3A_198 : memref<1x!tpu.dma_semaphore, #tpu.memory_space<semaphore_mem>> -> memref<!tpu.dma_semaphore, #tpu.memory_space<semaphore_mem>>
    %dma_wait3A_200 = arith.constant 0 : i32
    %dma_wait3A_201 = tpu.memref_slice %arg5[%dma_wait3A_200] : memref<52428800xf32, #tpu.memory_space<hbm>> -> memref<2048xf32, #tpu.memory_space<hbm>>
    %dma_wait3A_202 = arith.constant 0 : i32
    %dma_wait3A_203 = tpu.memref_slice %arg9[%dma_wait3A_202] : memref<32768xf32, #tpu.memory_space<vmem>> -> memref<2048xf32, #tpu.memory_space<vmem>>
    tpu.wait_dma2 semaphore(%dma_wait3A_199 : memref<!tpu.dma_semaphore, #tpu.memory_space<semaphore_mem>>) src(%dma_wait3A_203 : memref<2048xf32, #tpu.memory_space<vmem>>) dst(%dma_wait3A_201 : memref<2048xf32, #tpu.memory_space<hbm>>)
    %dma_wait3A_204 = arith.constant 1 : i32
    %dma_wait3A_205 = arith.constant 0 : i32
    %dma_wait3A_206 = tpu.memref_slice %arg9[%dma_wait3A_205] : memref<32768xf32, #tpu.memory_space<vmem>> -> memref<2048xf32, #tpu.memory_space<vmem>>
    %dma_wait3A_207 = arith.constant 0 : i32
    %dma_wait3A_208 = tpu.memref_slice %arg5[%dma_wait3A_207] : memref<52428800xf32, #tpu.memory_space<hbm>> -> memref<2048xf32, #tpu.memory_space<hbm>>
    %dma_wait3A_209 = tpu.memref_slice %arg12[%dma_wait3A_204] : memref<2x!tpu.dma_semaphore, #tpu.memory_space<semaphore_mem>> -> memref<1x!tpu.dma_semaphore, #tpu.memory_space<semaphore_mem>>
    %dma_wait3A_210 = tpu.memref_squeeze %dma_wait3A_209 : memref<1x!tpu.dma_semaphore, #tpu.memory_space<semaphore_mem>> -> memref<!tpu.dma_semaphore, #tpu.memory_space<semaphore_mem>>
    %dma_wait3A_211 = arith.constant 0 : i32
    %dma_wait3A_212 = tpu.memref_slice %arg5[%dma_wait3A_211] : memref<52428800xf32, #tpu.memory_space<hbm>> -> memref<2048xf32, #tpu.memory_space<hbm>>
    %dma_wait3A_213 = arith.constant 0 : i32
    %dma_wait3A_214 = tpu.memref_slice %arg9[%dma_wait3A_213] : memref<32768xf32, #tpu.memory_space<vmem>> -> memref<2048xf32, #tpu.memory_space<vmem>>
    tpu.wait_dma2 semaphore(%dma_wait3A_210 : memref<!tpu.dma_semaphore, #tpu.memory_space<semaphore_mem>>) src(%dma_wait3A_214 : memref<2048xf32, #tpu.memory_space<vmem>>) dst(%dma_wait3A_212 : memref<2048xf32, #tpu.memory_space<hbm>>)
    %dma_wait3A_215 = arith.constant 1 : i32
    %dma_wait3A_216 = arith.constant 0 : i32
    %dma_wait3A_217 = tpu.memref_slice %arg9[%dma_wait3A_216] : memref<32768xf32, #tpu.memory_space<vmem>> -> memref<2048xf32, #tpu.memory_space<vmem>>
    %dma_wait3A_218 = arith.constant 0 : i32
    %dma_wait3A_219 = tpu.memref_slice %arg5[%dma_wait3A_218] : memref<52428800xf32, #tpu.memory_space<hbm>> -> memref<2048xf32, #tpu.memory_space<hbm>>
    %dma_wait3A_220 = tpu.memref_slice %arg12[%dma_wait3A_215] : memref<2x!tpu.dma_semaphore, #tpu.memory_space<semaphore_mem>> -> memref<1x!tpu.dma_semaphore, #tpu.memory_space<semaphore_mem>>
    %dma_wait3A_221 = tpu.memref_squeeze %dma_wait3A_220 : memref<1x!tpu.dma_semaphore, #tpu.memory_space<semaphore_mem>> -> memref<!tpu.dma_semaphore, #tpu.memory_space<semaphore_mem>>
    %dma_wait3A_222 = arith.constant 0 : i32
    %dma_wait3A_223 = tpu.memref_slice %arg5[%dma_wait3A_222] : memref<52428800xf32, #tpu.memory_space<hbm>> -> memref<2048xf32, #tpu.memory_space<hbm>>
    %dma_wait3A_224 = arith.constant 0 : i32
    %dma_wait3A_225 = tpu.memref_slice %arg9[%dma_wait3A_224] : memref<32768xf32, #tpu.memory_space<vmem>> -> memref<2048xf32, #tpu.memory_space<vmem>>
    tpu.wait_dma2 semaphore(%dma_wait3A_221 : memref<!tpu.dma_semaphore, #tpu.memory_space<semaphore_mem>>) src(%dma_wait3A_225 : memref<2048xf32, #tpu.memory_space<vmem>>) dst(%dma_wait3A_223 : memref<2048xf32, #tpu.memory_space<hbm>>)
    %dma_wait3A_226 = arith.constant 1 : i32
    %dma_wait3A_227 = arith.constant 0 : i32
    %dma_wait3A_228 = tpu.memref_slice %arg9[%dma_wait3A_227] : memref<32768xf32, #tpu.memory_space<vmem>> -> memref<2048xf32, #tpu.memory_space<vmem>>
    %dma_wait3A_229 = arith.constant 0 : i32
    %dma_wait3A_230 = tpu.memref_slice %arg5[%dma_wait3A_229] : memref<52428800xf32, #tpu.memory_space<hbm>> -> memref<2048xf32, #tpu.memory_space<hbm>>
    %dma_wait3A_231 = tpu.memref_slice %arg12[%dma_wait3A_226] : memref<2x!tpu.dma_semaphore, #tpu.memory_space<semaphore_mem>> -> memref<1x!tpu.dma_semaphore, #tpu.memory_space<semaphore_mem>>
    %dma_wait3A_232 = tpu.memref_squeeze %dma_wait3A_231 : memref<1x!tpu.dma_semaphore, #tpu.memory_space<semaphore_mem>> -> memref<!tpu.dma_semaphore, #tpu.memory_space<semaphore_mem>>
    %dma_wait3A_233 = arith.constant 0 : i32
    %dma_wait3A_234 = tpu.memref_slice %arg5[%dma_wait3A_233] : memref<52428800xf32, #tpu.memory_space<hbm>> -> memref<2048xf32, #tpu.memory_space<hbm>>
    %dma_wait3A_235 = arith.constant 0 : i32
    %dma_wait3A_236 = tpu.memref_slice %arg9[%dma_wait3A_235] : memref<32768xf32, #tpu.memory_space<vmem>> -> memref<2048xf32, #tpu.memory_space<vmem>>
    tpu.wait_dma2 semaphore(%dma_wait3A_232 : memref<!tpu.dma_semaphore, #tpu.memory_space<semaphore_mem>>) src(%dma_wait3A_236 : memref<2048xf32, #tpu.memory_space<vmem>>) dst(%dma_wait3A_234 : memref<2048xf32, #tpu.memory_space<hbm>>)
    %dma_wait3A_237 = arith.constant 1 : i32
    %dma_wait3A_238 = arith.constant 0 : i32
    %dma_wait3A_239 = tpu.memref_slice %arg9[%dma_wait3A_238] : memref<32768xf32, #tpu.memory_space<vmem>> -> memref<2048xf32, #tpu.memory_space<vmem>>
    %dma_wait3A_240 = arith.constant 0 : i32
    %dma_wait3A_241 = tpu.memref_slice %arg5[%dma_wait3A_240] : memref<52428800xf32, #tpu.memory_space<hbm>> -> memref<2048xf32, #tpu.memory_space<hbm>>
    %dma_wait3A_242 = tpu.memref_slice %arg12[%dma_wait3A_237] : memref<2x!tpu.dma_semaphore, #tpu.memory_space<semaphore_mem>> -> memref<1x!tpu.dma_semaphore, #tpu.memory_space<semaphore_mem>>
    %dma_wait3A_243 = tpu.memref_squeeze %dma_wait3A_242 : memref<1x!tpu.dma_semaphore, #tpu.memory_space<semaphore_mem>> -> memref<!tpu.dma_semaphore, #tpu.memory_space<semaphore_mem>>
    %dma_wait3A_244 = arith.constant 0 : i32
    %dma_wait3A_245 = tpu.memref_slice %arg5[%dma_wait3A_244] : memref<52428800xf32, #tpu.memory_space<hbm>> -> memref<2048xf32, #tpu.memory_space<hbm>>
    %dma_wait3A_246 = arith.constant 0 : i32
    %dma_wait3A_247 = tpu.memref_slice %arg9[%dma_wait3A_246] : memref<32768xf32, #tpu.memory_space<vmem>> -> memref<2048xf32, #tpu.memory_space<vmem>>
    tpu.wait_dma2 semaphore(%dma_wait3A_243 : memref<!tpu.dma_semaphore, #tpu.memory_space<semaphore_mem>>) src(%dma_wait3A_247 : memref<2048xf32, #tpu.memory_space<vmem>>) dst(%dma_wait3A_245 : memref<2048xf32, #tpu.memory_space<hbm>>)
    return
  }
}

</mosaic_0001>

<sc_bundles>
// kernel: kernel.3.cloned.1.call-start
scs
__scs_entry_jumppad:
0x0: {  	(pc) =	sbr.rel $0x88, $3  }
0x1: {  	(tag) =	ssettag $0x0;
	lr =	simm.s32 $0x1  }
0x2: {  	[smem:$0x3F9F] =	sst lr;
	_ =	strace $0xD0000000  }
0x3: {  	_ = 	snop  }
0x4: {  	_ = 	snop  }
0x5: {  	_ = 	snop  }
0x6: {  	_ = 	snop  }
0x7: {  	_ = 	snop  }
__scs_overlays_trampoline_lowered:
0x8: {  	[smem:$0x3FAE] =	sst s0  }
0x9: {  	[smem:$0x3FAF] =	sst s1  }
0xa: {  	[smem:$0x3FB0] =	sst s2  }
0xb: {  	[smem:$0x3FB1] =	sst s3  }
0xc: {  	[smem:$0x3FB2] =	sst s4  }
0xd: {  	[smem:$0x3FB3] =	sst s5  }
0xe: {  	[smem:$0x3FB4] =	sst s6  }
0xf: {  	[smem:$0x3FB5] =	sst s7  }
0x10: {  	[smem:$0x3FB6] =	sst s8  }
0x11: {  	[smem:$0x3FB7] =	sst s9;
	s0 =	simm.s32 @!p0 $0x0  }
0x12: {  	s1 =	sld [smem:$0x3F9D];
	s0 =	simm.s32 @p0 $0x1  }
0x13: {  	[smem:$0x3FB8] =	sst s0;
	s0 =	simm.s32 @!p1 $0x0  }
0x14: {  	s2 =	sld [smem:$0x3F9C];
	s0 =	simm.s32 @p1 $0x1  }
0x15: {  	[smem:$0x3FB9] =	sst s0;
	s0 =	simm.s32 @!p2 $0x0  }
0x16: {  	s3 =	sld [smem:$0x3FDB];
	s0 =	simm.s32 @p2 $0x1  }
0x17: {  	s4 =	simm.s32 $0x1BF5;
	[smem:$0x3FBB] =	sst s0  }
0x18: {  	s0 =	sld [smem:$0x3F9E];
	_ =	swait.ge [sflag:s4], $0x0  }
0x19: {  	s7 =	sld [smem:$0x3F9F]  }
0x1a: {  	s8 =	sadd.s32 $0xFFFFE003, lr  }
0x1b: {  	s9 =	sadd.s32 $0xFFFFFEF7, lr;
	s5 =	simm.s32 $0xFFFFFFFF;
	p2 =	slt.u32 s8, $0xFFFFF086  }
0x1c: {  	p1 =	slt.u32 s9, $0xF7A;
	s5 =	simm.s32 @!p2 $0x0  }
0x1d: {  	s5 =	simm.s32 @p1 $0x1;
	p0 =	seq.s32 s7, s2  }
0x1e: {  	s7 =	smul.u32 @!p0 $0xF7A, s2;
	p2 =	seq.s32 @!p0 s5, $0x0  }
0x1f: {  	s9 =	smul.u32 $0xF7A, s1;
	s8 =	simm.s32 @!p0 $0x1BF5;
	p2 =	por !p2, p0  }
0x20: {  	[sflag:s8] =	ssyncset.s32 @!p0 $0xFFFFF086;
	s6 =	sadd.s32 @!p0 s3, s7;
	s7 =	simm.s32 @!p0 $0x108  }
0x21: {  	s3 =	sadd.s32 s3, s9;
	s6 =	sadd.s32 @!p0 $0x88, s6;
	s7 =	simm.s32 @p2 $0x1082  }
0x22: {  	[simem:s7], [sflag:s8] =	dma.local @!p0 [hbm:s6], $0xF7A  }
0x23: {  	s9 =	sor.u32 $0xD0000000, s2;
	s6 =	simm.s32 $0x108;
	_ =	swait.ge @!p0 [sflag:s8], $0x0  }
0x24: {  	s3 =	sadd.s32 $0x88, s3;
	s6 =	simm.s32 @!p1 $0x1082;
	[sflag:s4] =	ssyncset.s32 $0xFFFFF086  }
0x25: {  	[simem:s6], [sflag:s4] =	dma.local [hbm:s3], $0xF7A  }
0x26: {  	[smem:$0x3F9F] =	sst s1;
	(tag) =	ssettag s2;
	_ =	strace s9  }
0x27: {  	s1 =	sld [smem:$0x3FAF]  }
0x28: {  	s2 =	sld [smem:$0x3FB0]  }
0x29: {  	s4 =	sld [smem:$0x3FB2]  }
0x2a: {  	p0 =	seq.s32 s5, $0x0;
	s5 =	sld [smem:$0x3FB3]  }
0x2b: {  	s6 =	sld [smem:$0x3FB4]  }
0x2c: {  	s7 =	sld [smem:$0x3FB5]  }
0x2d: {  	s3 =	simm.s32 $0x108;
	s8 =	sld [smem:$0x3FB6]  }
0x2e: {  	s3 =	simm.s32 @!p0 $0x1082;
	s9 =	sld [smem:$0x3FB7]  }
0x2f: {  	lr =	sadd.s32 s0, s3;
	s0 =	sld [smem:$0x3FAE]  }
0x30: {  	s3 =	sld [smem:$0x3FB1]  }
0x31: {  	[smem:$0x3FBA] =	sst s10  }
0x32: {  	s10 =	sld [smem:$0x3FB8];
	_ =	sdelay $0x3  }
0x33: {  	p0 =	seq.s32 s10, $0x1;
	s10 =	sld [smem:$0x3FBA];
	_ =	sdelay $0x3  }
0x34: {  	[smem:$0x3FBA] =	sst s10  }
0x35: {  	s10 =	sld [smem:$0x3FB9];
	_ =	sdelay $0x3  }
0x36: {  	p1 =	seq.s32 s10, $0x1;
	s10 =	sld [smem:$0x3FBA];
	_ =	sdelay $0x3  }
0x37: {  	[smem:$0x3FBA] =	sst s10  }
0x38: {  	s10 =	sld [smem:$0x3FBB]  }
0x39: {  	_ = 	snop;
	(pc) =	sbr.ind lr, $3  }
0x3a: {  	_ = 	snop  }
0x3b: {  	_ = 	snop  }
0x3c: {  	p2 =	seq.s32 s10, $0x1;
	s10 =	sld [smem:$0x3FBA]  }
0x3d: {  	_ =	shalt  }
0x3e: {  	_ =	shalt  }
0x3f: {  	_ =	shalt  }
0x40: {  	_ =	shalt  }
0x41: {  	_ =	shalt  }
0x42: {  	_ =	shalt  }
0x43: {  	_ =	shalt  }
0x44: {  	_ =	shalt  }
0x45: {  	_ =	shalt  }
0x46: {  	_ =	shalt  }
0x47: {  	_ =	shalt  }
0x48: {  	_ =	shalt  }
0x49: {  	_ =	shalt  }
0x4a: {  	_ =	shalt  }
0x4b: {  	_ =	shalt  }
0x4c: {  	_ =	shalt  }
0x4d: {  	_ =	shalt  }
0x4e: {  	_ =	shalt  }
0x4f: {  	_ =	shalt  }
0x50: {  	_ =	shalt  }
0x51: {  	_ =	shalt  }
0x52: {  	_ =	shalt  }
0x53: {  	_ =	shalt  }
0x54: {  	_ =	shalt  }
0x55: {  	_ =	shalt  }
0x56: {  	_ =	shalt  }
0x57: {  	_ =	shalt  }
0x58: {  	_ =	shalt  }
0x59: {  	_ =	shalt  }
0x5a: {  	_ =	shalt  }
0x5b: {  	_ =	shalt  }
0x5c: {  	_ =	shalt  }
0x5d: {  	_ =	shalt  }
0x5e: {  	_ =	shalt  }
0x5f: {  	_ =	shalt  }
0x60: {  	_ =	shalt  }
0x61: {  	_ =	shalt  }
0x62: {  	_ =	shalt  }
0x63: {  	_ =	shalt  }
0x64: {  	_ =	shalt  }
0x65: {  	_ =	shalt  }
0x66: {  	_ =	shalt  }
0x67: {  	_ =	shalt  }
0x68: {  	_ =	shalt  }
0x69: {  	_ =	shalt  }
0x6a: {  	_ =	shalt  }
0x6b: {  	_ =	shalt  }
0x6c: {  	_ =	shalt  }
0x6d: {  	_ =	shalt  }
0x6e: {  	_ =	shalt  }
0x6f: {  	_ =	shalt  }
0x70: {  	_ =	shalt  }
0x71: {  	_ =	shalt  }
0x72: {  	_ =	shalt  }
0x73: {  	_ =	shalt  }
0x74: {  	_ =	shalt  }
0x75: {  	_ =	shalt  }
0x76: {  	_ =	shalt  }
0x77: {  	_ =	shalt  }
0x78: {  	_ =	shalt  }
0x79: {  	_ =	shalt  }
0x7a: {  	_ =	shalt  }
0x7b: {  	_ =	shalt  }
0x7c: {  	_ =	shalt  }
0x7d: {  	_ =	shalt  }
0x7e: {  	_ =	shalt  }
0x7f: {  	_ =	shalt  }
0x80: {  	_ =	shalt  }
0x81: {  	_ =	shalt  }
0x82: {  	_ =	shalt  }
0x83: {  	_ =	shalt  }
0x84: {  	_ =	shalt  }
0x85: {  	_ =	shalt  }
0x86: {  	_ =	shalt  }
0x87: {  	_ =	shalt  }
.Lfunc_end0:
.L_simem_size_0:
called_computation_lowered:
.L_overlay_start_0:
0x88: {  	s2 =	sld [smem:$0x3FD9]  }
0x89: {  	s3 =	sld [smem:$0x3FFE];
	_ =	sdelay $0x1  }
0x8a: {  	s1 =	srdreg.scid  }
0x8b: {  	s0 =	sand.u32 $0x1, s1  }
0x8c: {  	s17 =	sshll.u32 s0, $0xA;
	s2 =	sadd.s32 s3, s2  }
0x8d: {  	s2 =	sadd.s32 s2, s17  }
0x8e: {  	[smem:$0x3FC6] =	sst s2  }
0x8f: {  	_ = 	snop  }
0x90: {  	s2 =	sld [smem:$0x3FD0];
	(tm) =	ssettm $0x1  }
0x91: {  	s18 =	sld [smem:$0x3FFB];
	_ =	sdelay $0x3  }
0x92: {  	_ =	strace s18  }
0x93: {  	s3 =	sld [smem:$0x3FFC];
	_ =	sdelay $0x3  }
0x94: {  	_ =	strace s3  }
0x95: {  	s3 =	sld [smem:$0x3FFD];
	_ =	sdelay $0x3  }
0x96: {  	_ =	strace s3  }
0x97: {  	_ =	strace $0x8FFFFFFF  }
0x98: {  	s19 =	sld [smem:$0x3FDB];
	_ =	sdelay $0x1  }
0x99: {  	s4 =	simm.s32 $_scs_section_size  }
0x9a: {  	s5 =	simm.s32 $_size__tile_overlayer_lowered;
	s6 =	simm.s32 $_tile_overlayer_lowered  }
0x9b: {  	s22 =	simm.s32 $0x1BFF;
	s21 =	sshll.u32 s6, $0x1;
	s3 =	sadd.s32 s4, s19  }
0x9c: {  	s7 =	simm.s32 $0x0;
	s20 =	sshll.u32 s5, $0x1;
	s5 =	sadd.s32 s21, s3  }
0x9d: {  	[timem:s7], [sflag:s22] =	dma.local [hbm:s5], s20  }
0x9e: {  	_ =	swait.ge [sflag:s22], s20  }
0x9f: {  	s4 =	ssub.s32 $0x0, s20;
	[sflag:s22] =	ssyncset.done $0x0  }
0xa0: {  	[sflag:s22] =	ssyncadd.s32 s4;
	_ =	sdelay $0x1  }
0xa1: {  	s23 =	simm.s32 $0x1B8B  }
0xa2: {  	_ =	swait.ge [sflag:s23], $0x1  }
0xa3: {  	[sflag:s23] =	ssyncset.done $0x0  }
0xa4: {  	s25 =	simm.s32 $0x1B8E;
	s24 =	sld [smem:$0x3FFE];
	[sflag:s23] =	ssyncadd.s32 $0xFFFFFFFF  }
0xa5: {  	s26 =	simm.s32 $execute0_lowered;
	[smem:$0x3FD2] =	sst s25  }
0xa6: {  	s5 =	sshll.u32 s26, $0x1;
	_ =	strace $0x80000046;
	[dreg:$0x1] =	wrdreg $0xFFFFFFFF  }
0xa7: {  	s28 =	simm.s32 $_size_execute0_lowered;
	s3 =	sadd.s32 s3, s5;
	[dreg:$0x0] =	wrdreg $0x0  }
0xa8: {  	s5 =	sshll.u32 s28, $0x1;
	[dreg:$0x2] =	wrdreg s3  }
0xa9: {  	[dreg:$0x3] =	wrdreg s5  }
0xaa: {  	[dreg:$0x4] =	wrdreg $0xC0  }
0xab: {  	_ =	task [dreg:s7], $0x5FFFF  }
0xac: {  	[dreg:$0x1] =	wrdreg $0xFFFFFFFF  }
0xad: {  	[dreg:$0x0] =	wrdreg $0x60  }
0xae: {  	[dreg:$0x2] =	wrdreg s24  }
0xaf: {  	[dreg:$0x3] =	wrdreg s2  }
0xb0: {  	[dreg:$0x4] =	wrdreg $0x9  }
0xb1: {  	_ =	task.clear_ibuf [dreg:s7], $0x5FFFF;
	_ =	strace $0x90000046  }
0xb2: {  	s29 =	simm.s32 $0x9;
	_ =	strace $0x80000048  }
0xb3: {  	_ =	swait.ge [sflag:s29], $0x1  }
0xb4: {  	[sflag:s29] =	ssyncadd.s32 $0xFFFFFFFF  }
0xb5: {  	_ =	strace $0x90000048  }
0xb6: {  	_ =	sfence  }
0xb7: {  	s30 =	sld [smem:$0x0];
	_ =	sdelay $0x2  }
0xb8: {  	s31 =	sshll.u32 s1, $0xD;
	s1 =	sshrl.u32 s1, $0x2  }
0xb9: {  	s3 =	sand.u32 $0x4000, s31;
	s1 =	sadd.s32 s1, s30  }
0xba: {  	s0 =	sor.u32 s3, s0;
	s1 =	sshll.u32 s1, $0x11  }
0xbb: {  	s0 =	sor.u32 s1, s0  }
0xbc: {  	s0 =	sadd.s32 $0x8F2B, s0  }
0xbd: {  	[sflag:s0] =	ssyncadd.remote.s32 $0x1  }
0xbe: {  	_ =	sfence.sel $0xFFFF  }
0xbf: {  	[dreg:$0x0] =	wrdreg $0xFFFFFFFF;
	(pc) =	sbr.abs _section_cstart, $3  }
0xc0: {  	[dreg:$0x1] =	wrdreg $0xFFFFFFFF  }
0xc1: {  	_ =	task.clear_ibuf [dreg:s7], $0x2FFFF;
	_ =	strace $0x9FFFFFFF  }
0xc2: {  	(tm) =	ssettm $0x7FFFFFFF  }
0xc3: {  	_ =	shalt  }
tec
execute0_lowered:
.L_overlay_start_1:
0x0: {  	(tag) =	ssettag $0x1  }
0x1: {  	s0 =	rddreg [dreg:$0x0]  }
0x2: {  	s1 =	srdreg.scid;
	s7 =	rddreg [dreg:$0x1];
	s3 =	simm.s32 $0x0  }
0x3: {  	[smem:$0x7FF] =	sst s3;
	s8 =	sadd.s32 $0x800, s0;
	s20 =	sadd.s32 $0xF42C00, s0  }
0x4: {  	s0 =	sadd.s32 $0x19800, s0;
	_ =	strace $0x80000047;
	[dreg:$0x4] =	wrdreg s20  }
0x5: {  	s2 =	stileid.u32;
	[dreg:$0x5] =	wrdreg s0  }
0x6: {  	s1 =	sand.u32 $0x1, s1;
	s24 =	sadd.s32 $0x1000, s7;
	[dreg:$0x3] =	wrdreg s8  }
0x7: {  	s2 =	sshll.u32 s2, $0x1;
	s25 =	sadd.s32 $0x2000, s7;
	[dreg:$0x8] =	wrdreg s24  }
0x8: {  	s26 =	sadd.s32 $0x3000, s7;
	s28 =	sadd.s32 $0x4000, s7;
	[dreg:$0x9] =	wrdreg s25  }
0x9: {  	s29 =	sadd.s32 $0x5000, s7;
	s30 =	sadd.s32 $0x6000, s7;
	[dreg:$0xa] =	wrdreg s26  }
0xa: {  	s31 =	sadd.s32 $0x7000, s7;
	s2 =	sor.u32 s1, s2;
	[dreg:$0xb] =	wrdreg s28  }
0xb: {  	s1 =	ssub.s32 $0x2, s1;
	[dreg:$0xc] =	wrdreg s29;
	s4 =	smul.u32 $0x6400, s2  }
0xc: {  	[dreg:$0xd] =	wrdreg s30;
	s5 =	sshll.u32 s2, $0xA;
	s21 =	sshrl.u32 s1, $0x1  }
0xd: {  	s22 =	smul.u32 $0x64, s2;
	s6 =	sand.u32 $0xC00, s5;
	s4 =	sand.u32 $0xFF000, s4  }
0xe: {  	[dreg:$0xe] =	wrdreg s31;
	s0 =	ssub.s32 s1, s21;
	s4 =	sor.u32 s6, s4  }
0xf: {  	[dreg:$0x6] =	wrdreg s22;
	s0 =	smax.u32 s0, $0x1;
	s4 =	sshrl.u32 s4, $0x3  }
0x10: {  	v0 =	vlaneseq.u32;
	[dreg:$0xf] =	wrdreg s0;
	s23 =	sadd.s32 s8, s4  }
0x11: {  	v0 =	vmul.u32 $0x11, v0;
	s2 =	simm.s32 $0x0;
	[dreg:$0x7] =	wrdreg s23;
	s23 =	simm.s32 $0x13400  }
.LBB2_1:
0x12: {  	[dreg:$0x10] =	wrdreg s2  }
0x13: {  	s0 =	rddreg [dreg:$0x5];
	s1 =	simm.s32 $0x5  }
0x14: {  	[tilespmem:s3], [sflag:$0x5] =	stream.linear.gather [hbm4b:s0+s3], $0x3200, $0x38;
	[tilespmem:$0x13C80] =	vst v63  }
0x15: {  	_ =	swait.ge [sflag:s1], $0x3200  }
0x16: {  	[sflag:s1] =	ssyncset.done $0x0  }
0x17: {  	s25 =	simm.s32 $0x3200;
	s24 =	rddreg [dreg:$0x7];
	[sflag:s1] =	ssyncadd.s32 $0xFFFFCE00  }
0x18: {  	[tilespmem:s25], [sflag:$0x5] =	stream.linear.gather [hbm4b:s24+s3], $0x100, $0x38;
	[tilespmem:$0x13C80] =	vst v63  }
0x19: {  	_ =	swait.ge [sflag:s1], $0x100  }
0x1a: {  	s29 =	simm.s32 $0x80;
	s4 =	simm.s32 $0x3400;
	[sflag:s1] =	ssyncset.done $0x0  }
0x1b: {  	s30 =	simm.s32 $0x3280;
	s26 =	rddreg [dreg:$0x4];
	[sflag:s1] =	ssyncadd.s32 $0xFFFFFF00  }
0x1c: {  	[tilespmem:s4], [sflag:$0x1] =	stream.indirect.gather [hbm4b:s26+s29], $0x40, s25, s29, $0xb8;
	[tilespmem:$0x13C80] =	vst v63  }
0x1d: {  	s31 =	simm.s32 $0x5400;
	p0 =	por $0x0, $0x0;
	s28 =	simm.s32 $0x0  }
0x1e: {  	[tilespmem:s31], [sflag:$0x1] =	stream.indirect.gather [hbm4b:s26+s29], $0x40, s30, s29, $0xb8;
	[tilespmem:$0x13C80] =	vst v63  }
.LBB2_2:
0x1f: {  	s0 =	smov.u32 s28  }
0x20: {  	s28 =	sadd.s32 $0x1, s28;
	s7 =	rddreg [dreg:$0x6];
	p1 =	seq.s32 s0, $0x63  }
0x21: {  	s1 =	sadd.s32 @!p1 s7, s28  }
0x22: {  	s2 =	sand.u32 @!p1 $0x1, s28;
	s1 =	sshll.u32 @!p1 s1, $0x5  }
0x23: {  	s5 =	rddreg [dreg:$0x3];
	s4 =	sshll.u32 @!p1 s2, $0x8;
	s1 =	sand.u32 @!p1 $0xFFFFFE0, s1  }
0x24: {  	s8 =	simm.s32 @!p1 $0x0;
	s6 =	sor.u32 @!p1 $0x3200, s4;
	s1 =	sadd.s32 @!p1 s5, s1  }
0x25: {  	[tilespmem:s6], [sflag:$0x5] =	stream.linear.gather @!p1 [hbm4b:s1+s8], $0x100, $0x38;
	[tilespmem:$0x13C80] =	vst v63  }
0x26: {  	s1 =	simm.s32 @!p1 $0x5  }
0x27: {  	_ =	swait.ge @!p1 [sflag:s1], $0x100  }
0x28: {  	s29 =	sand.u32 $0x1, s0;
	[sflag:s1] =	ssyncset.done @!p1 $0x0  }
0x29: {  	s9 =	simm.s32 @!p1 $0x80;
	[sflag:s1] =	ssyncadd.s32 @!p1 $0xFFFFFF00;
	s1 =	sshll.u32 @!p1 s2, $0xE  }
0x2a: {  	s5 =	rddreg [dreg:$0x4];
	s2 =	sadd.s32 @!p1 $0x1, s2;
	s8 =	sor.u32 @!p1 $0x3400, s1  }
0x2b: {  	[tilespmem:s8], [sflag:s2] =	stream.indirect.gather @!p1 [hbm4b:s5+s9], $0x40, s6, s9, $0xb8;
	[tilespmem:$0x13C80] =	vst v63  }
0x2c: {  	s26 =	sadd.s32 $0x1, s29;
	s4 =	sor.u32 @!p1 $0x3280, s4;
	s1 =	sadd.s32 @!p1 $0x5400, s1  }
0x2d: {  	[tilespmem:s1], [sflag:s2] =	stream.indirect.gather @!p1 [hbm4b:s5+s9], $0x40, s4, s9, $0xb8;
	[tilespmem:$0x13C80] =	vst v63  }
0x2e: {  	_ =	swait.ge [sflag:s26], $0x2000  }
0x2f: {  	[sflag:s26] =	ssyncset.done $0x0  }
0x30: {  	[sflag:s26] =	ssyncadd.s32 $0xFFFFE000  }
0x31: {  	_ =	swait.ge [sflag:s26], $0x2000  }
0x32: {  	p1 =	slt.u32 s0, $0x2;
	[sflag:s26] =	ssyncset.done $0x0  }
0x33: {  	s1 =	sadd.s32 @!p1 $0x3, s29;
	[sflag:s26] =	ssyncadd.s32 $0xFFFFE000  }
0x34: {  	_ =	swait.ge @!p1 [sflag:s1], $0x800  }
0x35: {  	[sflag:s1] =	ssyncset.done @!p1 $0x0  }
0x36: {  	[sflag:s1] =	ssyncadd.s32 @!p1 $0xFFFFF800  }
0x37: {  	_ =	swait.ge @!p1 [sflag:s1], $0x800  }
0x38: {  	[sflag:s1] =	ssyncset.done @!p1 $0x0  }
0x39: {  	[sflag:s1] =	ssyncadd.s32 @!p1 $0xFFFFF800  }
0x3a: {  	_ =	swait.ge @!p1 [sflag:s1], $0x800  }
0x3b: {  	[sflag:s1] =	ssyncset.done @!p1 $0x0  }
0x3c: {  	[sflag:s1] =	ssyncadd.s32 @!p1 $0xFFFFF800  }
0x3d: {  	_ =	swait.ge @!p1 [sflag:s1], $0x800  }
0x3e: {  	[sflag:s1] =	ssyncset.done @!p1 $0x0  }
0x3f: {  	[sflag:s1] =	ssyncadd.s32 @!p1 $0xFFFFF800  }
0x40: {  	_ =	swait.ge @!p1 [sflag:s1], $0x800  }
0x41: {  	[sflag:s1] =	ssyncset.done @!p1 $0x0  }
0x42: {  	[sflag:s1] =	ssyncadd.s32 @!p1 $0xFFFFF800  }
0x43: {  	_ =	swait.ge @!p1 [sflag:s1], $0x800  }
0x44: {  	[sflag:s1] =	ssyncset.done @!p1 $0x0  }
0x45: {  	[sflag:s1] =	ssyncadd.s32 @!p1 $0xFFFFF800  }
0x46: {  	_ =	swait.ge @!p1 [sflag:s1], $0x800  }
0x47: {  	s0 =	sadd.s32 s7, s0;
	[sflag:s1] =	ssyncset.done @!p1 $0x0  }
0x48: {  	[dreg:$0x11] =	wrdreg s0;
	[sflag:s1] =	ssyncadd.s32 @!p1 $0xFFFFF800  }
0x49: {  	s2 =	simm.s32 $0x1;
	s31 =	sshrl.u32 s0, $0x4;
	_ =	swait.ge @!p1 [sflag:s1], $0x800  }
0x4a: {  	s2 =	simm.s32 @!p0 $0x0;
	s0 =	sshll.u32 s31, $0x6;
	[sflag:s1] =	ssyncset.done @!p1 $0x0  }
0x4b: {  	s2 =	sshll.u32 s2, $0xE;
	s21 =	sand.u32 $0x3FFFFFC0, s0;
	[sflag:s1] =	ssyncadd.s32 @!p1 $0xFFFFF800  }
0x4c: {  	s30 =	sor.u32 $0x3480, s2;
	v1 =	vld [tilespmem:s21+$0x0]  }
0x4d: {  	v2 =	vld [tilespmem:s30+$0xFFFFFF80]  }
0x4e: {  	v3 =	vld [tilespmem:s30+$0x40]  }
0x4f: {  	v5 =	vld [tilespmem:s30+$0x0];
	_ =	sdelay $0x1  }
0x50: {  	v6 =	vld [tilespmem:s30+$0xFFFFFFC0]  }
0x51: {  	s1 =	sadd.s32 $0x100, s30;
	v7 =	vadd.f32 v2, v1  }
0x52: {  	s0 =	simm.s32 $0x13422;
	v4 =	vld [tilespmem:s1+$0xFFFFFF80];
	v8 =	vadd.f32 v3, v1  }
0x53: {  	s20 =	sadd.s32 $0x54F0, s2;
	s18 =	sadd.s32 $0x54E0, s2;
	v2 =	vld [tilespmem:s1+$0x40];
	[tilespmem:s0+$0xFFFFFFDE] =	vst v7;
	v7 =	vadd.f32 v5, v1  }
0x54: {  	s6 =	sadd.s32 $0x54D0, s2;
	s16 =	sadd.s32 $0x54C0, s2;
	s8 =	sor.u32 $0x34B0, s2;
	v3 =	vld [tilespmem:s1+$0x0];
	[tilespmem:s0+$0x11] =	vst v8  }
0x55: {  	s19 =	sor.u32 $0x34A0, s2;
	s22 =	sor.u32 $0x3490, s2;
	s2 =	simm.s32 $0x4;
	v6 =	vadd.f32 v6, v1;
	v5 =	vld [tilespmem:s1+$0xFFFFFFC0];
	[tilespmem:s0+$0x0] =	vst v7  }
.LBB2_3:
0x56: {  	s2 =	sadd.s32 $0x4, s2  }
0x57: {  	[tilespmem:s0+$0xFFFFFFEF] =	vst v6;
	s0 =	sadd.s32 $0x44, s0;
	p1 =	slt.u32 s2, $0x7C  }
.Ltmp0:
0x58: {  	s1 =	sadd.s32 $0x100, s1;
	v6 =	vadd.f32 v4, v1;
	(pc) =	sbr.rel @p1 .LBB2_3-.Ltmp0, $4  }
0x59: {  	v4 =	vld [tilespmem:s1+$0xFFFFFF80];
	v7 =	vadd.f32 v2, v1  }
0x5a: {  	v2 =	vld [tilespmem:s1+$0x40];
	[tilespmem:s0+$0xFFFFFFDE] =	vst v6;
	v8 =	vadd.f32 v3, v1  }
0x5b: {  	v3 =	vld [tilespmem:s1+$0x0];
	v6 =	vadd.f32 v5, v1;
	[tilespmem:s0+$0x11] =	vst v7  }
0x5c: {  	v5 =	vld [tilespmem:s1+$0xFFFFFFC0];
	[tilespmem:s0+$0x0] =	vst v8  }
0x5d: {  	s2 =	simm.s32 $0x0  }
0x5e: {  	s2 =	sand.u32 $0x4, s2  }
0x5f: {  	s4 =	sor.u32 $0x3, s2  }
0x60: {  	v4 =	vadd.f32 v4, v1;
	v2 =	vadd.f32 v2, v1;
	s9 =	smul.u32 $0x110, s4  }
0x61: {  	s17 =	sadd.s32 $0x44, s0;
	s10 =	sor.u32 $0x1, s2;
	v3 =	vadd.f32 v3, v1;
	v1 =	vadd.f32 v5, v1  }
0x62: {  	s1 =	sshll.u32 s29, $0xE;
	s11 =	smul.u32 $0x110, s10;
	s9 =	sadd.s32 $0x0, s9  }
0x63: {  	s26 =	simm.s32 $0x4;
	s14 =	simm.s32 $0x0;
	s12 =	sor.u32 $0x2, s2;
	[tilespmem:s17+$0xFFFFFFEF] =	vst v1;
	v1 =	vadd.s32 s9, v0  }
0x64: {  	[tilespmem:s0+$0xFFFFFFEF] =	vst v6;
	s0 =	sor.u32 $0xB400, s1;
	s24 =	smul.u32 $0x110, s12;
	s11 =	sadd.s32 $0x0, s11  }
0x65: {  	s14 =	sand.u32 $0x380, s14;
	s13 =	sshll.u32 s2, $0x4;
	s2 =	smul.u32 $0x110, s2;
	[tilespmem:s17+$0x11] =	vst v2;
	v2 =	vadd.s32 s11, v0  }
0x66: {  	[tilespmem:s17+$0xFFFFFFDE] =	vst v4;
	s10 =	sshll.u32 s10, $0x4;
	s12 =	sshll.u32 s12, $0x4;
	s9 =	sadd.s32 $0x0, s24  }
0x67: {  	s2 =	sadd.s32 $0x0, s2;
	[tilespmem:s17+$0x0] =	vst v3;
	s17 =	simm.s32 $0x0;
	s11 =	sand.u32 $0x4, s26;
	v3 =	vadd.s32 s9, v0  }
0x68: {  	v4 =	vadd.s32 s2, v0;
	s25 =	sand.u32 $0x2000, s17;
	s24 =	sor.u32 $0x3, s11;
	s30 =	sor.u32 $0x1, s11;
	v1 =	vld.idx.msk [tilespmem:v1+s23+$0x0], $0xffff  }
0x69: {  	s5 =	sor.u32 $0x2, s11;
	s25 =	sshrl.u32 s25, $0x2;
	s15 =	smul.u32 $0x110, s24  }
0x6a: {  	s2 =	sshll.u32 s11, $0x4;
	s7 =	smul.u32 $0x110, s30;
	s25 =	sadd.s32 s25, s0;
	v6 =	vld.idx.msk [tilespmem:v2+s23+$0x0], $0xffff  }
0x6b: {  	s14 =	sadd.s32 s14, s25;
	s25 =	sshll.u32 s4, $0x4;
	s9 =	sadd.s32 $0x0, s15  }
0x6c: {  	s15 =	sadd.s32 s25, s14;
	s25 =	sshll.u32 s30, $0x4;
	s30 =	smul.u32 $0x110, s5;
	v5 =	vadd.s32 s9, v0;
	v2 =	vld.idx.msk [tilespmem:v3+s23+$0x0], $0xffff  }
0x6d: {  	s11 =	smul.u32 $0x110, s11;
	s4 =	sshll.u32 s5, $0x4;
	s7 =	sadd.s32 $0x0, s7;
	[tilespmem:s15+$0x0] =	vst v1;
	v1 =	vld.idx.msk [tilespmem:v4+s23+$0x0], $0xffff  }
0x6e: {  	s9 =	sadd.s32 s13, s14;
	s15 =	sadd.s32 $0x0, s30;
	s30 =	sadd.s32 s10, s14  }
0x6f: {  	v3 =	vadd.s32 s7, v0;
	s10 =	sadd.s32 s12, s14;
	s12 =	sadd.s32 $0x0, s11;
	s11 =	simm.s32 $0x4;
	v4 =	vadd.s32 s15, v0;
	[tilespmem:s30+$0x0] =	vst v6  }
.LBB2_5:
0x70: {  	s26 =	sadd.s32 $0x4, s26;
	s17 =	sadd.s32 $0x200, s17;
	s5 =	smov.u32 s25  }
0x71: {  	v6 =	vadd.s32 s12, v0;
	v7 =	vld.idx.msk [tilespmem:v5+s23+$0x0], $0xffff;
	[tilespmem:s10+$0x0] =	vst v2;
	s7 =	smov.u32 s2;
	s10 =	smov.u32 s4;
	s4 =	sshll.u32 s11, $0x4  }
0x72: {  	s12 =	sand.u32 $0x4, s26;
	p1 =	slt.u32 s26, $0x7C;
	s2 =	sand.u32 $0x2000, s17;
	[tilespmem:s9+$0x0] =	vst v1  }
0x73: {  	s4 =	sand.u32 $0x380, s4;
	s13 =	sor.u32 $0x3, s12;
	s2 =	sshrl.u32 s2, $0x2  }
0x74: {  	s11 =	sshrl.u32 s26, $0x3;
	s9 =	smul.u32 $0x110, s13;
	s2 =	sadd.s32 s2, s0;
	v8 =	vld.idx.msk [tilespmem:v3+s23+$0x0], $0xffff  }
0x75: {  	s14 =	sadd.s32 s4, s2;
	v2 =	vld.idx.msk [tilespmem:v4+s23+$0x0], $0xffff;
	s2 =	sshll.u32 s24, $0x4;
	s4 =	sor.u32 $0x1, s12  }
0x76: {  	s9 =	sadd.s32 s11, s9;
	v1 =	vld.idx.msk [tilespmem:v6+s23+$0x0], $0xffff;
	s2 =	sadd.s32 s2, s14;
	s15 =	smul.u32 $0x110, s4  }
.Ltmp1:
0x77: {  	s25 =	sshll.u32 s4, $0x4;
	s4 =	sor.u32 $0x2, s12;
	v5 =	vadd.s32 s9, v0;
	[tilespmem:s2+$0x0] =	vst v7;
	(pc) =	sbr.rel @p1 .LBB2_5-.Ltmp1, $4  }
0x78: {  	s2 =	sshll.u32 s12, $0x4;
	s24 =	smul.u32 $0x110, s4;
	s4 =	sshll.u32 s4, $0x4  }
0x79: {  	s12 =	smul.u32 $0x110, s12;
	s9 =	sadd.s32 s7, s14;
	s15 =	sadd.s32 s11, s15  }
0x7a: {  	s5 =	sadd.s32 s5, s14;
	s10 =	sadd.s32 s10, s14;
	v3 =	vadd.s32 s15, v0;
	s7 =	sadd.s32 s11, s24  }
0x7b: {  	s12 =	sadd.s32 s11, s12;
	s11 =	smov.u32 s26;
	s24 =	smov.u32 s13;
	v4 =	vadd.s32 s7, v0;
	[tilespmem:s5+$0x0] =	vst v8  }
0x7c: {  	_ =	sdelay $0x1  }
0x7d: {  	v6 =	vadd.s32 s12, v0  }
0x7e: {  	s5 =	sadd.s32 $0x200, s17  }
0x7f: {  	v5 =	vld.idx.msk [tilespmem:v5+s23+$0x0], $0xffff;
	s5 =	sand.u32 $0x2000, s5  }
0x80: {  	s7 =	sshll.u32 s11, $0x4;
	v3 =	vld.idx.msk [tilespmem:v3+s23+$0x0], $0xffff;
	s5 =	sshrl.u32 s5, $0x2  }
0x81: {  	v4 =	vld.idx.msk [tilespmem:v4+s23+$0x0], $0xffff;
	s7 =	sand.u32 $0x380, s7;
	s5 =	sadd.s32 s5, s0  }
0x82: {  	[tilespmem:s10+$0x0] =	vst v2;
	s26 =	sshll.u32 s24, $0x4;
	s5 =	sadd.s32 s7, s5;
	v2 =	vld.idx.msk [tilespmem:v6+s23+$0x0], $0xffff  }
0x83: {  	[tilespmem:s9+$0x0] =	vst v1;
	s7 =	sadd.s32 s26, s5  }
0x84: {  	s30 =	sadd.s32 s25, s5;
	[tilespmem:s7+$0x0] =	vst v5  }
0x85: {  	s4 =	sadd.s32 s4, s5;
	[tilespmem:s30+$0x0] =	vst v3  }
0x86: {  	s2 =	sadd.s32 s2, s5;
	[tilespmem:s4+$0x0] =	vst v4  }
0x87: {  	[tilespmem:s2+$0x0] =	vst v2  }
0x88: {  	v1 =	vld [tilespmem:s21+$0x10]  }
0x89: {  	v2 =	vld [tilespmem:s22+$0xFFFFFF80]  }
0x8a: {  	v3 =	vld [tilespmem:s22+$0x40]  }
0x8b: {  	v5 =	vld [tilespmem:s22+$0x0];
	_ =	sdelay $0x1  }
0x8c: {  	v6 =	vld [tilespmem:s22+$0xFFFFFFC0]  }
0x8d: {  	s4 =	sadd.s32 $0x100, s22;
	v7 =	vadd.f32 v2, v1  }
0x8e: {  	s2 =	simm.s32 $0x13422;
	v4 =	vld [tilespmem:s4+$0xFFFFFF80];
	v8 =	vadd.f32 v3, v1  }
0x8f: {  	v2 =	vld [tilespmem:s4+$0x40];
	[tilespmem:s2+$0xFFFFFFDE] =	vst v7;
	v7 =	vadd.f32 v5, v1  }
0x90: {  	v3 =	vld [tilespmem:s4+$0x0];
	[tilespmem:s2+$0x11] =	vst v8  }
0x91: {  	s9 =	simm.s32 $0x4;
	v6 =	vadd.f32 v6, v1;
	v5 =	vld [tilespmem:s4+$0xFFFFFFC0];
	[tilespmem:s2+$0x0] =	vst v7  }
.LBB2_7:
0x92: {  	s9 =	sadd.s32 $0x4, s9  }
0x93: {  	[tilespmem:s2+$0xFFFFFFEF] =	vst v6;
	s2 =	sadd.s32 $0x44, s2;
	p1 =	slt.u32 s9, $0x7C  }
.Ltmp2:
0x94: {  	s4 =	sadd.s32 $0x100, s4;
	v6 =	vadd.f32 v4, v1;
	(pc) =	sbr.rel @p1 .LBB2_7-.Ltmp2, $4  }
0x95: {  	v4 =	vld [tilespmem:s4+$0xFFFFFF80];
	v7 =	vadd.f32 v2, v1  }
0x96: {  	v2 =	vld [tilespmem:s4+$0x40];
	[tilespmem:s2+$0xFFFFFFDE] =	vst v6;
	v8 =	vadd.f32 v3, v1  }
0x97: {  	v3 =	vld [tilespmem:s4+$0x0];
	v6 =	vadd.f32 v5, v1;
	[tilespmem:s2+$0x11] =	vst v7  }
0x98: {  	v5 =	vld [tilespmem:s4+$0xFFFFFFC0];
	[tilespmem:s2+$0x0] =	vst v8  }
0x99: {  	s13 =	simm.s32 $0x0  }
0x9a: {  	[tilespmem:s2+$0xFFFFFFEF] =	vst v6;
	s12 =	sadd.s32 $0x44, s2;
	s2 =	sand.u32 $0x4, s13  }
0x9b: {  	s4 =	sor.u32 $0x3, s2  }
0x9c: {  	v4 =	vadd.f32 v4, v1;
	v2 =	vadd.f32 v2, v1;
	s5 =	smul.u32 $0x110, s4  }
0x9d: {  	s7 =	sor.u32 $0x1, s2;
	v3 =	vadd.f32 v3, v1;
	v1 =	vadd.f32 v5, v1  }
0x9e: {  	s9 =	smul.u32 $0x110, s7;
	s5 =	sadd.s32 $0x0, s5  }
0x9f: {  	s22 =	sadd.s32 $0xC400, s1;
	s17 =	simm.s32 $0x0;
	s10 =	sor.u32 $0x2, s2;
	[tilespmem:s12+$0xFFFFFFEF] =	vst v1;
	v1 =	vadd.s32 s5, v0  }
0xa0: {  	s26 =	simm.s32 $0x4;
	s14 =	smul.u32 $0x110, s10;
	s9 =	sadd.s32 $0x0, s9  }
0xa1: {  	s13 =	simm.s32 $0x0;
	s11 =	sshll.u32 s2, $0x4;
	s2 =	smul.u32 $0x110, s2;
	[tilespmem:s12+$0x11] =	vst v2;
	v2 =	vadd.s32 s9, v0  }
0xa2: {  	s13 =	sand.u32 $0x380, s13;
	[tilespmem:s12+$0xFFFFFFDE] =	vst v4;
	s5 =	sadd.s32 $0x0, s14;
	s9 =	sand.u32 $0x4, s26  }
0xa3: {  	s2 =	sadd.s32 $0x0, s2;
	[tilespmem:s12+$0x0] =	vst v3;
	s12 =	sand.u32 $0x2000, s17;
	s24 =	sor.u32 $0x3, s9;
	v3 =	vadd.s32 s5, v0  }
0xa4: {  	s7 =	sshll.u32 s7, $0x4;
	v4 =	vadd.s32 s2, v0;
	s12 =	sshrl.u32 s12, $0x2;
	s14 =	smul.u32 $0x110, s24;
	v1 =	vld.idx.msk [tilespmem:v1+s23+$0x0], $0xffff  }
0xa5: {  	s10 =	sshll.u32 s10, $0x4;
	s15 =	sshll.u32 s4, $0x4;
	s12 =	sadd.s32 s12, s22  }
0xa6: {  	s25 =	sor.u32 $0x1, s9;
	s5 =	sadd.s32 s13, s12;
	s12 =	sadd.s32 $0x0, s14;
	v6 =	vld.idx.msk [tilespmem:v2+s23+$0x0], $0xffff  }
0xa7: {  	s13 =	sadd.s32 s15, s5;
	s14 =	smul.u32 $0x110, s25;
	s15 =	sor.u32 $0x2, s9  }
0xa8: {  	s2 =	sshll.u32 s9, $0x4;
	s25 =	sshll.u32 s25, $0x4;
	s30 =	smul.u32 $0x110, s15;
	v5 =	vadd.s32 s12, v0;
	v2 =	vld.idx.msk [tilespmem:v3+s23+$0x0], $0xffff  }
0xa9: {  	s7 =	sadd.s32 s7, s5;
	s4 =	sshll.u32 s15, $0x4;
	s15 =	smul.u32 $0x110, s9;
	[tilespmem:s13+$0x0] =	vst v1;
	v1 =	vld.idx.msk [tilespmem:v4+s23+$0x0], $0xffff  }
0xaa: {  	s10 =	sadd.s32 s10, s5;
	s14 =	sadd.s32 $0x0, s14;
	s30 =	sadd.s32 $0x0, s30  }
0xab: {  	s9 =	sadd.s32 s11, s5;
	s11 =	simm.s32 $0x4;
	v3 =	vadd.s32 s14, v0;
	s12 =	sadd.s32 $0x0, s15;
	v4 =	vadd.s32 s30, v0;
	[tilespmem:s7+$0x0] =	vst v6  }
.LBB2_9:
0xac: {  	s26 =	sadd.s32 $0x4, s26;
	s17 =	sadd.s32 $0x200, s17;
	s5 =	smov.u32 s25  }
0xad: {  	v6 =	vadd.s32 s12, v0;
	v7 =	vld.idx.msk [tilespmem:v5+s23+$0x0], $0xffff;
	[tilespmem:s10+$0x0] =	vst v2;
	s7 =	smov.u32 s2;
	s10 =	smov.u32 s4;
	s4 =	sshll.u32 s11, $0x4  }
0xae: {  	s12 =	sand.u32 $0x4, s26;
	p1 =	slt.u32 s26, $0x7C;
	s2 =	sand.u32 $0x2000, s17;
	[tilespmem:s9+$0x0] =	vst v1  }
0xaf: {  	s4 =	sand.u32 $0x380, s4;
	s13 =	sor.u32 $0x3, s12;
	s2 =	sshrl.u32 s2, $0x2  }
0xb0: {  	s11 =	sshrl.u32 s26, $0x3;
	s9 =	smul.u32 $0x110, s13;
	s2 =	sadd.s32 s2, s22;
	v8 =	vld.idx.msk [tilespmem:v3+s23+$0x0], $0xffff  }
0xb1: {  	s14 =	sadd.s32 s4, s2;
	v2 =	vld.idx.msk [tilespmem:v4+s23+$0x0], $0xffff;
	s2 =	sshll.u32 s24, $0x4;
	s4 =	sor.u32 $0x1, s12  }
0xb2: {  	s9 =	sadd.s32 s11, s9;
	v1 =	vld.idx.msk [tilespmem:v6+s23+$0x0], $0xffff;
	s2 =	sadd.s32 s2, s14;
	s15 =	smul.u32 $0x110, s4  }
.Ltmp3:
0xb3: {  	s25 =	sshll.u32 s4, $0x4;
	s4 =	sor.u32 $0x2, s12;
	v5 =	vadd.s32 s9, v0;
	[tilespmem:s2+$0x0] =	vst v7;
	(pc) =	sbr.rel @p1 .LBB2_9-.Ltmp3, $4  }
0xb4: {  	s2 =	sshll.u32 s12, $0x4;
	s24 =	smul.u32 $0x110, s4;
	s4 =	sshll.u32 s4, $0x4  }
0xb5: {  	s12 =	smul.u32 $0x110, s12;
	s9 =	sadd.s32 s7, s14;
	s15 =	sadd.s32 s11, s15  }
0xb6: {  	s5 =	sadd.s32 s5, s14;
	s10 =	sadd.s32 s10, s14;
	v3 =	vadd.s32 s15, v0;
	s7 =	sadd.s32 s11, s24  }
0xb7: {  	s12 =	sadd.s32 s11, s12;
	s11 =	smov.u32 s26;
	s24 =	smov.u32 s13;
	v4 =	vadd.s32 s7, v0;
	[tilespmem:s5+$0x0] =	vst v8  }
0xb8: {  	_ =	sdelay $0x1  }
0xb9: {  	v6 =	vadd.s32 s12, v0  }
0xba: {  	s5 =	sadd.s32 $0x200, s17  }
0xbb: {  	v5 =	vld.idx.msk [tilespmem:v5+s23+$0x0], $0xffff;
	s5 =	sand.u32 $0x2000, s5  }
0xbc: {  	s7 =	sshll.u32 s11, $0x4;
	v3 =	vld.idx.msk [tilespmem:v3+s23+$0x0], $0xffff;
	s5 =	sshrl.u32 s5, $0x2  }
0xbd: {  	v4 =	vld.idx.msk [tilespmem:v4+s23+$0x0], $0xffff;
	s7 =	sand.u32 $0x380, s7;
	s5 =	sadd.s32 s5, s22  }
0xbe: {  	[tilespmem:s10+$0x0] =	vst v2;
	s26 =	sshll.u32 s24, $0x4;
	s5 =	sadd.s32 s7, s5;
	v2 =	vld.idx.msk [tilespmem:v6+s23+$0x0], $0xffff  }
0xbf: {  	[tilespmem:s9+$0x0] =	vst v1;
	s7 =	sadd.s32 s26, s5  }
0xc0: {  	s30 =	sadd.s32 s25, s5;
	[tilespmem:s7+$0x0] =	vst v5  }
0xc1: {  	s4 =	sadd.s32 s4, s5;
	[tilespmem:s30+$0x0] =	vst v3  }
0xc2: {  	s2 =	sadd.s32 s2, s5;
	[tilespmem:s4+$0x0] =	vst v4  }
0xc3: {  	[tilespmem:s2+$0x0] =	vst v2  }
0xc4: {  	v1 =	vld [tilespmem:s21+$0x20]  }
0xc5: {  	v2 =	vld [tilespmem:s19+$0xFFFFFF80]  }
0xc6: {  	v3 =	vld [tilespmem:s19+$0x40]  }
0xc7: {  	v5 =	vld [tilespmem:s19+$0x0];
	_ =	sdelay $0x1  }
0xc8: {  	v6 =	vld [tilespmem:s19+$0xFFFFFFC0]  }
0xc9: {  	s4 =	sadd.s32 $0x100, s19;
	v7 =	vadd.f32 v2, v1  }
0xca: {  	s2 =	simm.s32 $0x13422;
	v4 =	vld [tilespmem:s4+$0xFFFFFF80];
	v8 =	vadd.f32 v3, v1  }
0xcb: {  	v2 =	vld [tilespmem:s4+$0x40];
	[tilespmem:s2+$0xFFFFFFDE] =	vst v7;
	v7 =	vadd.f32 v5, v1  }
0xcc: {  	v3 =	vld [tilespmem:s4+$0x0];
	[tilespmem:s2+$0x11] =	vst v8  }
0xcd: {  	s9 =	simm.s32 $0x4;
	v6 =	vadd.f32 v6, v1;
	v5 =	vld [tilespmem:s4+$0xFFFFFFC0];
	[tilespmem:s2+$0x0] =	vst v7  }
.LBB2_11:
0xce: {  	s9 =	sadd.s32 $0x4, s9  }
0xcf: {  	[tilespmem:s2+$0xFFFFFFEF] =	vst v6;
	s2 =	sadd.s32 $0x44, s2;
	p1 =	slt.u32 s9, $0x7C  }
.Ltmp4:
0xd0: {  	s4 =	sadd.s32 $0x100, s4;
	v6 =	vadd.f32 v4, v1;
	(pc) =	sbr.rel @p1 .LBB2_11-.Ltmp4, $4  }
0xd1: {  	v4 =	vld [tilespmem:s4+$0xFFFFFF80];
	v7 =	vadd.f32 v2, v1  }
0xd2: {  	v2 =	vld [tilespmem:s4+$0x40];
	[tilespmem:s2+$0xFFFFFFDE] =	vst v6;
	v8 =	vadd.f32 v3, v1  }
0xd3: {  	v3 =	vld [tilespmem:s4+$0x0];
	v6 =	vadd.f32 v5, v1;
	[tilespmem:s2+$0x11] =	vst v7  }
0xd4: {  	v5 =	vld [tilespmem:s4+$0xFFFFFFC0];
	[tilespmem:s2+$0x0] =	vst v8  }
0xd5: {  	s13 =	simm.s32 $0x0  }
0xd6: {  	[tilespmem:s2+$0xFFFFFFEF] =	vst v6;
	s12 =	sadd.s32 $0x44, s2;
	s2 =	sand.u32 $0x4, s13  }
0xd7: {  	s4 =	sor.u32 $0x3, s2  }
0xd8: {  	v4 =	vadd.f32 v4, v1;
	v2 =	vadd.f32 v2, v1;
	s5 =	smul.u32 $0x110, s4  }
0xd9: {  	s7 =	sor.u32 $0x1, s2;
	v3 =	vadd.f32 v3, v1;
	v1 =	vadd.f32 v5, v1  }
0xda: {  	s9 =	smul.u32 $0x110, s7;
	s5 =	sadd.s32 $0x0, s5  }
0xdb: {  	s19 =	sadd.s32 $0xD400, s1;
	s17 =	simm.s32 $0x0;
	s10 =	sor.u32 $0x2, s2;
	[tilespmem:s12+$0xFFFFFFEF] =	vst v1;
	v1 =	vadd.s32 s5, v0  }
0xdc: {  	s26 =	simm.s32 $0x4;
	s14 =	smul.u32 $0x110, s10;
	s9 =	sadd.s32 $0x0, s9  }
0xdd: {  	s13 =	simm.s32 $0x0;
	s11 =	sshll.u32 s2, $0x4;
	s2 =	smul.u32 $0x110, s2;
	[tilespmem:s12+$0x11] =	vst v2;
	v2 =	vadd.s32 s9, v0  }
0xde: {  	s13 =	sand.u32 $0x380, s13;
	[tilespmem:s12+$0xFFFFFFDE] =	vst v4;
	s5 =	sadd.s32 $0x0, s14;
	s9 =	sand.u32 $0x4, s26  }
0xdf: {  	s2 =	sadd.s32 $0x0, s2;
	[tilespmem:s12+$0x0] =	vst v3;
	s12 =	sand.u32 $0x2000, s17;
	s24 =	sor.u32 $0x3, s9;
	v3 =	vadd.s32 s5, v0  }
0xe0: {  	s7 =	sshll.u32 s7, $0x4;
	v4 =	vadd.s32 s2, v0;
	s12 =	sshrl.u32 s12, $0x2;
	s14 =	smul.u32 $0x110, s24;
	v1 =	vld.idx.msk [tilespmem:v1+s23+$0x0], $0xffff  }
0xe1: {  	s10 =	sshll.u32 s10, $0x4;
	s15 =	sshll.u32 s4, $0x4;
	s12 =	sadd.s32 s12, s19  }
0xe2: {  	s25 =	sor.u32 $0x1, s9;
	s5 =	sadd.s32 s13, s12;
	s12 =	sadd.s32 $0x0, s14;
	v6 =	vld.idx.msk [tilespmem:v2+s23+$0x0], $0xffff  }
0xe3: {  	s13 =	sadd.s32 s15, s5;
	s14 =	smul.u32 $0x110, s25;
	s15 =	sor.u32 $0x2, s9  }
0xe4: {  	s2 =	sshll.u32 s9, $0x4;
	s25 =	sshll.u32 s25, $0x4;
	s30 =	smul.u32 $0x110, s15;
	v5 =	vadd.s32 s12, v0;
	v2 =	vld.idx.msk [tilespmem:v3+s23+$0x0], $0xffff  }
0xe5: {  	s7 =	sadd.s32 s7, s5;
	s4 =	sshll.u32 s15, $0x4;
	s15 =	smul.u32 $0x110, s9;
	[tilespmem:s13+$0x0] =	vst v1;
	v1 =	vld.idx.msk [tilespmem:v4+s23+$0x0], $0xffff  }
0xe6: {  	s10 =	sadd.s32 s10, s5;
	s14 =	sadd.s32 $0x0, s14;
	s30 =	sadd.s32 $0x0, s30  }
0xe7: {  	s9 =	sadd.s32 s11, s5;
	s11 =	simm.s32 $0x4;
	v3 =	vadd.s32 s14, v0;
	s12 =	sadd.s32 $0x0, s15;
	v4 =	vadd.s32 s30, v0;
	[tilespmem:s7+$0x0] =	vst v6  }
.LBB2_13:
0xe8: {  	s26 =	sadd.s32 $0x4, s26;
	s17 =	sadd.s32 $0x200, s17;
	s5 =	smov.u32 s25  }
0xe9: {  	v6 =	vadd.s32 s12, v0;
	v7 =	vld.idx.msk [tilespmem:v5+s23+$0x0], $0xffff;
	[tilespmem:s10+$0x0] =	vst v2;
	s7 =	smov.u32 s2;
	s10 =	smov.u32 s4;
	s4 =	sshll.u32 s11, $0x4  }
0xea: {  	s12 =	sand.u32 $0x4, s26;
	p1 =	slt.u32 s26, $0x7C;
	s2 =	sand.u32 $0x2000, s17;
	[tilespmem:s9+$0x0] =	vst v1  }
0xeb: {  	s4 =	sand.u32 $0x380, s4;
	s13 =	sor.u32 $0x3, s12;
	s2 =	sshrl.u32 s2, $0x2  }
0xec: {  	s11 =	sshrl.u32 s26, $0x3;
	s9 =	smul.u32 $0x110, s13;
	s2 =	sadd.s32 s2, s19;
	v8 =	vld.idx.msk [tilespmem:v3+s23+$0x0], $0xffff  }
0xed: {  	s14 =	sadd.s32 s4, s2;
	v2 =	vld.idx.msk [tilespmem:v4+s23+$0x0], $0xffff;
	s2 =	sshll.u32 s24, $0x4;
	s4 =	sor.u32 $0x1, s12  }
0xee: {  	s9 =	sadd.s32 s11, s9;
	v1 =	vld.idx.msk [tilespmem:v6+s23+$0x0], $0xffff;
	s2 =	sadd.s32 s2, s14;
	s15 =	smul.u32 $0x110, s4  }
.Ltmp5:
0xef: {  	s25 =	sshll.u32 s4, $0x4;
	s4 =	sor.u32 $0x2, s12;
	v5 =	vadd.s32 s9, v0;
	[tilespmem:s2+$0x0] =	vst v7;
	(pc) =	sbr.rel @p1 .LBB2_13-.Ltmp5, $4  }
0xf0: {  	s2 =	sshll.u32 s12, $0x4;
	s24 =	smul.u32 $0x110, s4;
	s4 =	sshll.u32 s4, $0x4  }
0xf1: {  	s12 =	smul.u32 $0x110, s12;
	s9 =	sadd.s32 s7, s14;
	s15 =	sadd.s32 s11, s15  }
0xf2: {  	s5 =	sadd.s32 s5, s14;
	s10 =	sadd.s32 s10, s14;
	v3 =	vadd.s32 s15, v0;
	s7 =	sadd.s32 s11, s24  }
0xf3: {  	s12 =	sadd.s32 s11, s12;
	s11 =	smov.u32 s26;
	s24 =	smov.u32 s13;
	v4 =	vadd.s32 s7, v0;
	[tilespmem:s5+$0x0] =	vst v8  }
0xf4: {  	_ =	sdelay $0x1  }
0xf5: {  	v6 =	vadd.s32 s12, v0  }
0xf6: {  	s5 =	sadd.s32 $0x200, s17  }
0xf7: {  	v5 =	vld.idx.msk [tilespmem:v5+s23+$0x0], $0xffff;
	s5 =	sand.u32 $0x2000, s5  }
0xf8: {  	s7 =	sshll.u32 s11, $0x4;
	v3 =	vld.idx.msk [tilespmem:v3+s23+$0x0], $0xffff;
	s5 =	sshrl.u32 s5, $0x2  }
0xf9: {  	v4 =	vld.idx.msk [tilespmem:v4+s23+$0x0], $0xffff;
	s7 =	sand.u32 $0x380, s7;
	s5 =	sadd.s32 s5, s19  }
0xfa: {  	[tilespmem:s10+$0x0] =	vst v2;
	s26 =	sshll.u32 s24, $0x4;
	s5 =	sadd.s32 s7, s5;
	v2 =	vld.idx.msk [tilespmem:v6+s23+$0x0], $0xffff  }
0xfb: {  	[tilespmem:s9+$0x0] =	vst v1;
	s7 =	sadd.s32 s26, s5  }
0xfc: {  	s30 =	sadd.s32 s25, s5;
	[tilespmem:s7+$0x0] =	vst v5  }
0xfd: {  	s4 =	sadd.s32 s4, s5;
	[tilespmem:s30+$0x0] =	vst v3  }
0xfe: {  	s2 =	sadd.s32 s2, s5;
	[tilespmem:s4+$0x0] =	vst v4  }
0xff: {  	[tilespmem:s2+$0x0] =	vst v2  }
0x100: {  	v1 =	vld [tilespmem:s21+$0x30]  }
0x101: {  	v2 =	vld [tilespmem:s8+$0xFFFFFF80]  }
0x102: {  	v3 =	vld [tilespmem:s8+$0x40]  }
0x103: {  	v5 =	vld [tilespmem:s8+$0x0];
	_ =	sdelay $0x1  }
0x104: {  	v6 =	vld [tilespmem:s8+$0xFFFFFFC0]  }
0x105: {  	s4 =	sadd.s32 $0x100, s8;
	v7 =	vadd.f32 v2, v1  }
0x106: {  	s2 =	simm.s32 $0x13422;
	v4 =	vld [tilespmem:s4+$0xFFFFFF80];
	v8 =	vadd.f32 v3, v1  }
0x107: {  	v2 =	vld [tilespmem:s4+$0x40];
	[tilespmem:s2+$0xFFFFFFDE] =	vst v7;
	v7 =	vadd.f32 v5, v1  }
0x108: {  	v3 =	vld [tilespmem:s4+$0x0];
	[tilespmem:s2+$0x11] =	vst v8  }
0x109: {  	s8 =	simm.s32 $0x4;
	v6 =	vadd.f32 v6, v1;
	v5 =	vld [tilespmem:s4+$0xFFFFFFC0];
	[tilespmem:s2+$0x0] =	vst v7  }
.LBB2_15:
0x10a: {  	s8 =	sadd.s32 $0x4, s8  }
0x10b: {  	[tilespmem:s2+$0xFFFFFFEF] =	vst v6;
	s2 =	sadd.s32 $0x44, s2;
	p1 =	slt.u32 s8, $0x7C  }
.Ltmp6:
0x10c: {  	s4 =	sadd.s32 $0x100, s4;
	v6 =	vadd.f32 v4, v1;
	(pc) =	sbr.rel @p1 .LBB2_15-.Ltmp6, $4  }
0x10d: {  	v4 =	vld [tilespmem:s4+$0xFFFFFF80];
	v7 =	vadd.f32 v2, v1  }
0x10e: {  	v2 =	vld [tilespmem:s4+$0x40];
	[tilespmem:s2+$0xFFFFFFDE] =	vst v6;
	v8 =	vadd.f32 v3, v1  }
0x10f: {  	v3 =	vld [tilespmem:s4+$0x0];
	v6 =	vadd.f32 v5, v1;
	[tilespmem:s2+$0x11] =	vst v7  }
0x110: {  	v5 =	vld [tilespmem:s4+$0xFFFFFFC0];
	[tilespmem:s2+$0x0] =	vst v8  }
0x111: {  	s13 =	simm.s32 $0x0  }
0x112: {  	[tilespmem:s2+$0xFFFFFFEF] =	vst v6;
	s12 =	sadd.s32 $0x44, s2;
	s2 =	sand.u32 $0x4, s13  }
0x113: {  	s4 =	sor.u32 $0x3, s2  }
0x114: {  	v4 =	vadd.f32 v4, v1;
	v2 =	vadd.f32 v2, v1;
	s5 =	smul.u32 $0x110, s4  }
0x115: {  	s7 =	sor.u32 $0x1, s2;
	v3 =	vadd.f32 v3, v1;
	v1 =	vadd.f32 v5, v1  }
0x116: {  	s9 =	smul.u32 $0x110, s7;
	s5 =	sadd.s32 $0x0, s5  }
0x117: {  	s8 =	sadd.s32 $0xE400, s1;
	s17 =	simm.s32 $0x0;
	s10 =	sor.u32 $0x2, s2;
	[tilespmem:s12+$0xFFFFFFEF] =	vst v1;
	v1 =	vadd.s32 s5, v0  }
0x118: {  	s26 =	simm.s32 $0x4;
	s14 =	smul.u32 $0x110, s10;
	s9 =	sadd.s32 $0x0, s9  }
0x119: {  	s13 =	simm.s32 $0x0;
	s11 =	sshll.u32 s2, $0x4;
	s2 =	smul.u32 $0x110, s2;
	[tilespmem:s12+$0x11] =	vst v2;
	v2 =	vadd.s32 s9, v0  }
0x11a: {  	s13 =	sand.u32 $0x380, s13;
	[tilespmem:s12+$0xFFFFFFDE] =	vst v4;
	s5 =	sadd.s32 $0x0, s14;
	s9 =	sand.u32 $0x4, s26  }
0x11b: {  	s2 =	sadd.s32 $0x0, s2;
	[tilespmem:s12+$0x0] =	vst v3;
	s12 =	sand.u32 $0x2000, s17;
	s24 =	sor.u32 $0x3, s9;
	v3 =	vadd.s32 s5, v0  }
0x11c: {  	s7 =	sshll.u32 s7, $0x4;
	v4 =	vadd.s32 s2, v0;
	s12 =	sshrl.u32 s12, $0x2;
	s14 =	smul.u32 $0x110, s24;
	v1 =	vld.idx.msk [tilespmem:v1+s23+$0x0], $0xffff  }
0x11d: {  	s10 =	sshll.u32 s10, $0x4;
	s15 =	sshll.u32 s4, $0x4;
	s12 =	sadd.s32 s12, s8  }
0x11e: {  	s25 =	sor.u32 $0x1, s9;
	s5 =	sadd.s32 s13, s12;
	s12 =	sadd.s32 $0x0, s14;
	v6 =	vld.idx.msk [tilespmem:v2+s23+$0x0], $0xffff  }
0x11f: {  	s13 =	sadd.s32 s15, s5;
	s14 =	smul.u32 $0x110, s25;
	s15 =	sor.u32 $0x2, s9  }
0x120: {  	s2 =	sshll.u32 s9, $0x4;
	s25 =	sshll.u32 s25, $0x4;
	s30 =	smul.u32 $0x110, s15;
	v5 =	vadd.s32 s12, v0;
	v2 =	vld.idx.msk [tilespmem:v3+s23+$0x0], $0xffff  }
0x121: {  	s7 =	sadd.s32 s7, s5;
	s4 =	sshll.u32 s15, $0x4;
	s15 =	smul.u32 $0x110, s9;
	[tilespmem:s13+$0x0] =	vst v1;
	v1 =	vld.idx.msk [tilespmem:v4+s23+$0x0], $0xffff  }
0x122: {  	s10 =	sadd.s32 s10, s5;
	s14 =	sadd.s32 $0x0, s14;
	s30 =	sadd.s32 $0x0, s30  }
0x123: {  	s9 =	sadd.s32 s11, s5;
	s11 =	simm.s32 $0x4;
	v3 =	vadd.s32 s14, v0;
	s12 =	sadd.s32 $0x0, s15;
	v4 =	vadd.s32 s30, v0;
	[tilespmem:s7+$0x0] =	vst v6  }
.LBB2_17:
0x124: {  	s26 =	sadd.s32 $0x4, s26;
	s17 =	sadd.s32 $0x200, s17;
	s5 =	smov.u32 s25  }
0x125: {  	v6 =	vadd.s32 s12, v0;
	v7 =	vld.idx.msk [tilespmem:v5+s23+$0x0], $0xffff;
	[tilespmem:s10+$0x0] =	vst v2;
	s7 =	smov.u32 s2;
	s10 =	smov.u32 s4;
	s4 =	sshll.u32 s11, $0x4  }
0x126: {  	s12 =	sand.u32 $0x4, s26;
	p1 =	slt.u32 s26, $0x7C;
	s2 =	sand.u32 $0x2000, s17;
	[tilespmem:s9+$0x0] =	vst v1  }
0x127: {  	s4 =	sand.u32 $0x380, s4;
	s13 =	sor.u32 $0x3, s12;
	s2 =	sshrl.u32 s2, $0x2  }
0x128: {  	s11 =	sshrl.u32 s26, $0x3;
	s9 =	smul.u32 $0x110, s13;
	s2 =	sadd.s32 s2, s8;
	v8 =	vld.idx.msk [tilespmem:v3+s23+$0x0], $0xffff  }
0x129: {  	s14 =	sadd.s32 s4, s2;
	v2 =	vld.idx.msk [tilespmem:v4+s23+$0x0], $0xffff;
	s2 =	sshll.u32 s24, $0x4;
	s4 =	sor.u32 $0x1, s12  }
0x12a: {  	s9 =	sadd.s32 s11, s9;
	v1 =	vld.idx.msk [tilespmem:v6+s23+$0x0], $0xffff;
	s2 =	sadd.s32 s2, s14;
	s15 =	smul.u32 $0x110, s4  }
.Ltmp7:
0x12b: {  	s25 =	sshll.u32 s4, $0x4;
	s4 =	sor.u32 $0x2, s12;
	v5 =	vadd.s32 s9, v0;
	[tilespmem:s2+$0x0] =	vst v7;
	(pc) =	sbr.rel @p1 .LBB2_17-.Ltmp7, $4  }
0x12c: {  	s2 =	sshll.u32 s12, $0x4;
	s24 =	smul.u32 $0x110, s4;
	s4 =	sshll.u32 s4, $0x4  }
0x12d: {  	s12 =	smul.u32 $0x110, s12;
	s9 =	sadd.s32 s7, s14;
	s15 =	sadd.s32 s11, s15  }
0x12e: {  	s5 =	sadd.s32 s5, s14;
	s10 =	sadd.s32 s10, s14;
	v3 =	vadd.s32 s15, v0;
	s7 =	sadd.s32 s11, s24  }
0x12f: {  	s12 =	sadd.s32 s11, s12;
	s11 =	smov.u32 s26;
	s24 =	smov.u32 s13;
	v4 =	vadd.s32 s7, v0;
	[tilespmem:s5+$0x0] =	vst v8  }
0x130: {  	_ =	sdelay $0x1  }
0x131: {  	v6 =	vadd.s32 s12, v0  }
0x132: {  	s5 =	sadd.s32 $0x200, s17  }
0x133: {  	v5 =	vld.idx.msk [tilespmem:v5+s23+$0x0], $0xffff;
	s5 =	sand.u32 $0x2000, s5  }
0x134: {  	s7 =	sshll.u32 s11, $0x4;
	v3 =	vld.idx.msk [tilespmem:v3+s23+$0x0], $0xffff;
	s5 =	sshrl.u32 s5, $0x2  }
0x135: {  	v4 =	vld.idx.msk [tilespmem:v4+s23+$0x0], $0xffff;
	s7 =	sand.u32 $0x380, s7;
	s5 =	sadd.s32 s5, s8  }
0x136: {  	[tilespmem:s10+$0x0] =	vst v2;
	s26 =	sshll.u32 s24, $0x4;
	s5 =	sadd.s32 s7, s5;
	v2 =	vld.idx.msk [tilespmem:v6+s23+$0x0], $0xffff  }
0x137: {  	[tilespmem:s9+$0x0] =	vst v1;
	s7 =	sadd.s32 s26, s5  }
0x138: {  	s30 =	sadd.s32 s25, s5;
	[tilespmem:s7+$0x0] =	vst v5  }
0x139: {  	s4 =	sadd.s32 s4, s5;
	[tilespmem:s30+$0x0] =	vst v3  }
0x13a: {  	s2 =	sadd.s32 s2, s5;
	[tilespmem:s4+$0x0] =	vst v4  }
0x13b: {  	[tilespmem:s2+$0x0] =	vst v2  }
0x13c: {  	v1 =	vld [tilespmem:s21+$0x0]  }
0x13d: {  	v2 =	vld [tilespmem:s16+$0xFFFFFF40]  }
0x13e: {  	v3 =	vld [tilespmem:s16+$0x0]  }
0x13f: {  	v5 =	vld [tilespmem:s16+$0xFFFFFFC0];
	_ =	sdelay $0x1  }
0x140: {  	v6 =	vld [tilespmem:s16+$0xFFFFFF80]  }
0x141: {  	s4 =	sadd.s32 $0x100, s16;
	v7 =	vadd.f32 v2, v1  }
0x142: {  	s2 =	simm.s32 $0x13422;
	v4 =	vld [tilespmem:s4+$0xFFFFFF40];
	v8 =	vadd.f32 v3, v1  }
0x143: {  	v2 =	vld [tilespmem:s4+$0x0];
	[tilespmem:s2+$0xFFFFFFDE] =	vst v7;
	v7 =	vadd.f32 v5, v1  }
0x144: {  	v3 =	vld [tilespmem:s4+$0xFFFFFFC0];
	[tilespmem:s2+$0x11] =	vst v8  }
0x145: {  	s9 =	simm.s32 $0x4;
	v6 =	vadd.f32 v6, v1;
	v5 =	vld [tilespmem:s4+$0xFFFFFF80];
	[tilespmem:s2+$0x0] =	vst v7  }
.LBB2_19:
0x146: {  	s9 =	sadd.s32 $0x4, s9  }
0x147: {  	[tilespmem:s2+$0xFFFFFFEF] =	vst v6;
	s2 =	sadd.s32 $0x44, s2;
	p1 =	slt.u32 s9, $0x7C  }
.Ltmp8:
0x148: {  	s4 =	sadd.s32 $0x100, s4;
	v6 =	vadd.f32 v4, v1;
	(pc) =	sbr.rel @p1 .LBB2_19-.Ltmp8, $4  }
0x149: {  	v4 =	vld [tilespmem:s4+$0xFFFFFF40];
	v7 =	vadd.f32 v2, v1  }
0x14a: {  	v2 =	vld [tilespmem:s4+$0x0];
	[tilespmem:s2+$0xFFFFFFDE] =	vst v6;
	v8 =	vadd.f32 v3, v1  }
0x14b: {  	v3 =	vld [tilespmem:s4+$0xFFFFFFC0];
	v6 =	vadd.f32 v5, v1;
	[tilespmem:s2+$0x11] =	vst v7  }
0x14c: {  	v5 =	vld [tilespmem:s4+$0xFFFFFF80];
	[tilespmem:s2+$0x0] =	vst v8  }
0x14d: {  	s13 =	simm.s32 $0x0  }
0x14e: {  	[tilespmem:s2+$0xFFFFFFEF] =	vst v6;
	s12 =	sadd.s32 $0x44, s2;
	s2 =	sand.u32 $0x4, s13  }
0x14f: {  	s4 =	sor.u32 $0x3, s2  }
0x150: {  	v4 =	vadd.f32 v4, v1;
	v2 =	vadd.f32 v2, v1;
	s5 =	smul.u32 $0x110, s4  }
0x151: {  	s7 =	sor.u32 $0x1, s2;
	v3 =	vadd.f32 v3, v1;
	v1 =	vadd.f32 v5, v1  }
0x152: {  	s9 =	smul.u32 $0x110, s7;
	s5 =	sadd.s32 $0x0, s5  }
0x153: {  	s16 =	sadd.s32 $0xB800, s1;
	s17 =	simm.s32 $0x0;
	s10 =	sor.u32 $0x2, s2;
	[tilespmem:s12+$0xFFFFFFEF] =	vst v1;
	v1 =	vadd.s32 s5, v0  }
0x154: {  	s26 =	simm.s32 $0x4;
	s14 =	smul.u32 $0x110, s10;
	s9 =	sadd.s32 $0x0, s9  }
0x155: {  	s13 =	simm.s32 $0x0;
	s11 =	sshll.u32 s2, $0x4;
	s2 =	smul.u32 $0x110, s2;
	[tilespmem:s12+$0x11] =	vst v2;
	v2 =	vadd.s32 s9, v0  }
0x156: {  	s13 =	sand.u32 $0x380, s13;
	[tilespmem:s12+$0xFFFFFFDE] =	vst v4;
	s5 =	sadd.s32 $0x0, s14;
	s9 =	sand.u32 $0x4, s26  }
0x157: {  	s2 =	sadd.s32 $0x0, s2;
	[tilespmem:s12+$0x0] =	vst v3;
	s12 =	sand.u32 $0x2000, s17;
	s24 =	sor.u32 $0x3, s9;
	v3 =	vadd.s32 s5, v0  }
0x158: {  	s7 =	sshll.u32 s7, $0x4;
	v4 =	vadd.s32 s2, v0;
	s12 =	sshrl.u32 s12, $0x2;
	s14 =	smul.u32 $0x110, s24;
	v1 =	vld.idx.msk [tilespmem:v1+s23+$0x0], $0xffff  }
0x159: {  	s10 =	sshll.u32 s10, $0x4;
	s15 =	sshll.u32 s4, $0x4;
	s12 =	sadd.s32 s12, s16  }
0x15a: {  	s25 =	sor.u32 $0x1, s9;
	s5 =	sadd.s32 s13, s12;
	s12 =	sadd.s32 $0x0, s14;
	v6 =	vld.idx.msk [tilespmem:v2+s23+$0x0], $0xffff  }
0x15b: {  	s13 =	sadd.s32 s15, s5;
	s14 =	smul.u32 $0x110, s25;
	s15 =	sor.u32 $0x2, s9  }
0x15c: {  	s2 =	sshll.u32 s9, $0x4;
	s25 =	sshll.u32 s25, $0x4;
	s30 =	smul.u32 $0x110, s15;
	v5 =	vadd.s32 s12, v0;
	v2 =	vld.idx.msk [tilespmem:v3+s23+$0x0], $0xffff  }
0x15d: {  	s7 =	sadd.s32 s7, s5;
	s4 =	sshll.u32 s15, $0x4;
	s15 =	smul.u32 $0x110, s9;
	[tilespmem:s13+$0x0] =	vst v1;
	v1 =	vld.idx.msk [tilespmem:v4+s23+$0x0], $0xffff  }
0x15e: {  	s10 =	sadd.s32 s10, s5;
	s14 =	sadd.s32 $0x0, s14;
	s30 =	sadd.s32 $0x0, s30  }
0x15f: {  	s9 =	sadd.s32 s11, s5;
	s11 =	simm.s32 $0x4;
	v3 =	vadd.s32 s14, v0;
	s12 =	sadd.s32 $0x0, s15;
	v4 =	vadd.s32 s30, v0;
	[tilespmem:s7+$0x0] =	vst v6  }
.LBB2_21:
0x160: {  	s26 =	sadd.s32 $0x4, s26;
	s17 =	sadd.s32 $0x200, s17;
	s5 =	smov.u32 s25  }
0x161: {  	v6 =	vadd.s32 s12, v0;
	v7 =	vld.idx.msk [tilespmem:v5+s23+$0x0], $0xffff;
	[tilespmem:s10+$0x0] =	vst v2;
	s7 =	smov.u32 s2;
	s10 =	smov.u32 s4;
	s4 =	sshll.u32 s11, $0x4  }
0x162: {  	s12 =	sand.u32 $0x4, s26;
	p1 =	slt.u32 s26, $0x7C;
	s2 =	sand.u32 $0x2000, s17;
	[tilespmem:s9+$0x0] =	vst v1  }
0x163: {  	s4 =	sand.u32 $0x380, s4;
	s13 =	sor.u32 $0x3, s12;
	s2 =	sshrl.u32 s2, $0x2  }
0x164: {  	s11 =	sshrl.u32 s26, $0x3;
	s9 =	smul.u32 $0x110, s13;
	s2 =	sadd.s32 s2, s16;
	v8 =	vld.idx.msk [tilespmem:v3+s23+$0x0], $0xffff  }
0x165: {  	s14 =	sadd.s32 s4, s2;
	v2 =	vld.idx.msk [tilespmem:v4+s23+$0x0], $0xffff;
	s2 =	sshll.u32 s24, $0x4;
	s4 =	sor.u32 $0x1, s12  }
0x166: {  	s9 =	sadd.s32 s11, s9;
	v1 =	vld.idx.msk [tilespmem:v6+s23+$0x0], $0xffff;
	s2 =	sadd.s32 s2, s14;
	s15 =	smul.u32 $0x110, s4  }
.Ltmp9:
0x167: {  	s25 =	sshll.u32 s4, $0x4;
	s4 =	sor.u32 $0x2, s12;
	v5 =	vadd.s32 s9, v0;
	[tilespmem:s2+$0x0] =	vst v7;
	(pc) =	sbr.rel @p1 .LBB2_21-.Ltmp9, $4  }
0x168: {  	s2 =	sshll.u32 s12, $0x4;
	s24 =	smul.u32 $0x110, s4;
	s4 =	sshll.u32 s4, $0x4  }
0x169: {  	s12 =	smul.u32 $0x110, s12;
	s9 =	sadd.s32 s7, s14;
	s15 =	sadd.s32 s11, s15  }
0x16a: {  	s5 =	sadd.s32 s5, s14;
	s10 =	sadd.s32 s10, s14;
	v3 =	vadd.s32 s15, v0;
	s7 =	sadd.s32 s11, s24  }
0x16b: {  	s12 =	sadd.s32 s11, s12;
	s11 =	smov.u32 s26;
	s24 =	smov.u32 s13;
	v4 =	vadd.s32 s7, v0;
	[tilespmem:s5+$0x0] =	vst v8  }
0x16c: {  	_ =	sdelay $0x1  }
0x16d: {  	v6 =	vadd.s32 s12, v0  }
0x16e: {  	s5 =	sadd.s32 $0x200, s17  }
0x16f: {  	v5 =	vld.idx.msk [tilespmem:v5+s23+$0x0], $0xffff;
	s5 =	sand.u32 $0x2000, s5  }
0x170: {  	s7 =	sshll.u32 s11, $0x4;
	v3 =	vld.idx.msk [tilespmem:v3+s23+$0x0], $0xffff;
	s5 =	sshrl.u32 s5, $0x2  }
0x171: {  	v4 =	vld.idx.msk [tilespmem:v4+s23+$0x0], $0xffff;
	s7 =	sand.u32 $0x380, s7;
	s5 =	sadd.s32 s5, s16  }
0x172: {  	[tilespmem:s10+$0x0] =	vst v2;
	s26 =	sshll.u32 s24, $0x4;
	s5 =	sadd.s32 s7, s5;
	v2 =	vld.idx.msk [tilespmem:v6+s23+$0x0], $0xffff  }
0x173: {  	[tilespmem:s9+$0x0] =	vst v1;
	s7 =	sadd.s32 s26, s5  }
0x174: {  	s30 =	sadd.s32 s25, s5;
	[tilespmem:s7+$0x0] =	vst v5  }
0x175: {  	s4 =	sadd.s32 s4, s5;
	[tilespmem:s30+$0x0] =	vst v3  }
0x176: {  	s2 =	sadd.s32 s2, s5;
	[tilespmem:s4+$0x0] =	vst v4  }
0x177: {  	[tilespmem:s2+$0x0] =	vst v2  }
0x178: {  	v1 =	vld [tilespmem:s21+$0x10]  }
0x179: {  	v2 =	vld [tilespmem:s6+$0xFFFFFF40]  }
0x17a: {  	v3 =	vld [tilespmem:s6+$0x0]  }
0x17b: {  	v5 =	vld [tilespmem:s6+$0xFFFFFFC0];
	_ =	sdelay $0x1  }
0x17c: {  	v6 =	vld [tilespmem:s6+$0xFFFFFF80]  }
0x17d: {  	s4 =	sadd.s32 $0x100, s6;
	v7 =	vadd.f32 v2, v1  }
0x17e: {  	s2 =	simm.s32 $0x13422;
	v4 =	vld [tilespmem:s4+$0xFFFFFF40];
	v8 =	vadd.f32 v3, v1  }
0x17f: {  	v2 =	vld [tilespmem:s4+$0x0];
	[tilespmem:s2+$0xFFFFFFDE] =	vst v7;
	v7 =	vadd.f32 v5, v1  }
0x180: {  	v3 =	vld [tilespmem:s4+$0xFFFFFFC0];
	[tilespmem:s2+$0x11] =	vst v8  }
0x181: {  	s6 =	simm.s32 $0x4;
	v6 =	vadd.f32 v6, v1;
	v5 =	vld [tilespmem:s4+$0xFFFFFF80];
	[tilespmem:s2+$0x0] =	vst v7  }
.LBB2_23:
0x182: {  	s6 =	sadd.s32 $0x4, s6  }
0x183: {  	[tilespmem:s2+$0xFFFFFFEF] =	vst v6;
	s2 =	sadd.s32 $0x44, s2;
	p1 =	slt.u32 s6, $0x7C  }
.Ltmp10:
0x184: {  	s4 =	sadd.s32 $0x100, s4;
	v6 =	vadd.f32 v4, v1;
	(pc) =	sbr.rel @p1 .LBB2_23-.Ltmp10, $4  }
0x185: {  	v4 =	vld [tilespmem:s4+$0xFFFFFF40];
	v7 =	vadd.f32 v2, v1  }
0x186: {  	v2 =	vld [tilespmem:s4+$0x0];
	[tilespmem:s2+$0xFFFFFFDE] =	vst v6;
	v8 =	vadd.f32 v3, v1  }
0x187: {  	v3 =	vld [tilespmem:s4+$0xFFFFFFC0];
	v6 =	vadd.f32 v5, v1;
	[tilespmem:s2+$0x11] =	vst v7  }
0x188: {  	v5 =	vld [tilespmem:s4+$0xFFFFFF80];
	[tilespmem:s2+$0x0] =	vst v8  }
0x189: {  	s17 =	simm.s32 $0x0  }
0x18a: {  	[tilespmem:s2+$0xFFFFFFEF] =	vst v6;
	s16 =	sadd.s32 $0x44, s2;
	s2 =	sand.u32 $0x4, s17  }
0x18b: {  	s4 =	sor.u32 $0x3, s2  }
0x18c: {  	v4 =	vadd.f32 v4, v1;
	v2 =	vadd.f32 v2, v1;
	s5 =	smul.u32 $0x110, s4  }
0x18d: {  	s7 =	sor.u32 $0x1, s2;
	v3 =	vadd.f32 v3, v1;
	v1 =	vadd.f32 v5, v1  }
0x18e: {  	s9 =	smul.u32 $0x110, s7;
	s5 =	sadd.s32 $0x0, s5  }
0x18f: {  	s6 =	sadd.s32 $0xC800, s1;
	s13 =	simm.s32 $0x0;
	s10 =	sor.u32 $0x2, s2;
	[tilespmem:s16+$0xFFFFFFEF] =	vst v1;
	v1 =	vadd.s32 s5, v0  }
0x190: {  	s17 =	simm.s32 $0x4;
	s24 =	smul.u32 $0x110, s10;
	s9 =	sadd.s32 $0x0, s9  }
0x191: {  	s13 =	sand.u32 $0x380, s13;
	s11 =	sshll.u32 s2, $0x4;
	s2 =	smul.u32 $0x110, s2;
	[tilespmem:s16+$0x11] =	vst v2;
	v2 =	vadd.s32 s9, v0  }
0x192: {  	[tilespmem:s16+$0xFFFFFFDE] =	vst v4;
	s7 =	sshll.u32 s7, $0x4;
	s10 =	sshll.u32 s10, $0x4;
	s5 =	sadd.s32 $0x0, s24  }
0x193: {  	s2 =	sadd.s32 $0x0, s2;
	[tilespmem:s16+$0x0] =	vst v3;
	s16 =	simm.s32 $0x0;
	s9 =	sand.u32 $0x4, s17;
	v3 =	vadd.s32 s5, v0  }
0x194: {  	s25 =	sshll.u32 s4, $0x4;
	v4 =	vadd.s32 s2, v0;
	s12 =	sand.u32 $0x2000, s16;
	s24 =	sor.u32 $0x3, s9;
	v1 =	vld.idx.msk [tilespmem:v1+s23+$0x0], $0xffff  }
0x195: {  	s26 =	sor.u32 $0x1, s9;
	s12 =	sshrl.u32 s12, $0x2;
	s14 =	smul.u32 $0x110, s24  }
0x196: {  	s15 =	sor.u32 $0x2, s9;
	s2 =	sshll.u32 s9, $0x4;
	s12 =	sadd.s32 s12, s6;
	v6 =	vld.idx.msk [tilespmem:v2+s23+$0x0], $0xffff  }
0x197: {  	s30 =	smul.u32 $0x110, s26;
	s5 =	sadd.s32 s13, s12;
	s12 =	sadd.s32 $0x0, s14  }
0x198: {  	s13 =	sadd.s32 s25, s5;
	s25 =	sshll.u32 s26, $0x4;
	s26 =	smul.u32 $0x110, s15;
	v5 =	vadd.s32 s12, v0;
	v2 =	vld.idx.msk [tilespmem:v3+s23+$0x0], $0xffff  }
0x199: {  	s4 =	sshll.u32 s15, $0x4;
	s14 =	sadd.s32 $0x0, s30;
	s15 =	smul.u32 $0x110, s9;
	[tilespmem:s13+$0x0] =	vst v1;
	v1 =	vld.idx.msk [tilespmem:v4+s23+$0x0], $0xffff  }
0x19a: {  	s9 =	sadd.s32 s11, s5;
	s7 =	sadd.s32 s7, s5;
	s30 =	sadd.s32 $0x0, s26  }
0x19b: {  	s10 =	sadd.s32 s10, s5;
	s11 =	simm.s32 $0x4;
	v3 =	vadd.s32 s14, v0;
	s12 =	sadd.s32 $0x0, s15;
	v4 =	vadd.s32 s30, v0;
	[tilespmem:s7+$0x0] =	vst v6  }
.LBB2_25:
0x19c: {  	s17 =	sadd.s32 $0x4, s17;
	s16 =	sadd.s32 $0x200, s16;
	s5 =	smov.u32 s25  }
0x19d: {  	v6 =	vadd.s32 s12, v0;
	v7 =	vld.idx.msk [tilespmem:v5+s23+$0x0], $0xffff;
	[tilespmem:s10+$0x0] =	vst v2;
	s7 =	smov.u32 s2;
	s10 =	smov.u32 s4;
	s4 =	sshll.u32 s11, $0x4  }
0x19e: {  	s12 =	sand.u32 $0x4, s17;
	p1 =	slt.u32 s17, $0x7C;
	s2 =	sand.u32 $0x2000, s16;
	[tilespmem:s9+$0x0] =	vst v1  }
0x19f: {  	s4 =	sand.u32 $0x380, s4;
	s13 =	sor.u32 $0x3, s12;
	s2 =	sshrl.u32 s2, $0x2  }
0x1a0: {  	s11 =	sshrl.u32 s17, $0x3;
	s9 =	smul.u32 $0x110, s13;
	s2 =	sadd.s32 s2, s6;
	v8 =	vld.idx.msk [tilespmem:v3+s23+$0x0], $0xffff  }
0x1a1: {  	s14 =	sadd.s32 s4, s2;
	v2 =	vld.idx.msk [tilespmem:v4+s23+$0x0], $0xffff;
	s2 =	sshll.u32 s24, $0x4;
	s4 =	sor.u32 $0x1, s12  }
0x1a2: {  	s9 =	sadd.s32 s11, s9;
	v1 =	vld.idx.msk [tilespmem:v6+s23+$0x0], $0xffff;
	s2 =	sadd.s32 s2, s14;
	s15 =	smul.u32 $0x110, s4  }
.Ltmp11:
0x1a3: {  	s25 =	sshll.u32 s4, $0x4;
	s4 =	sor.u32 $0x2, s12;
	v5 =	vadd.s32 s9, v0;
	[tilespmem:s2+$0x0] =	vst v7;
	(pc) =	sbr.rel @p1 .LBB2_25-.Ltmp11, $4  }
0x1a4: {  	s2 =	sshll.u32 s12, $0x4;
	s24 =	smul.u32 $0x110, s4;
	s4 =	sshll.u32 s4, $0x4  }
0x1a5: {  	s12 =	smul.u32 $0x110, s12;
	s9 =	sadd.s32 s7, s14;
	s15 =	sadd.s32 s11, s15  }
0x1a6: {  	s5 =	sadd.s32 s5, s14;
	s10 =	sadd.s32 s10, s14;
	v3 =	vadd.s32 s15, v0;
	s7 =	sadd.s32 s11, s24  }
0x1a7: {  	s12 =	sadd.s32 s11, s12;
	s11 =	smov.u32 s17;
	s24 =	smov.u32 s13;
	v4 =	vadd.s32 s7, v0;
	[tilespmem:s5+$0x0] =	vst v8  }
0x1a8: {  	_ =	sdelay $0x1  }
0x1a9: {  	v6 =	vadd.s32 s12, v0  }
0x1aa: {  	s5 =	sadd.s32 $0x200, s16  }
0x1ab: {  	v5 =	vld.idx.msk [tilespmem:v5+s23+$0x0], $0xffff;
	s5 =	sand.u32 $0x2000, s5  }
0x1ac: {  	s7 =	sshll.u32 s11, $0x4;
	v3 =	vld.idx.msk [tilespmem:v3+s23+$0x0], $0xffff;
	s5 =	sshrl.u32 s5, $0x2  }
0x1ad: {  	v4 =	vld.idx.msk [tilespmem:v4+s23+$0x0], $0xffff;
	s7 =	sand.u32 $0x380, s7;
	s5 =	sadd.s32 s5, s6  }
0x1ae: {  	[tilespmem:s10+$0x0] =	vst v2;
	s26 =	sshll.u32 s24, $0x4;
	s5 =	sadd.s32 s7, s5;
	v2 =	vld.idx.msk [tilespmem:v6+s23+$0x0], $0xffff  }
0x1af: {  	[tilespmem:s9+$0x0] =	vst v1;
	s6 =	sadd.s32 s26, s5  }
0x1b0: {  	s30 =	sadd.s32 s25, s5;
	[tilespmem:s6+$0x0] =	vst v5  }
0x1b1: {  	s4 =	sadd.s32 s4, s5;
	[tilespmem:s30+$0x0] =	vst v3  }
0x1b2: {  	s2 =	sadd.s32 s2, s5;
	[tilespmem:s4+$0x0] =	vst v4  }
0x1b3: {  	[tilespmem:s2+$0x0] =	vst v2  }
0x1b4: {  	v1 =	vld [tilespmem:s21+$0x20]  }
0x1b5: {  	v2 =	vld [tilespmem:s18+$0xFFFFFF40]  }
0x1b6: {  	v3 =	vld [tilespmem:s18+$0x0]  }
0x1b7: {  	v5 =	vld [tilespmem:s18+$0xFFFFFFC0];
	_ =	sdelay $0x1  }
0x1b8: {  	v6 =	vld [tilespmem:s18+$0xFFFFFF80]  }
0x1b9: {  	s4 =	sadd.s32 $0x100, s18;
	v7 =	vadd.f32 v2, v1  }
0x1ba: {  	s2 =	simm.s32 $0x13422;
	v4 =	vld [tilespmem:s4+$0xFFFFFF40];
	v8 =	vadd.f32 v3, v1  }
0x1bb: {  	v2 =	vld [tilespmem:s4+$0x0];
	[tilespmem:s2+$0xFFFFFFDE] =	vst v7;
	v7 =	vadd.f32 v5, v1  }
0x1bc: {  	v3 =	vld [tilespmem:s4+$0xFFFFFFC0];
	[tilespmem:s2+$0x11] =	vst v8  }
0x1bd: {  	s6 =	simm.s32 $0x4;
	v6 =	vadd.f32 v6, v1;
	v5 =	vld [tilespmem:s4+$0xFFFFFF80];
	[tilespmem:s2+$0x0] =	vst v7  }
.LBB2_27:
0x1be: {  	s6 =	sadd.s32 $0x4, s6  }
0x1bf: {  	[tilespmem:s2+$0xFFFFFFEF] =	vst v6;
	s2 =	sadd.s32 $0x44, s2;
	p1 =	slt.u32 s6, $0x7C  }
.Ltmp12:
0x1c0: {  	s4 =	sadd.s32 $0x100, s4;
	v6 =	vadd.f32 v4, v1;
	(pc) =	sbr.rel @p1 .LBB2_27-.Ltmp12, $4  }
0x1c1: {  	v4 =	vld [tilespmem:s4+$0xFFFFFF40];
	v7 =	vadd.f32 v2, v1  }
0x1c2: {  	v2 =	vld [tilespmem:s4+$0x0];
	[tilespmem:s2+$0xFFFFFFDE] =	vst v6;
	v8 =	vadd.f32 v3, v1  }
0x1c3: {  	v3 =	vld [tilespmem:s4+$0xFFFFFFC0];
	v6 =	vadd.f32 v5, v1;
	[tilespmem:s2+$0x11] =	vst v7  }
0x1c4: {  	v5 =	vld [tilespmem:s4+$0xFFFFFF80];
	[tilespmem:s2+$0x0] =	vst v8  }
0x1c5: {  	s18 =	simm.s32 $0x0  }
0x1c6: {  	[tilespmem:s2+$0xFFFFFFEF] =	vst v6;
	s17 =	sadd.s32 $0x44, s2;
	s2 =	sand.u32 $0x4, s18  }
0x1c7: {  	s4 =	sor.u32 $0x3, s2  }
0x1c8: {  	v4 =	vadd.f32 v4, v1;
	v2 =	vadd.f32 v2, v1;
	s5 =	smul.u32 $0x110, s4  }
0x1c9: {  	s7 =	sor.u32 $0x1, s2;
	v3 =	vadd.f32 v3, v1;
	v1 =	vadd.f32 v5, v1  }
0x1ca: {  	s9 =	smul.u32 $0x110, s7;
	s5 =	sadd.s32 $0x0, s5  }
0x1cb: {  	s6 =	sadd.s32 $0xD800, s1;
	s16 =	simm.s32 $0x0;
	s10 =	sor.u32 $0x2, s2;
	[tilespmem:s17+$0xFFFFFFEF] =	vst v1;
	v1 =	vadd.s32 s5, v0  }
0x1cc: {  	s13 =	simm.s32 $0x0;
	[tilespmem:s17+$0xFFFFFFDE] =	vst v4;
	s24 =	smul.u32 $0x110, s10;
	s9 =	sadd.s32 $0x0, s9  }
0x1cd: {  	s12 =	sand.u32 $0x2000, s16;
	s11 =	sshll.u32 s2, $0x4;
	s2 =	smul.u32 $0x110, s2;
	[tilespmem:s17+$0x11] =	vst v2;
	v2 =	vadd.s32 s9, v0  }
0x1ce: {  	s13 =	sand.u32 $0x380, s13;
	[tilespmem:s17+$0x0] =	vst v3;
	s17 =	simm.s32 $0x4;
	s5 =	sadd.s32 $0x0, s24  }
0x1cf: {  	s12 =	sshrl.u32 s12, $0x2;
	s2 =	sadd.s32 $0x0, s2;
	s9 =	sand.u32 $0x4, s17;
	v3 =	vadd.s32 s5, v0  }
0x1d0: {  	s7 =	sshll.u32 s7, $0x4;
	s12 =	sadd.s32 s12, s6;
	v4 =	vadd.s32 s2, v0;
	s18 =	sor.u32 $0x3, s9;
	v1 =	vld.idx.msk [tilespmem:v1+s23+$0x0], $0xffff  }
0x1d1: {  	s25 =	sshll.u32 s4, $0x4;
	s5 =	sadd.s32 s13, s12;
	s14 =	smul.u32 $0x110, s18  }
0x1d2: {  	s10 =	sshll.u32 s10, $0x4;
	s26 =	sor.u32 $0x1, s9;
	s13 =	sadd.s32 s25, s5;
	v6 =	vld.idx.msk [tilespmem:v2+s23+$0x0], $0xffff  }
0x1d3: {  	s15 =	sor.u32 $0x2, s9;
	s30 =	smul.u32 $0x110, s26;
	s12 =	sadd.s32 $0x0, s14  }
0x1d4: {  	s2 =	sshll.u32 s9, $0x4;
	s7 =	sadd.s32 s7, s5;
	s25 =	smul.u32 $0x110, s15;
	v5 =	vadd.s32 s12, v0;
	v2 =	vld.idx.msk [tilespmem:v3+s23+$0x0], $0xffff  }
0x1d5: {  	s10 =	sadd.s32 s10, s5;
	s24 =	sshll.u32 s26, $0x4;
	s26 =	smul.u32 $0x110, s9;
	[tilespmem:s13+$0x0] =	vst v1;
	v1 =	vld.idx.msk [tilespmem:v4+s23+$0x0], $0xffff  }
0x1d6: {  	s4 =	sshll.u32 s15, $0x4;
	s14 =	sadd.s32 $0x0, s30;
	s30 =	sadd.s32 $0x0, s25  }
0x1d7: {  	s9 =	sadd.s32 s11, s5;
	s11 =	simm.s32 $0x4;
	v3 =	vadd.s32 s14, v0;
	s12 =	sadd.s32 $0x0, s26;
	v4 =	vadd.s32 s30, v0;
	[tilespmem:s7+$0x0] =	vst v6  }
.LBB2_29:
0x1d8: {  	s17 =	sadd.s32 $0x4, s17;
	s16 =	sadd.s32 $0x200, s16;
	s5 =	smov.u32 s24  }
0x1d9: {  	v6 =	vadd.s32 s12, v0;
	v7 =	vld.idx.msk [tilespmem:v5+s23+$0x0], $0xffff;
	[tilespmem:s10+$0x0] =	vst v2;
	s7 =	smov.u32 s2;
	s10 =	smov.u32 s4;
	s4 =	sshll.u32 s11, $0x4  }
0x1da: {  	s12 =	sand.u32 $0x4, s17;
	p1 =	slt.u32 s17, $0x7C;
	s2 =	sand.u32 $0x2000, s16;
	[tilespmem:s9+$0x0] =	vst v1  }
0x1db: {  	s4 =	sand.u32 $0x380, s4;
	s13 =	sor.u32 $0x3, s12;
	s2 =	sshrl.u32 s2, $0x2  }
0x1dc: {  	s11 =	sshrl.u32 s17, $0x3;
	s9 =	smul.u32 $0x110, s13;
	s2 =	sadd.s32 s2, s6;
	v8 =	vld.idx.msk [tilespmem:v3+s23+$0x0], $0xffff  }
0x1dd: {  	s14 =	sadd.s32 s4, s2;
	v2 =	vld.idx.msk [tilespmem:v4+s23+$0x0], $0xffff;
	s2 =	sshll.u32 s18, $0x4;
	s4 =	sor.u32 $0x1, s12  }
0x1de: {  	s9 =	sadd.s32 s11, s9;
	v1 =	vld.idx.msk [tilespmem:v6+s23+$0x0], $0xffff;
	s2 =	sadd.s32 s2, s14;
	s15 =	smul.u32 $0x110, s4  }
.Ltmp13:
0x1df: {  	s24 =	sshll.u32 s4, $0x4;
	s4 =	sor.u32 $0x2, s12;
	v5 =	vadd.s32 s9, v0;
	[tilespmem:s2+$0x0] =	vst v7;
	(pc) =	sbr.rel @p1 .LBB2_29-.Ltmp13, $4  }
0x1e0: {  	s2 =	sshll.u32 s12, $0x4;
	s18 =	smul.u32 $0x110, s4;
	s4 =	sshll.u32 s4, $0x4  }
0x1e1: {  	s12 =	smul.u32 $0x110, s12;
	s9 =	sadd.s32 s7, s14;
	s15 =	sadd.s32 s11, s15  }
0x1e2: {  	s5 =	sadd.s32 s5, s14;
	s10 =	sadd.s32 s10, s14;
	v3 =	vadd.s32 s15, v0;
	s7 =	sadd.s32 s11, s18  }
0x1e3: {  	s12 =	sadd.s32 s11, s12;
	s11 =	smov.u32 s17;
	s18 =	smov.u32 s13;
	v4 =	vadd.s32 s7, v0;
	[tilespmem:s5+$0x0] =	vst v8  }
0x1e4: {  	_ =	sdelay $0x1  }
0x1e5: {  	v6 =	vadd.s32 s12, v0  }
0x1e6: {  	s5 =	sadd.s32 $0x200, s16  }
0x1e7: {  	v5 =	vld.idx.msk [tilespmem:v5+s23+$0x0], $0xffff;
	s5 =	sand.u32 $0x2000, s5  }
0x1e8: {  	s7 =	sshll.u32 s11, $0x4;
	v3 =	vld.idx.msk [tilespmem:v3+s23+$0x0], $0xffff;
	s5 =	sshrl.u32 s5, $0x2  }
0x1e9: {  	v4 =	vld.idx.msk [tilespmem:v4+s23+$0x0], $0xffff;
	s7 =	sand.u32 $0x380, s7;
	s5 =	sadd.s32 s5, s6  }
0x1ea: {  	[tilespmem:s10+$0x0] =	vst v2;
	s26 =	sshll.u32 s18, $0x4;
	s5 =	sadd.s32 s7, s5;
	v2 =	vld.idx.msk [tilespmem:v6+s23+$0x0], $0xffff  }
0x1eb: {  	[tilespmem:s9+$0x0] =	vst v1;
	s6 =	sadd.s32 s26, s5  }
0x1ec: {  	s30 =	sadd.s32 s24, s5;
	[tilespmem:s6+$0x0] =	vst v5  }
0x1ed: {  	s4 =	sadd.s32 s4, s5;
	[tilespmem:s30+$0x0] =	vst v3  }
0x1ee: {  	s2 =	sadd.s32 s2, s5;
	[tilespmem:s4+$0x0] =	vst v4  }
0x1ef: {  	[tilespmem:s2+$0x0] =	vst v2  }
0x1f0: {  	v1 =	vld [tilespmem:s21+$0x30]  }
0x1f1: {  	v2 =	vld [tilespmem:s20+$0xFFFFFF40]  }
0x1f2: {  	v3 =	vld [tilespmem:s20+$0x0]  }
0x1f3: {  	v5 =	vld [tilespmem:s20+$0xFFFFFFC0];
	_ =	sdelay $0x1  }
0x1f4: {  	v6 =	vld [tilespmem:s20+$0xFFFFFF80]  }
0x1f5: {  	s4 =	sadd.s32 $0x100, s20;
	v7 =	vadd.f32 v2, v1  }
0x1f6: {  	s2 =	simm.s32 $0x13422;
	v4 =	vld [tilespmem:s4+$0xFFFFFF40];
	v8 =	vadd.f32 v3, v1  }
0x1f7: {  	v2 =	vld [tilespmem:s4+$0x0];
	[tilespmem:s2+$0xFFFFFFDE] =	vst v7;
	v7 =	vadd.f32 v5, v1  }
0x1f8: {  	v3 =	vld [tilespmem:s4+$0xFFFFFFC0];
	[tilespmem:s2+$0x11] =	vst v8  }
0x1f9: {  	s6 =	simm.s32 $0x4;
	v6 =	vadd.f32 v6, v1;
	v5 =	vld [tilespmem:s4+$0xFFFFFF80];
	[tilespmem:s2+$0x0] =	vst v7  }
.LBB2_31:
0x1fa: {  	s6 =	sadd.s32 $0x4, s6  }
0x1fb: {  	[tilespmem:s2+$0xFFFFFFEF] =	vst v6;
	s2 =	sadd.s32 $0x44, s2;
	p1 =	slt.u32 s6, $0x7C  }
.Ltmp14:
0x1fc: {  	s4 =	sadd.s32 $0x100, s4;
	v6 =	vadd.f32 v4, v1;
	(pc) =	sbr.rel @p1 .LBB2_31-.Ltmp14, $4  }
0x1fd: {  	v4 =	vld [tilespmem:s4+$0xFFFFFF40];
	v7 =	vadd.f32 v2, v1  }
0x1fe: {  	v2 =	vld [tilespmem:s4+$0x0];
	[tilespmem:s2+$0xFFFFFFDE] =	vst v6;
	v8 =	vadd.f32 v3, v1  }
0x1ff: {  	v3 =	vld [tilespmem:s4+$0xFFFFFFC0];
	v6 =	vadd.f32 v5, v1;
	[tilespmem:s2+$0x11] =	vst v7  }
0x200: {  	v5 =	vld [tilespmem:s4+$0xFFFFFF80];
	[tilespmem:s2+$0x0] =	vst v8  }
0x201: {  	s20 =	simm.s32 $0x0  }
0x202: {  	[tilespmem:s2+$0xFFFFFFEF] =	vst v6;
	s18 =	sadd.s32 $0x44, s2;
	s2 =	sand.u32 $0x4, s20  }
0x203: {  	s4 =	sor.u32 $0x3, s2  }
0x204: {  	v4 =	vadd.f32 v4, v1;
	v2 =	vadd.f32 v2, v1;
	s5 =	smul.u32 $0x110, s4  }
0x205: {  	s7 =	sor.u32 $0x1, s2;
	v3 =	vadd.f32 v3, v1;
	v1 =	vadd.f32 v5, v1  }
0x206: {  	s9 =	smul.u32 $0x110, s7;
	s5 =	sadd.s32 $0x0, s5  }
0x207: {  	s6 =	sadd.s32 $0xE800, s1;
	s16 =	simm.s32 $0x0;
	s10 =	sor.u32 $0x2, s2;
	[tilespmem:s18+$0xFFFFFFEF] =	vst v1;
	v1 =	vadd.s32 s5, v0  }
0x208: {  	s17 =	simm.s32 $0x4;
	s21 =	smul.u32 $0x110, s10;
	s9 =	sadd.s32 $0x0, s9  }
0x209: {  	s13 =	simm.s32 $0x0;
	s11 =	sshll.u32 s2, $0x4;
	s2 =	smul.u32 $0x110, s2;
	[tilespmem:s18+$0x11] =	vst v2;
	v2 =	vadd.s32 s9, v0  }
0x20a: {  	s24 =	sand.u32 $0x4, s17;
	s12 =	sand.u32 $0x2000, s16;
	[tilespmem:s18+$0xFFFFFFDE] =	vst v4;
	s5 =	sadd.s32 $0x0, s21  }
0x20b: {  	s13 =	sand.u32 $0x380, s13;
	s12 =	sshrl.u32 s12, $0x2;
	s2 =	sadd.s32 $0x0, s2;
	[tilespmem:s18+$0x0] =	vst v3;
	v3 =	vadd.s32 s5, v0  }
0x20c: {  	s26 =	sor.u32 $0x1, s24;
	s20 =	sshll.u32 s24, $0x4;
	v4 =	vadd.s32 s2, v0;
	s18 =	sor.u32 $0x3, s24;
	v1 =	vld.idx.msk [tilespmem:v1+s23+$0x0], $0xffff  }
0x20d: {  	s7 =	sshll.u32 s7, $0x4;
	s12 =	sadd.s32 s12, s6;
	s14 =	smul.u32 $0x110, s18  }
0x20e: {  	s25 =	sshll.u32 s4, $0x4;
	s30 =	smul.u32 $0x110, s26;
	s5 =	sadd.s32 s13, s12;
	v6 =	vld.idx.msk [tilespmem:v2+s23+$0x0], $0xffff  }
0x20f: {  	s13 =	sadd.s32 s25, s5;
	s25 =	sor.u32 $0x2, s24;
	s12 =	sadd.s32 $0x0, s14  }
0x210: {  	s10 =	sshll.u32 s10, $0x4;
	s21 =	sshll.u32 s26, $0x4;
	s15 =	smul.u32 $0x110, s25;
	v5 =	vadd.s32 s12, v0;
	v2 =	vld.idx.msk [tilespmem:v3+s23+$0x0], $0xffff  }
0x211: {  	s26 =	sadd.s32 $0x0, s30;
	s24 =	smul.u32 $0x110, s24;
	s4 =	sadd.s32 s11, s5;
	[tilespmem:s13+$0x0] =	vst v1;
	v1 =	vld.idx.msk [tilespmem:v4+s23+$0x0], $0xffff  }
0x212: {  	s7 =	sadd.s32 s7, s5;
	s9 =	sadd.s32 s10, s5;
	s30 =	sadd.s32 $0x0, s15  }
0x213: {  	s10 =	simm.s32 $0x4;
	s2 =	sshll.u32 s25, $0x4;
	s11 =	sadd.s32 $0x0, s24;
	v3 =	vadd.s32 s26, v0;
	v4 =	vadd.s32 s30, v0;
	[tilespmem:s7+$0x0] =	vst v6  }
.LBB2_33:
0x214: {  	s17 =	sadd.s32 $0x4, s17;
	s16 =	sadd.s32 $0x200, s16;
	s5 =	smov.u32 s21  }
0x215: {  	v6 =	vadd.s32 s11, v0;
	v7 =	vld.idx.msk [tilespmem:v5+s23+$0x0], $0xffff;
	[tilespmem:s9+$0x0] =	vst v2;
	s7 =	smov.u32 s20;
	s9 =	smov.u32 s2;
	s11 =	sand.u32 $0x4, s17  }
0x216: {  	p1 =	slt.u32 s17, $0x7C;
	s2 =	sand.u32 $0x2000, s16;
	[tilespmem:s4+$0x0] =	vst v1;
	s4 =	sshll.u32 s10, $0x4  }
0x217: {  	s13 =	sshrl.u32 s17, $0x3;
	s12 =	sor.u32 $0x3, s11;
	s2 =	sshrl.u32 s2, $0x2  }
0x218: {  	s4 =	sand.u32 $0x380, s4;
	s10 =	smul.u32 $0x110, s12;
	s2 =	sadd.s32 s2, s6;
	v8 =	vld.idx.msk [tilespmem:v3+s23+$0x0], $0xffff  }
0x219: {  	s14 =	sadd.s32 s4, s2;
	v2 =	vld.idx.msk [tilespmem:v4+s23+$0x0], $0xffff;
	s2 =	sshll.u32 s18, $0x4;
	s4 =	sor.u32 $0x1, s11  }
0x21a: {  	s10 =	sadd.s32 s13, s10;
	v1 =	vld.idx.msk [tilespmem:v6+s23+$0x0], $0xffff;
	s2 =	sadd.s32 s2, s14;
	s15 =	smul.u32 $0x110, s4  }
.Ltmp15:
0x21b: {  	s21 =	sshll.u32 s4, $0x4;
	s4 =	sor.u32 $0x2, s11;
	v5 =	vadd.s32 s10, v0;
	[tilespmem:s2+$0x0] =	vst v7;
	(pc) =	sbr.rel @p1 .LBB2_33-.Ltmp15, $4  }
0x21c: {  	s20 =	sshll.u32 s11, $0x4;
	s10 =	smul.u32 $0x110, s4;
	s2 =	sshll.u32 s4, $0x4  }
0x21d: {  	s11 =	smul.u32 $0x110, s11;
	s4 =	sadd.s32 s7, s14;
	s15 =	sadd.s32 s13, s15  }
0x21e: {  	s5 =	sadd.s32 s5, s14;
	s9 =	sadd.s32 s9, s14;
	v3 =	vadd.s32 s15, v0;
	s7 =	sadd.s32 s13, s10  }
0x21f: {  	s18 =	smov.u32 s12;
	s11 =	sadd.s32 s13, s11;
	s10 =	smov.u32 s17;
	v4 =	vadd.s32 s7, v0;
	[tilespmem:s5+$0x0] =	vst v8  }
0x220: {  	_ =	sdelay $0x2  }
0x221: {  	v6 =	vadd.s32 s11, v0;
	s5 =	sadd.s32 $0x200, s16  }
0x222: {  	v5 =	vld.idx.msk [tilespmem:v5+s23+$0x0], $0xffff;
	s5 =	sand.u32 $0x2000, s5  }
0x223: {  	s7 =	sshll.u32 s10, $0x4;
	s5 =	sshrl.u32 s5, $0x2  }
0x224: {  	v3 =	vld.idx.msk [tilespmem:v3+s23+$0x0], $0xffff;
	s7 =	sand.u32 $0x380, s7;
	s5 =	sadd.s32 s5, s6  }
0x225: {  	v4 =	vld.idx.msk [tilespmem:v4+s23+$0x0], $0xffff;
	[tilespmem:s9+$0x0] =	vst v2;
	s9 =	sshll.u32 s18, $0x4;
	s5 =	sadd.s32 s7, s5  }
0x226: {  	[tilespmem:s4+$0x0] =	vst v1;
	v2 =	vld.idx.msk [tilespmem:v6+s23+$0x0], $0xffff;
	s10 =	sadd.s32 s9, s5  }
0x227: {  	[tilespmem:s10+$0x0] =	vst v5  }
0x228: {  	s11 =	sadd.s32 s21, s5;
	s12 =	rddreg [dreg:$0x11]  }
0x229: {  	s2 =	sadd.s32 s2, s5;
	[tilespmem:s11+$0x0] =	vst v3;
	s6 =	sshll.u32 s12, $0x8  }
0x22a: {  	s13 =	sshll.u32 s31, $0xF;
	s5 =	sadd.s32 s20, s5;
	[tilespmem:s2+$0x0] =	vst v4;
	s6 =	sand.u32 $0xF00, s6  }
0x22b: {  	s16 =	rddreg [dreg:$0x1];
	s14 =	sor.u32 s6, s13;
	[tilespmem:s5+$0x0] =	vst v2  }
0x22c: {  	s15 =	sadd.s32 $0x3, s29;
	s5 =	sadd.s32 s16, s14;
	s17 =	rddreg [dreg:$0x8]  }
0x22d: {  	[hbm4b:s5+s3] =	stream.linear.scatter [tilespmem:s0], [sflag:s15], $0x800, $0x38;
	[tilespmem:$0x13C80] =	vst v63  }
0x22e: {  	s18 =	sor.u32 $0xBC00, s1;
	s20 =	rddreg [dreg:$0x9];
	s0 =	sadd.s32 s14, s17  }
0x22f: {  	[hbm4b:s0+s3] =	stream.linear.scatter [tilespmem:s18], [sflag:s15], $0x800, $0x38;
	[tilespmem:$0x13C80] =	vst v63  }
0x230: {  	s21 =	rddreg [dreg:$0xa];
	s0 =	sadd.s32 s14, s20  }
0x231: {  	[hbm4b:s0+s3] =	stream.linear.scatter [tilespmem:s22], [sflag:s15], $0x800, $0x38;
	[tilespmem:$0x13C80] =	vst v63  }
0x232: {  	s24 =	rddreg [dreg:$0xb];
	s0 =	sadd.s32 s14, s21;
	s22 =	sadd.s32 $0xCC00, s1  }
0x233: {  	[hbm4b:s0+s3] =	stream.linear.scatter [tilespmem:s22], [sflag:s15], $0x800, $0x38;
	[tilespmem:$0x13C80] =	vst v63  }
0x234: {  	s25 =	rddreg [dreg:$0xc];
	s0 =	sadd.s32 s14, s24  }
0x235: {  	[hbm4b:s0+s3] =	stream.linear.scatter [tilespmem:s19], [sflag:s15], $0x800, $0x38;
	[tilespmem:$0x13C80] =	vst v63  }
0x236: {  	s26 =	sadd.s32 $0xDC00, s1;
	p1 =	sne.s32 s28, $0x64;
	s0 =	sadd.s32 s14, s25  }
0x237: {  	[hbm4b:s0+s3] =	stream.linear.scatter [tilespmem:s26], [sflag:s15], $0x800, $0x38;
	[tilespmem:$0x13C80] =	vst v63  }
.Ltmp16:
0x238: {  	s29 =	rddreg [dreg:$0xd];
	(pc) =	sbr.rel @p1 .LBB2_2-.Ltmp16, $4  }
0x239: {  	s30 =	rddreg [dreg:$0xe];
	s0 =	sadd.s32 s14, s29  }
0x23a: {  	[hbm4b:s0+s3] =	stream.linear.scatter [tilespmem:s8], [sflag:s15], $0x800, $0x38;
	[tilespmem:$0x13C80] =	vst v63  }
0x23b: {  	s31 =	sadd.s32 $0xEC00, s1;
	p0 =	por !p0, !p0;
	s0 =	sadd.s32 s14, s30  }
0x23c: {  	[hbm4b:s0+s3] =	stream.linear.scatter [tilespmem:s31], [sflag:s15], $0x800, $0x38;
	[tilespmem:$0x13C80] =	vst v63  }
0x23d: {  	s0 =	simm.s32 $0x3  }
0x23e: {  	_ =	swait.ge [sflag:s0], $0x800  }
0x23f: {  	[sflag:s0] =	ssyncset.done $0x0  }
0x240: {  	[sflag:s0] =	ssyncadd.s32 $0xFFFFF800  }
0x241: {  	_ =	swait.ge [sflag:s0], $0x800  }
0x242: {  	[sflag:s0] =	ssyncset.done $0x0  }
0x243: {  	[sflag:s0] =	ssyncadd.s32 $0xFFFFF800  }
0x244: {  	_ =	swait.ge [sflag:s0], $0x800  }
0x245: {  	[sflag:s0] =	ssyncset.done $0x0  }
0x246: {  	[sflag:s0] =	ssyncadd.s32 $0xFFFFF800  }
0x247: {  	_ =	swait.ge [sflag:s0], $0x800  }
0x248: {  	[sflag:s0] =	ssyncset.done $0x0  }
0x249: {  	[sflag:s0] =	ssyncadd.s32 $0xFFFFF800  }
0x24a: {  	_ =	swait.ge [sflag:s0], $0x800  }
0x24b: {  	[sflag:s0] =	ssyncset.done $0x0  }
0x24c: {  	[sflag:s0] =	ssyncadd.s32 $0xFFFFF800  }
0x24d: {  	_ =	swait.ge [sflag:s0], $0x800  }
0x24e: {  	[sflag:s0] =	ssyncset.done $0x0  }
0x24f: {  	[sflag:s0] =	ssyncadd.s32 $0xFFFFF800  }
0x250: {  	_ =	swait.ge [sflag:s0], $0x800  }
0x251: {  	[sflag:s0] =	ssyncset.done $0x0  }
0x252: {  	[sflag:s0] =	ssyncadd.s32 $0xFFFFF800  }
0x253: {  	_ =	swait.ge [sflag:s0], $0x800  }
0x254: {  	[sflag:s0] =	ssyncset.done $0x0  }
0x255: {  	s1 =	simm.s32 $0x4;
	[sflag:s0] =	ssyncadd.s32 $0xFFFFF800  }
0x256: {  	_ =	swait.ge [sflag:s1], $0x800  }
0x257: {  	[sflag:s1] =	ssyncset.done $0x0  }
0x258: {  	[sflag:s1] =	ssyncadd.s32 $0xFFFFF800  }
0x259: {  	_ =	swait.ge [sflag:s1], $0x800  }
0x25a: {  	[sflag:s1] =	ssyncset.done $0x0  }
0x25b: {  	[sflag:s1] =	ssyncadd.s32 $0xFFFFF800  }
0x25c: {  	_ =	swait.ge [sflag:s1], $0x800  }
0x25d: {  	[sflag:s1] =	ssyncset.done $0x0  }
0x25e: {  	[sflag:s1] =	ssyncadd.s32 $0xFFFFF800  }
0x25f: {  	_ =	swait.ge [sflag:s1], $0x800  }
0x260: {  	[sflag:s1] =	ssyncset.done $0x0  }
0x261: {  	[sflag:s1] =	ssyncadd.s32 $0xFFFFF800  }
0x262: {  	_ =	swait.ge [sflag:s1], $0x800  }
0x263: {  	[sflag:s1] =	ssyncset.done $0x0  }
0x264: {  	[sflag:s1] =	ssyncadd.s32 $0xFFFFF800  }
0x265: {  	_ =	swait.ge [sflag:s1], $0x800  }
0x266: {  	[sflag:s1] =	ssyncset.done $0x0  }
0x267: {  	[sflag:s1] =	ssyncadd.s32 $0xFFFFF800  }
0x268: {  	_ =	swait.ge [sflag:s1], $0x800  }
0x269: {  	[sflag:s1] =	ssyncset.done $0x0  }
0x26a: {  	[sflag:s1] =	ssyncadd.s32 $0xFFFFF800  }
0x26b: {  	_ =	swait.ge [sflag:s1], $0x800  }
0x26c: {  	s2 =	rddreg [dreg:$0x10]  }
0x26d: {  	s31 =	rddreg [dreg:$0xf];
	s2 =	sadd.s32 $0x1, s2  }
0x26e: {  	p0 =	sne.s32 s2, s31  }
.Ltmp17:
0x26f: {  	_ = 	snop;
	(pc) =	sbr.rel @p0 .LBB2_1-.Ltmp17, $3  }
0x270: {  	_ =	sdelay $0x1  }
0x271: {  	[sflag:s1] =	ssyncset.done $0x0  }
0x272: {  	[sflag:s1] =	ssyncadd.s32 $0xFFFFF800  }
0x273: {  	_ =	sfence.sel $0x180000  }
0x274: {  	[bflag:$0x0] =	sbarrier.arrive $0xFFFF  }
0x275: {  	_ =	strace $0x90000047  }
0x276: {  	s0 =	stileid.u32;
	[bflag:$0x2] =	sbarrier.arrive $0xFFFF  }
0x277: {  	p0 =	sne.s32 s0, $0x0;
	s0 =	rddreg [dreg:$0x2]  }
0x278: {  	s0 =	sadd.s32 @!p0 $0x100000, s0  }
0x279: {  	[sflag:s0] =	ssyncadd.tile.s32 @!p0 $0x1;
	_ =	shalt  }
.Lfunc_end2:
_tile_overlayer_lowered:
.L_overlay_start_2:
0x27a: {  	(tag) =	ssettag $0x2  }
0x27b: {  	s0 =	rddreg [dreg:$0x0];
	s2 =	stileid.u32  }
0x27c: {  	s1 =	rddreg [dreg:$0x1];
	p0 =	sne.s32 s2, $0x0  }
0x27d: {  	s3 =	rddreg [dreg:$0x2];
	[bflag:$0x3] =	sbarrier.arrive $0xFFFF;
	s2 =	simm.s32 @!p0 $0x1C05  }
0x27e: {  	[timem:s3], [sflag:s2] =	dma.local @!p0 [hbm:s0], s1  }
0x27f: {  	s0 =	simm.s32 @!p0 $0x5  }
0x280: {  	_ =	swait.ge @!p0 [sflag:s0], s1  }
0x281: {  	s1 =	ssub.s32 @!p0 $0x0, s1;
	[sflag:s0] =	ssyncset.done @!p0 $0x0  }
0x282: {  	[sflag:s0] =	ssyncadd.s32 @!p0 s1  }
0x283: {  	[bflag:$0x3] =	sbarrier.arrive $0xFFFF  }
0x284: {  	_ =	shalt  }

</sc_bundles>
